<compile_context>
chip_gen: v7x
topology: tpu7x:2x2x1
jax: 0.10.2.dev20260603
libtpu: 0.0.44.dev20260713+nightly
codegen_flags: <defaults>
</compile_context>

<pallas_src>
import functools

import jax
import jax.numpy as jnp
from jax import lax
from jax.experimental import pallas as pl
from jax.experimental.pallas import tpu as pltpu
from jax.experimental.pallas import tpu_sc as plsc

N, D, B = 320000, 128, 10000
B2 = 10240
NC, NS = 2, 16
NW = NC * NS
ROWS_PER_W = N // NW
CHUNK = 80
NCHUNK = ROWS_PER_W // CHUNK
NBUF = 3
B_PER_TILE = B2 // NS

_mesh = plsc.VectorSubcoreMesh(core_axis_name="c", subcore_axis_name="s")


def _zero_acc(zeros_hbm, rows_v, acc_s, t0):
  pltpu.sync_copy(zeros_hbm.at[pl.ds(0, CHUNK)], rows_v)
  for k in range(B_PER_TILE // CHUNK):
    pltpu.sync_copy(rows_v, acc_s.at[pl.ds(t0 + k * CHUNK, CHUNK)])


def _drain_acc(acc_s, rows_v, out_hbm_core, t0):
  for k in range(B_PER_TILE // CHUNK):
    tk = pl.multiple_of(t0 + k * CHUNK, 8)
    pltpu.sync_copy(acc_s.at[pl.ds(tk, CHUNK)], rows_v)
    pltpu.sync_copy(rows_v, out_hbm_core.at[pl.ds(tk, CHUNK)])


@functools.partial(
    pl.kernel,
    out_type=jax.ShapeDtypeStruct((NC, B2, D), jnp.float32),
    mesh=_mesh,
    scratch_types=[
        pltpu.VMEM((NBUF, CHUNK, D), jnp.float32),
        pltpu.VMEM((NCHUNK, CHUNK), jnp.int32),
        pltpu.VMEM_SHARED((B2, D), jnp.float32),
    ] + [pltpu.SemaphoreType.DMA] * NBUF,
)
def _sc_sums(x_hbm, ids_hbm, zeros_hbm, sums_hbm,
             rows_v, ids_v, acc_s, *sems):
  c = lax.axis_index("c")
  s = lax.axis_index("s")
  wid = c * NS + s
  t0 = pl.multiple_of(s * B_PER_TILE, 8)

  pltpu.sync_copy(ids_hbm.at[wid], ids_v)
  _zero_acc(zeros_hbm, rows_v.at[0], acc_s, t0)
  plsc.subcore_barrier()

  base = wid * ROWS_PER_W

  def _start_load(j, b):
    off = pl.multiple_of(base + jnp.minimum(j, NCHUNK - 1) * CHUNK, CHUNK)
    pltpu.async_copy(x_hbm.at[pl.ds(off, CHUNK)], rows_v.at[b], sems[b])

  def _wait_load(b):
    pltpu.make_async_copy(
        x_hbm.at[pl.ds(0, CHUNK)], rows_v.at[b], sems[b]).wait()

  for b in range(NBUF):
    _start_load(b, b)

  NFULL = (NCHUNK - 2) // NBUF

  def body(g, carry):
    for b in range(NBUF):
      j = NBUF * g + b
      _wait_load(b)
      pltpu.sync_copy(rows_v.at[b], acc_s.at[ids_v.at[j]], add=True)
      _start_load(j + NBUF, b)
    return carry

  lax.fori_loop(0, NFULL, body, 0)
  for b in range(NBUF):
    j = NBUF * NFULL + b
    _wait_load(b)
    if j < NCHUNK:
      pltpu.sync_copy(rows_v.at[b], acc_s.at[ids_v.at[j]], add=True)
  plsc.subcore_barrier()
  _drain_acc(acc_s, rows_v.at[0], sums_hbm.at[c], t0)


@functools.partial(
    pl.kernel,
    out_type=jax.ShapeDtypeStruct((NC, B2, D), jnp.float32),
    mesh=_mesh,
    scratch_types=[
        pltpu.VMEM((CHUNK, D), jnp.float32),
        pltpu.VMEM((CHUNK, D), jnp.float32),
        pltpu.VMEM((NCHUNK, CHUNK), jnp.int32),
        pltpu.VMEM_SHARED((B2, D), jnp.float32),
        pltpu.SemaphoreType.DMA,
    ],
)
def _sc_counts(ids_hbm, zeros_hbm, ones_hbm, counts_hbm,
               rows_v, ones_v, ids_v, acc_s, sem):
  c = lax.axis_index("c")
  s = lax.axis_index("s")
  wid = c * NS + s
  t0 = pl.multiple_of(s * B_PER_TILE, 8)

  pltpu.sync_copy(ids_hbm.at[wid], ids_v)
  _zero_acc(zeros_hbm, rows_v, acc_s, t0)
  pltpu.sync_copy(ones_hbm, ones_v)
  plsc.subcore_barrier()

  def _start_scatter(j):
    pltpu.async_copy(ones_v, acc_s.at[ids_v.at[j]], sem, add=True)

  def _wait_scatter():
    pltpu.make_async_copy(ones_v, acc_s.at[ids_v.at[0]], sem).wait()

  _start_scatter(0)
  _start_scatter(1)

  def body(j, carry):
    _start_scatter(j + 2)
    _wait_scatter()
    return carry

  lax.fori_loop(0, NCHUNK - 2, body, 0)
  _wait_scatter()
  _wait_scatter()
  plsc.subcore_barrier()
  _drain_acc(acc_s, rows_v, counts_hbm.at[c], t0)


_BLK = 1024


def _combine_body(s_ref, c_ref, o_ref):
  total = s_ref[0] + s_ref[1]
  cnt = c_ref[0, :, 0:1] + c_ref[1, :, 0:1]
  o_ref[...] = total / jnp.maximum(cnt, 1.0)


_combine = pl.pallas_call(
    _combine_body,
    grid=(B2 // _BLK,),
    in_specs=[
        pl.BlockSpec((NC, _BLK, D), lambda i: (0, i, 0)),
        pl.BlockSpec((NC, _BLK, D), lambda i: (0, i, 0)),
    ],
    out_specs=pl.BlockSpec((_BLK, D), lambda i: (i, 0)),
    out_shape=jax.ShapeDtypeStruct((B2, D), jnp.float32),
)


@jax.jit
def kernel(X_cells, cell_to_batch, sample_idx_batch):
  del sample_idx_batch
  ids = cell_to_batch.astype(jnp.int32).reshape(NW, NCHUNK, CHUNK)
  zeros = jnp.zeros((CHUNK, D), jnp.float32)
  ones = jnp.ones((CHUNK, D), jnp.float32)
  sums = _sc_sums(X_cells, ids, zeros)
  counts = _sc_counts(ids, zeros, ones)
  return _combine(sums, counts)[:B]

# --- scband reference (transcript-rebuilt; emitter-appended) ---
"""Pipeline reference for scband-aggregator-16741782520619 (READ-ONLY COPY).

The authoritative reference and input builder live on the scoring server;
editing this copy changes nothing except your own understanding.
"""

import jax, jax.numpy as jnp
import numpy as np

N, D, B = 320000, 128, 10000


def setup_inputs(seed: int = 0) -> dict:
    key = jax.random.key(seed)
    k1, k2 = jax.random.split(key)
    X_cells = jax.random.normal(k1, (N, D), dtype=jnp.float32)
    cell_to_batch = jnp.sort(jax.random.randint(k2, (N,), 0, B))
    sample_idx_batch = jnp.arange(B)
    return {"X_cells": X_cells, "cell_to_batch": cell_to_batch, "sample_idx_batch": sample_idx_batch}


def reference(X_cells, cell_to_batch, sample_idx_batch):
    mode = 'mean'
    Bn = sample_idx_batch.shape[0]
    Dn = X_cells.shape[1]
    # fast path: ids already in [0, B)
    in_range = (jnp.max(cell_to_batch) < Bn) & (jnp.min(cell_to_batch) >= 0)
    out_fast = jnp.zeros((Bn, Dn), dtype=X_cells.dtype).at[cell_to_batch].add(X_cells)
    if mode == 'mean':
        counts = jnp.clip(jnp.bincount(cell_to_batch, length=Bn), 1).astype(out_fast.dtype)[:, None]
        out_fast = out_fast / counts
    # general path: map arbitrary sample ids via sorted search
    order = jnp.argsort(sample_idx_batch)
    ids_sorted = sample_idx_batch[order]
    pos_sorted = jnp.searchsorted(ids_sorted, cell_to_batch, side='left')
    pos_sorted = jnp.clip(pos_sorted, 0, Bn - 1)
    ok = ids_sorted[pos_sorted] == cell_to_batch
    out_sorted = jnp.zeros((Bn, Dn), dtype=X_cells.dtype).at[pos_sorted].add(X_cells)
    inv_order = jnp.zeros((Bn,), dtype=order.dtype).at[order].set(jnp.arange(Bn, dtype=order.dtype))
    out_general = out_sorted[inv_order]
    if mode == 'mean':
        counts_sorted = jnp.clip(jnp.bincount(pos_sorted, length=Bn), 1).astype(out_general.dtype)[:, None]
        out_general = out_general / counts_sorted[inv_order]
    out_general = jnp.where(jnp.all(ok), out_general, jnp.nan)
    return jnp.where(in_range, out_fast, out_general)

if __name__ == "__main__":
    import jax
    _d = setup_inputs()
    print(jax.jit(kernel)(*tuple(_d.values())))

</pallas_src>

<mosaic_0001>
#map = affine_map<(d0, d1) -> (0, 0, 0)>
#map1 = affine_map<(d0, d1) -> (0, 0)>
module attributes {stable_mosaic.version = 14 : i64} {
  func.func @_sc_counts(%arg0: i32, %arg1: i32, %arg2: memref<32x125x80xi32, #tpu.memory_space<hbm>>, %arg3: memref<80x128xf32, #tpu.memory_space<hbm>>, %arg4: memref<80x128xf32, #tpu.memory_space<hbm>>, %arg5: memref<2x10240x128xf32, #tpu.memory_space<hbm>>, %arg6: memref<80x128xf32, #tpu.memory_space<vmem>>, %arg7: memref<80x128xf32, #tpu.memory_space<vmem>>, %arg8: memref<125x80xi32, #tpu.memory_space<vmem>>, %arg9: memref<10240x128xf32, #tpu.memory_space<vmem_shared>>, %arg10: memref<!tpu.dma_semaphore, #tpu.memory_space<semaphore_mem>>) attributes {dimension_semantics = [#tpu.dimension_semantics<core_parallel>, #tpu.dimension_semantics<subcore_parallel>], iteration_bounds = array<i64: 2, 16>, scalar_prefetch = 0 : i64, scratch_operands = 5 : i64, tpu.core_type = #tpu.core_type<sc_vector_subcore>, window_params = [{transform_indices = #map}, {transform_indices = #map1}, {transform_indices = #map1}, {transform_indices = #map}]} {
    %mul3A = arith.constant 16 : i32
    %mul3A_0 = arith.muli %arg0, %mul3A : i32
    %add3A = arith.addi %mul3A_0, %arg1 : i32
    %mul3A_1 = arith.constant 640 : i32
    %mul3A_2 = arith.muli %arg1, %mul3A_1 : i32
    %multiple_of3A = tpu.assume_multiple %mul3A_2, 8 : i32
    "tpu.region"() ({
      %run_scoped3A = tpu.sem_alloc : memref<!tpu.dma_semaphore, #tpu.memory_space<semaphore_mem>>
      %dma_start3A_75 = arith.constant 0 : i32
      %dma_start3A_76 = arith.constant 0 : i32
      %dma_start3A_77 = tpu.memref_slice %arg2[%add3A, %dma_start3A_75, %dma_start3A_76] : memref<32x125x80xi32, #tpu.memory_space<hbm>> -> memref<1x125x80xi32, #tpu.memory_space<hbm>>
      %dma_start3A_78 = tpu.memref_squeeze %dma_start3A_77 : memref<1x125x80xi32, #tpu.memory_space<hbm>> -> memref<125x80xi32, #tpu.memory_space<hbm>>
      %dma_start3A_79 = arith.constant 0 : i32
      %dma_start3A_80 = arith.constant 0 : i32
      %dma_start3A_81 = tpu.memref_slice %arg2[%add3A, %dma_start3A_79, %dma_start3A_80] : memref<32x125x80xi32, #tpu.memory_space<hbm>> -> memref<1x125x80xi32, #tpu.memory_space<hbm>>
      %dma_start3A_82 = tpu.memref_squeeze %dma_start3A_81 : memref<1x125x80xi32, #tpu.memory_space<hbm>> -> memref<125x80xi32, #tpu.memory_space<hbm>>
      tpu.enqueue_dma source(%dma_start3A_82 : memref<125x80xi32, #tpu.memory_space<hbm>>) target(%arg8 : memref<125x80xi32, #tpu.memory_space<vmem>>) target_semaphore(%run_scoped3A : memref<!tpu.dma_semaphore, #tpu.memory_space<semaphore_mem>>)
      %dma_wait3A_83 = arith.constant 0 : i32
      %dma_wait3A_84 = arith.constant 0 : i32
      %dma_wait3A_85 = tpu.memref_slice %arg2[%add3A, %dma_wait3A_83, %dma_wait3A_84] : memref<32x125x80xi32, #tpu.memory_space<hbm>> -> memref<1x125x80xi32, #tpu.memory_space<hbm>>
      %dma_wait3A_86 = tpu.memref_squeeze %dma_wait3A_85 : memref<1x125x80xi32, #tpu.memory_space<hbm>> -> memref<125x80xi32, #tpu.memory_space<hbm>>
      %dma_wait3A_87 = arith.constant 0 : i32
      %dma_wait3A_88 = arith.constant 0 : i32
      %dma_wait3A_89 = tpu.memref_slice %arg2[%add3A, %dma_wait3A_87, %dma_wait3A_88] : memref<32x125x80xi32, #tpu.memory_space<hbm>> -> memref<1x125x80xi32, #tpu.memory_space<hbm>>
      %dma_wait3A_90 = tpu.memref_squeeze %dma_wait3A_89 : memref<1x125x80xi32, #tpu.memory_space<hbm>> -> memref<125x80xi32, #tpu.memory_space<hbm>>
      tpu.wait_dma2 semaphore(%run_scoped3A : memref<!tpu.dma_semaphore, #tpu.memory_space<semaphore_mem>>) src(%dma_wait3A_90 : memref<125x80xi32, #tpu.memory_space<hbm>>) dst(%arg8 : memref<125x80xi32, #tpu.memory_space<vmem>>)
      tpu.yield
    }) : () -> ()
    "tpu.region"() ({
      %run_scoped3A = tpu.sem_alloc : memref<!tpu.dma_semaphore, #tpu.memory_space<semaphore_mem>>
      %dma_start3A_75 = arith.constant 0 : i32
      %dma_start3A_76 = arith.constant 0 : i32
      %dma_start3A_77 = tpu.memref_slice %arg3[%dma_start3A_75, %dma_start3A_76] : memref<80x128xf32, #tpu.memory_space<hbm>> -> memref<80x128xf32, #tpu.memory_space<hbm>>
      %dma_start3A_78 = arith.constant 0 : i32
      %dma_start3A_79 = arith.constant 0 : i32
      %dma_start3A_80 = tpu.memref_slice %arg3[%dma_start3A_78, %dma_start3A_79] : memref<80x128xf32, #tpu.memory_space<hbm>> -> memref<80x128xf32, #tpu.memory_space<hbm>>
      tpu.enqueue_dma source(%dma_start3A_80 : memref<80x128xf32, #tpu.memory_space<hbm>>) target(%arg6 : memref<80x128xf32, #tpu.memory_space<vmem>>) target_semaphore(%run_scoped3A : memref<!tpu.dma_semaphore, #tpu.memory_space<semaphore_mem>>)
      %dma_wait3A_81 = arith.constant 0 : i32
      %dma_wait3A_82 = arith.constant 0 : i32
      %dma_wait3A_83 = tpu.memref_slice %arg3[%dma_wait3A_81, %dma_wait3A_82] : memref<80x128xf32, #tpu.memory_space<hbm>> -> memref<80x128xf32, #tpu.memory_space<hbm>>
      %dma_wait3A_84 = arith.constant 0 : i32
      %dma_wait3A_85 = arith.constant 0 : i32
      %dma_wait3A_86 = tpu.memref_slice %arg3[%dma_wait3A_84, %dma_wait3A_85] : memref<80x128xf32, #tpu.memory_space<hbm>> -> memref<80x128xf32, #tpu.memory_space<hbm>>
      tpu.wait_dma2 semaphore(%run_scoped3A : memref<!tpu.dma_semaphore, #tpu.memory_space<semaphore_mem>>) src(%dma_wait3A_86 : memref<80x128xf32, #tpu.memory_space<hbm>>) dst(%arg6 : memref<80x128xf32, #tpu.memory_space<vmem>>)
      tpu.yield
    }) : () -> ()
    %add3A_3 = arith.constant 0 : i32
    %add3A_4 = arith.addi %multiple_of3A, %add3A_3 : i32
    "tpu.region"() ({
      %run_scoped3A = tpu.sem_alloc : memref<!tpu.dma_semaphore, #tpu.memory_space<semaphore_mem>>
      %dma_start3A_75 = arith.constant 0 : i32
      %dma_start3A_76 = tpu.memref_slice %arg9[%add3A_4, %dma_start3A_75] : memref<10240x128xf32, #tpu.memory_space<vmem_shared>> -> memref<80x128xf32, #tpu.memory_space<vmem_shared>>
      %dma_start3A_77 = arith.constant 0 : i32
      %dma_start3A_78 = tpu.memref_slice %arg9[%add3A_4, %dma_start3A_77] : memref<10240x128xf32, #tpu.memory_space<vmem_shared>> -> memref<80x128xf32, #tpu.memory_space<vmem_shared>>
      tpu.enqueue_dma source(%arg6 : memref<80x128xf32, #tpu.memory_space<vmem>>) target(%dma_start3A_78 : memref<80x128xf32, #tpu.memory_space<vmem_shared>>) target_semaphore(%run_scoped3A : memref<!tpu.dma_semaphore, #tpu.memory_space<semaphore_mem>>)
      %dma_wait3A_79 = arith.constant 0 : i32
      %dma_wait3A_80 = tpu.memref_slice %arg9[%add3A_4, %dma_wait3A_79] : memref<10240x128xf32, #tpu.memory_space<vmem_shared>> -> memref<80x128xf32, #tpu.memory_space<vmem_shared>>
      %dma_wait3A_81 = arith.constant 0 : i32
      %dma_wait3A_82 = tpu.memref_slice %arg9[%add3A_4, %dma_wait3A_81] : memref<10240x128xf32, #tpu.memory_space<vmem_shared>> -> memref<80x128xf32, #tpu.memory_space<vmem_shared>>
      tpu.wait_dma2 semaphore(%run_scoped3A : memref<!tpu.dma_semaphore, #tpu.memory_space<semaphore_mem>>) src(%arg6 : memref<80x128xf32, #tpu.memory_space<vmem>>) dst(%dma_wait3A_82 : memref<80x128xf32, #tpu.memory_space<vmem_shared>>)
      tpu.yield
    }) : () -> ()
    %add3A_5 = arith.constant 80 : i32
    %add3A_6 = arith.addi %multiple_of3A, %add3A_5 : i32
    "tpu.region"() ({
      %run_scoped3A = tpu.sem_alloc : memref<!tpu.dma_semaphore, #tpu.memory_space<semaphore_mem>>
      %dma_start3A_75 = arith.constant 0 : i32
      %dma_start3A_76 = tpu.memref_slice %arg9[%add3A_6, %dma_start3A_75] : memref<10240x128xf32, #tpu.memory_space<vmem_shared>> -> memref<80x128xf32, #tpu.memory_space<vmem_shared>>
      %dma_start3A_77 = arith.constant 0 : i32
      %dma_start3A_78 = tpu.memref_slice %arg9[%add3A_6, %dma_start3A_77] : memref<10240x128xf32, #tpu.memory_space<vmem_shared>> -> memref<80x128xf32, #tpu.memory_space<vmem_shared>>
      tpu.enqueue_dma source(%arg6 : memref<80x128xf32, #tpu.memory_space<vmem>>) target(%dma_start3A_78 : memref<80x128xf32, #tpu.memory_space<vmem_shared>>) target_semaphore(%run_scoped3A : memref<!tpu.dma_semaphore, #tpu.memory_space<semaphore_mem>>)
      %dma_wait3A_79 = arith.constant 0 : i32
      %dma_wait3A_80 = tpu.memref_slice %arg9[%add3A_6, %dma_wait3A_79] : memref<10240x128xf32, #tpu.memory_space<vmem_shared>> -> memref<80x128xf32, #tpu.memory_space<vmem_shared>>
      %dma_wait3A_81 = arith.constant 0 : i32
      %dma_wait3A_82 = tpu.memref_slice %arg9[%add3A_6, %dma_wait3A_81] : memref<10240x128xf32, #tpu.memory_space<vmem_shared>> -> memref<80x128xf32, #tpu.memory_space<vmem_shared>>
      tpu.wait_dma2 semaphore(%run_scoped3A : memref<!tpu.dma_semaphore, #tpu.memory_space<semaphore_mem>>) src(%arg6 : memref<80x128xf32, #tpu.memory_space<vmem>>) dst(%dma_wait3A_82 : memref<80x128xf32, #tpu.memory_space<vmem_shared>>)
      tpu.yield
    }) : () -> ()
    %add3A_7 = arith.constant 160 : i32
    %add3A_8 = arith.addi %multiple_of3A, %add3A_7 : i32
    "tpu.region"() ({
      %run_scoped3A = tpu.sem_alloc : memref<!tpu.dma_semaphore, #tpu.memory_space<semaphore_mem>>
      %dma_start3A_75 = arith.constant 0 : i32
      %dma_start3A_76 = tpu.memref_slice %arg9[%add3A_8, %dma_start3A_75] : memref<10240x128xf32, #tpu.memory_space<vmem_shared>> -> memref<80x128xf32, #tpu.memory_space<vmem_shared>>
      %dma_start3A_77 = arith.constant 0 : i32
      %dma_start3A_78 = tpu.memref_slice %arg9[%add3A_8, %dma_start3A_77] : memref<10240x128xf32, #tpu.memory_space<vmem_shared>> -> memref<80x128xf32, #tpu.memory_space<vmem_shared>>
      tpu.enqueue_dma source(%arg6 : memref<80x128xf32, #tpu.memory_space<vmem>>) target(%dma_start3A_78 : memref<80x128xf32, #tpu.memory_space<vmem_shared>>) target_semaphore(%run_scoped3A : memref<!tpu.dma_semaphore, #tpu.memory_space<semaphore_mem>>)
      %dma_wait3A_79 = arith.constant 0 : i32
      %dma_wait3A_80 = tpu.memref_slice %arg9[%add3A_8, %dma_wait3A_79] : memref<10240x128xf32, #tpu.memory_space<vmem_shared>> -> memref<80x128xf32, #tpu.memory_space<vmem_shared>>
      %dma_wait3A_81 = arith.constant 0 : i32
      %dma_wait3A_82 = tpu.memref_slice %arg9[%add3A_8, %dma_wait3A_81] : memref<10240x128xf32, #tpu.memory_space<vmem_shared>> -> memref<80x128xf32, #tpu.memory_space<vmem_shared>>
      tpu.wait_dma2 semaphore(%run_scoped3A : memref<!tpu.dma_semaphore, #tpu.memory_space<semaphore_mem>>) src(%arg6 : memref<80x128xf32, #tpu.memory_space<vmem>>) dst(%dma_wait3A_82 : memref<80x128xf32, #tpu.memory_space<vmem_shared>>)
      tpu.yield
    }) : () -> ()
    %add3A_9 = arith.constant 240 : i32
    %add3A_10 = arith.addi %multiple_of3A, %add3A_9 : i32
    "tpu.region"() ({
      %run_scoped3A = tpu.sem_alloc : memref<!tpu.dma_semaphore, #tpu.memory_space<semaphore_mem>>
      %dma_start3A_75 = arith.constant 0 : i32
      %dma_start3A_76 = tpu.memref_slice %arg9[%add3A_10, %dma_start3A_75] : memref<10240x128xf32, #tpu.memory_space<vmem_shared>> -> memref<80x128xf32, #tpu.memory_space<vmem_shared>>
      %dma_start3A_77 = arith.constant 0 : i32
      %dma_start3A_78 = tpu.memref_slice %arg9[%add3A_10, %dma_start3A_77] : memref<10240x128xf32, #tpu.memory_space<vmem_shared>> -> memref<80x128xf32, #tpu.memory_space<vmem_shared>>
      tpu.enqueue_dma source(%arg6 : memref<80x128xf32, #tpu.memory_space<vmem>>) target(%dma_start3A_78 : memref<80x128xf32, #tpu.memory_space<vmem_shared>>) target_semaphore(%run_scoped3A : memref<!tpu.dma_semaphore, #tpu.memory_space<semaphore_mem>>)
      %dma_wait3A_79 = arith.constant 0 : i32
      %dma_wait3A_80 = tpu.memref_slice %arg9[%add3A_10, %dma_wait3A_79] : memref<10240x128xf32, #tpu.memory_space<vmem_shared>> -> memref<80x128xf32, #tpu.memory_space<vmem_shared>>
      %dma_wait3A_81 = arith.constant 0 : i32
      %dma_wait3A_82 = tpu.memref_slice %arg9[%add3A_10, %dma_wait3A_81] : memref<10240x128xf32, #tpu.memory_space<vmem_shared>> -> memref<80x128xf32, #tpu.memory_space<vmem_shared>>
      tpu.wait_dma2 semaphore(%run_scoped3A : memref<!tpu.dma_semaphore, #tpu.memory_space<semaphore_mem>>) src(%arg6 : memref<80x128xf32, #tpu.memory_space<vmem>>) dst(%dma_wait3A_82 : memref<80x128xf32, #tpu.memory_space<vmem_shared>>)
      tpu.yield
    }) : () -> ()
    %add3A_11 = arith.constant 320 : i32
    %add3A_12 = arith.addi %multiple_of3A, %add3A_11 : i32
    "tpu.region"() ({
      %run_scoped3A = tpu.sem_alloc : memref<!tpu.dma_semaphore, #tpu.memory_space<semaphore_mem>>
      %dma_start3A_75 = arith.constant 0 : i32
      %dma_start3A_76 = tpu.memref_slice %arg9[%add3A_12, %dma_start3A_75] : memref<10240x128xf32, #tpu.memory_space<vmem_shared>> -> memref<80x128xf32, #tpu.memory_space<vmem_shared>>
      %dma_start3A_77 = arith.constant 0 : i32
      %dma_start3A_78 = tpu.memref_slice %arg9[%add3A_12, %dma_start3A_77] : memref<10240x128xf32, #tpu.memory_space<vmem_shared>> -> memref<80x128xf32, #tpu.memory_space<vmem_shared>>
      tpu.enqueue_dma source(%arg6 : memref<80x128xf32, #tpu.memory_space<vmem>>) target(%dma_start3A_78 : memref<80x128xf32, #tpu.memory_space<vmem_shared>>) target_semaphore(%run_scoped3A : memref<!tpu.dma_semaphore, #tpu.memory_space<semaphore_mem>>)
      %dma_wait3A_79 = arith.constant 0 : i32
      %dma_wait3A_80 = tpu.memref_slice %arg9[%add3A_12, %dma_wait3A_79] : memref<10240x128xf32, #tpu.memory_space<vmem_shared>> -> memref<80x128xf32, #tpu.memory_space<vmem_shared>>
      %dma_wait3A_81 = arith.constant 0 : i32
      %dma_wait3A_82 = tpu.memref_slice %arg9[%add3A_12, %dma_wait3A_81] : memref<10240x128xf32, #tpu.memory_space<vmem_shared>> -> memref<80x128xf32, #tpu.memory_space<vmem_shared>>
      tpu.wait_dma2 semaphore(%run_scoped3A : memref<!tpu.dma_semaphore, #tpu.memory_space<semaphore_mem>>) src(%arg6 : memref<80x128xf32, #tpu.memory_space<vmem>>) dst(%dma_wait3A_82 : memref<80x128xf32, #tpu.memory_space<vmem_shared>>)
      tpu.yield
    }) : () -> ()
    %add3A_13 = arith.constant 400 : i32
    %add3A_14 = arith.addi %multiple_of3A, %add3A_13 : i32
    "tpu.region"() ({
      %run_scoped3A = tpu.sem_alloc : memref<!tpu.dma_semaphore, #tpu.memory_space<semaphore_mem>>
      %dma_start3A_75 = arith.constant 0 : i32
      %dma_start3A_76 = tpu.memref_slice %arg9[%add3A_14, %dma_start3A_75] : memref<10240x128xf32, #tpu.memory_space<vmem_shared>> -> memref<80x128xf32, #tpu.memory_space<vmem_shared>>
      %dma_start3A_77 = arith.constant 0 : i32
      %dma_start3A_78 = tpu.memref_slice %arg9[%add3A_14, %dma_start3A_77] : memref<10240x128xf32, #tpu.memory_space<vmem_shared>> -> memref<80x128xf32, #tpu.memory_space<vmem_shared>>
      tpu.enqueue_dma source(%arg6 : memref<80x128xf32, #tpu.memory_space<vmem>>) target(%dma_start3A_78 : memref<80x128xf32, #tpu.memory_space<vmem_shared>>) target_semaphore(%run_scoped3A : memref<!tpu.dma_semaphore, #tpu.memory_space<semaphore_mem>>)
      %dma_wait3A_79 = arith.constant 0 : i32
      %dma_wait3A_80 = tpu.memref_slice %arg9[%add3A_14, %dma_wait3A_79] : memref<10240x128xf32, #tpu.memory_space<vmem_shared>> -> memref<80x128xf32, #tpu.memory_space<vmem_shared>>
      %dma_wait3A_81 = arith.constant 0 : i32
      %dma_wait3A_82 = tpu.memref_slice %arg9[%add3A_14, %dma_wait3A_81] : memref<10240x128xf32, #tpu.memory_space<vmem_shared>> -> memref<80x128xf32, #tpu.memory_space<vmem_shared>>
      tpu.wait_dma2 semaphore(%run_scoped3A : memref<!tpu.dma_semaphore, #tpu.memory_space<semaphore_mem>>) src(%arg6 : memref<80x128xf32, #tpu.memory_space<vmem>>) dst(%dma_wait3A_82 : memref<80x128xf32, #tpu.memory_space<vmem_shared>>)
      tpu.yield
    }) : () -> ()
    %add3A_15 = arith.constant 480 : i32
    %add3A_16 = arith.addi %multiple_of3A, %add3A_15 : i32
    "tpu.region"() ({
      %run_scoped3A = tpu.sem_alloc : memref<!tpu.dma_semaphore, #tpu.memory_space<semaphore_mem>>
      %dma_start3A_75 = arith.constant 0 : i32
      %dma_start3A_76 = tpu.memref_slice %arg9[%add3A_16, %dma_start3A_75] : memref<10240x128xf32, #tpu.memory_space<vmem_shared>> -> memref<80x128xf32, #tpu.memory_space<vmem_shared>>
      %dma_start3A_77 = arith.constant 0 : i32
      %dma_start3A_78 = tpu.memref_slice %arg9[%add3A_16, %dma_start3A_77] : memref<10240x128xf32, #tpu.memory_space<vmem_shared>> -> memref<80x128xf32, #tpu.memory_space<vmem_shared>>
      tpu.enqueue_dma source(%arg6 : memref<80x128xf32, #tpu.memory_space<vmem>>) target(%dma_start3A_78 : memref<80x128xf32, #tpu.memory_space<vmem_shared>>) target_semaphore(%run_scoped3A : memref<!tpu.dma_semaphore, #tpu.memory_space<semaphore_mem>>)
      %dma_wait3A_79 = arith.constant 0 : i32
      %dma_wait3A_80 = tpu.memref_slice %arg9[%add3A_16, %dma_wait3A_79] : memref<10240x128xf32, #tpu.memory_space<vmem_shared>> -> memref<80x128xf32, #tpu.memory_space<vmem_shared>>
      %dma_wait3A_81 = arith.constant 0 : i32
      %dma_wait3A_82 = tpu.memref_slice %arg9[%add3A_16, %dma_wait3A_81] : memref<10240x128xf32, #tpu.memory_space<vmem_shared>> -> memref<80x128xf32, #tpu.memory_space<vmem_shared>>
      tpu.wait_dma2 semaphore(%run_scoped3A : memref<!tpu.dma_semaphore, #tpu.memory_space<semaphore_mem>>) src(%arg6 : memref<80x128xf32, #tpu.memory_space<vmem>>) dst(%dma_wait3A_82 : memref<80x128xf32, #tpu.memory_space<vmem_shared>>)
      tpu.yield
    }) : () -> ()
    %add3A_17 = arith.constant 560 : i32
    %add3A_18 = arith.addi %multiple_of3A, %add3A_17 : i32
    "tpu.region"() ({
      %run_scoped3A = tpu.sem_alloc : memref<!tpu.dma_semaphore, #tpu.memory_space<semaphore_mem>>
      %dma_start3A_75 = arith.constant 0 : i32
      %dma_start3A_76 = tpu.memref_slice %arg9[%add3A_18, %dma_start3A_75] : memref<10240x128xf32, #tpu.memory_space<vmem_shared>> -> memref<80x128xf32, #tpu.memory_space<vmem_shared>>
      %dma_start3A_77 = arith.constant 0 : i32
      %dma_start3A_78 = tpu.memref_slice %arg9[%add3A_18, %dma_start3A_77] : memref<10240x128xf32, #tpu.memory_space<vmem_shared>> -> memref<80x128xf32, #tpu.memory_space<vmem_shared>>
      tpu.enqueue_dma source(%arg6 : memref<80x128xf32, #tpu.memory_space<vmem>>) target(%dma_start3A_78 : memref<80x128xf32, #tpu.memory_space<vmem_shared>>) target_semaphore(%run_scoped3A : memref<!tpu.dma_semaphore, #tpu.memory_space<semaphore_mem>>)
      %dma_wait3A_79 = arith.constant 0 : i32
      %dma_wait3A_80 = tpu.memref_slice %arg9[%add3A_18, %dma_wait3A_79] : memref<10240x128xf32, #tpu.memory_space<vmem_shared>> -> memref<80x128xf32, #tpu.memory_space<vmem_shared>>
      %dma_wait3A_81 = arith.constant 0 : i32
      %dma_wait3A_82 = tpu.memref_slice %arg9[%add3A_18, %dma_wait3A_81] : memref<10240x128xf32, #tpu.memory_space<vmem_shared>> -> memref<80x128xf32, #tpu.memory_space<vmem_shared>>
      tpu.wait_dma2 semaphore(%run_scoped3A : memref<!tpu.dma_semaphore, #tpu.memory_space<semaphore_mem>>) src(%arg6 : memref<80x128xf32, #tpu.memory_space<vmem>>) dst(%dma_wait3A_82 : memref<80x128xf32, #tpu.memory_space<vmem_shared>>)
      tpu.yield
    }) : () -> ()
    "tpu.region"() ({
      %run_scoped3A = tpu.sem_alloc : memref<!tpu.dma_semaphore, #tpu.memory_space<semaphore_mem>>
      tpu.enqueue_dma source(%arg4 : memref<80x128xf32, #tpu.memory_space<hbm>>) target(%arg7 : memref<80x128xf32, #tpu.memory_space<vmem>>) target_semaphore(%run_scoped3A : memref<!tpu.dma_semaphore, #tpu.memory_space<semaphore_mem>>)
      tpu.wait_dma2 semaphore(%run_scoped3A : memref<!tpu.dma_semaphore, #tpu.memory_space<semaphore_mem>>) src(%arg4 : memref<80x128xf32, #tpu.memory_space<hbm>>) dst(%arg7 : memref<80x128xf32, #tpu.memory_space<vmem>>)
      tpu.yield
    }) : () -> ()
    %barrier3A = arith.constant 0 : index
    tpu.barrier barrier_id(%barrier3A)
    %dma_start3A = arith.constant 0 : i32
    %dma_start3A_19 = arith.constant 0 : i32
    %dma_start3A_20 = tpu.memref_slice %arg8[%dma_start3A, %dma_start3A_19] : memref<125x80xi32, #tpu.memory_space<vmem>> -> memref<1x80xi32, #tpu.memory_space<vmem>>
    %dma_start3A_21 = tpu.memref_squeeze %dma_start3A_20 : memref<1x80xi32, #tpu.memory_space<vmem>> -> memref<80xi32, #tpu.memory_space<vmem>>
    %dma_start3A_22 = arith.constant 0 : i32
    %dma_start3A_23 = arith.constant 0 : i32
    %dma_start3A_24 = tpu.memref_slice %arg9[%dma_start3A_22, %dma_start3A_23] : memref<10240x128xf32, #tpu.memory_space<vmem_shared>> -> memref<10240x128xf32, #tpu.memory_space<vmem_shared>>
    tpu.enqueue_indirect_dma source(%arg7 : memref<80x128xf32, #tpu.memory_space<vmem>>) target(%dma_start3A_24 : memref<10240x128xf32, #tpu.memory_space<vmem_shared>>) offsets(%dma_start3A_21 : memref<80xi32, #tpu.memory_space<vmem>>) semaphore(%arg10 : memref<!tpu.dma_semaphore, #tpu.memory_space<semaphore_mem>>) {add = true}
    %dma_start3A_25 = arith.constant 1 : i32
    %dma_start3A_26 = arith.constant 0 : i32
    %dma_start3A_27 = tpu.memref_slice %arg8[%dma_start3A_25, %dma_start3A_26] : memref<125x80xi32, #tpu.memory_space<vmem>> -> memref<1x80xi32, #tpu.memory_space<vmem>>
    %dma_start3A_28 = tpu.memref_squeeze %dma_start3A_27 : memref<1x80xi32, #tpu.memory_space<vmem>> -> memref<80xi32, #tpu.memory_space<vmem>>
    %dma_start3A_29 = arith.constant 0 : i32
    %dma_start3A_30 = arith.constant 0 : i32
    %dma_start3A_31 = tpu.memref_slice %arg9[%dma_start3A_29, %dma_start3A_30] : memref<10240x128xf32, #tpu.memory_space<vmem_shared>> -> memref<10240x128xf32, #tpu.memory_space<vmem_shared>>
    tpu.enqueue_indirect_dma source(%arg7 : memref<80x128xf32, #tpu.memory_space<vmem>>) target(%dma_start3A_31 : memref<10240x128xf32, #tpu.memory_space<vmem_shared>>) offsets(%dma_start3A_28 : memref<80xi32, #tpu.memory_space<vmem>>) semaphore(%arg10 : memref<!tpu.dma_semaphore, #tpu.memory_space<semaphore_mem>>) {add = true}
    %scan3A = arith.constant 0 : i32
    %scan3A_32 = arith.constant 0 : i32
    %scan3A_33 = arith.constant 123 : i32
    %scan3A_34 = arith.addi %scan3A_32, %scan3A_33 : i32
    %scan3A_35 = arith.constant 1 : i32
    scf.for %scan3A_75 = %scan3A_32 to %scan3A_34 step %scan3A_35  : i32 {
      %add3A_76 = arith.constant 2 : i32
      %add3A_77 = arith.addi %scan3A_75, %add3A_76 : i32
      %dma_start3A_78 = arith.constant 0 : i32
      %dma_start3A_79 = tpu.memref_slice %arg8[%add3A_77, %dma_start3A_78] : memref<125x80xi32, #tpu.memory_space<vmem>> -> memref<1x80xi32, #tpu.memory_space<vmem>>
      %dma_start3A_80 = tpu.memref_squeeze %dma_start3A_79 : memref<1x80xi32, #tpu.memory_space<vmem>> -> memref<80xi32, #tpu.memory_space<vmem>>
      %dma_start3A_81 = arith.constant 0 : i32
      %dma_start3A_82 = arith.constant 0 : i32
      %dma_start3A_83 = tpu.memref_slice %arg9[%dma_start3A_81, %dma_start3A_82] : memref<10240x128xf32, #tpu.memory_space<vmem_shared>> -> memref<10240x128xf32, #tpu.memory_space<vmem_shared>>
      tpu.enqueue_indirect_dma source(%arg7 : memref<80x128xf32, #tpu.memory_space<vmem>>) target(%dma_start3A_83 : memref<10240x128xf32, #tpu.memory_space<vmem_shared>>) offsets(%dma_start3A_80 : memref<80xi32, #tpu.memory_space<vmem>>) semaphore(%arg10 : memref<!tpu.dma_semaphore, #tpu.memory_space<semaphore_mem>>) {add = true}
      %dma_wait3A_84 = arith.constant 0 : i32
      %dma_wait3A_85 = arith.constant 0 : i32
      %dma_wait3A_86 = tpu.memref_slice %arg8[%dma_wait3A_84, %dma_wait3A_85] : memref<125x80xi32, #tpu.memory_space<vmem>> -> memref<1x80xi32, #tpu.memory_space<vmem>>
      %dma_wait3A_87 = tpu.memref_squeeze %dma_wait3A_86 : memref<1x80xi32, #tpu.memory_space<vmem>> -> memref<80xi32, #tpu.memory_space<vmem>>
      %dma_wait3A_88 = arith.constant 0 : i32
      %dma_wait3A_89 = arith.constant 0 : i32
      %dma_wait3A_90 = tpu.memref_slice %arg9[%dma_wait3A_88, %dma_wait3A_89] : memref<10240x128xf32, #tpu.memory_space<vmem_shared>> -> memref<10240x128xf32, #tpu.memory_space<vmem_shared>>
      tpu.wait_indirect_dma semaphore(%arg10 : memref<!tpu.dma_semaphore, #tpu.memory_space<semaphore_mem>>) src(%arg7 : memref<80x128xf32, #tpu.memory_space<vmem>>) dst(%dma_wait3A_90 : memref<10240x128xf32, #tpu.memory_space<vmem_shared>>)
    }
    %scan3A_36 = arith.constant 123 : i32
    %dma_wait3A = arith.constant 0 : i32
    %dma_wait3A_37 = arith.constant 0 : i32
    %dma_wait3A_38 = tpu.memref_slice %arg8[%dma_wait3A, %dma_wait3A_37] : memref<125x80xi32, #tpu.memory_space<vmem>> -> memref<1x80xi32, #tpu.memory_space<vmem>>
    %dma_wait3A_39 = tpu.memref_squeeze %dma_wait3A_38 : memref<1x80xi32, #tpu.memory_space<vmem>> -> memref<80xi32, #tpu.memory_space<vmem>>
    %dma_wait3A_40 = arith.constant 0 : i32
    %dma_wait3A_41 = arith.constant 0 : i32
    %dma_wait3A_42 = tpu.memref_slice %arg9[%dma_wait3A_40, %dma_wait3A_41] : memref<10240x128xf32, #tpu.memory_space<vmem_shared>> -> memref<10240x128xf32, #tpu.memory_space<vmem_shared>>
    tpu.wait_indirect_dma semaphore(%arg10 : memref<!tpu.dma_semaphore, #tpu.memory_space<semaphore_mem>>) src(%arg7 : memref<80x128xf32, #tpu.memory_space<vmem>>) dst(%dma_wait3A_42 : memref<10240x128xf32, #tpu.memory_space<vmem_shared>>)
    %dma_wait3A_43 = arith.constant 0 : i32
    %dma_wait3A_44 = arith.constant 0 : i32
    %dma_wait3A_45 = tpu.memref_slice %arg8[%dma_wait3A_43, %dma_wait3A_44] : memref<125x80xi32, #tpu.memory_space<vmem>> -> memref<1x80xi32, #tpu.memory_space<vmem>>
    %dma_wait3A_46 = tpu.memref_squeeze %dma_wait3A_45 : memref<1x80xi32, #tpu.memory_space<vmem>> -> memref<80xi32, #tpu.memory_space<vmem>>
    %dma_wait3A_47 = arith.constant 0 : i32
    %dma_wait3A_48 = arith.constant 0 : i32
    %dma_wait3A_49 = tpu.memref_slice %arg9[%dma_wait3A_47, %dma_wait3A_48] : memref<10240x128xf32, #tpu.memory_space<vmem_shared>> -> memref<10240x128xf32, #tpu.memory_space<vmem_shared>>
    tpu.wait_indirect_dma semaphore(%arg10 : memref<!tpu.dma_semaphore, #tpu.memory_space<semaphore_mem>>) src(%arg7 : memref<80x128xf32, #tpu.memory_space<vmem>>) dst(%dma_wait3A_49 : memref<10240x128xf32, #tpu.memory_space<vmem_shared>>)
    %barrier3A_50 = arith.constant 0 : index
    tpu.barrier barrier_id(%barrier3A_50)
    %add3A_51 = arith.constant 0 : i32
    %add3A_52 = arith.addi %multiple_of3A, %add3A_51 : i32
    %multiple_of3A_53 = tpu.assume_multiple %add3A_52, 8 : i32
    "tpu.region"() ({
      %run_scoped3A = tpu.sem_alloc : memref<!tpu.dma_semaphore, #tpu.memory_space<semaphore_mem>>
      %dma_start3A_75 = arith.constant 0 : i32
      %dma_start3A_76 = tpu.memref_slice %arg9[%multiple_of3A_53, %dma_start3A_75] : memref<10240x128xf32, #tpu.memory_space<vmem_shared>> -> memref<80x128xf32, #tpu.memory_space<vmem_shared>>
      %dma_start3A_77 = arith.constant 0 : i32
      %dma_start3A_78 = tpu.memref_slice %arg9[%multiple_of3A_53, %dma_start3A_77] : memref<10240x128xf32, #tpu.memory_space<vmem_shared>> -> memref<80x128xf32, #tpu.memory_space<vmem_shared>>
      tpu.enqueue_dma source(%dma_start3A_78 : memref<80x128xf32, #tpu.memory_space<vmem_shared>>) target(%arg6 : memref<80x128xf32, #tpu.memory_space<vmem>>) target_semaphore(%run_scoped3A : memref<!tpu.dma_semaphore, #tpu.memory_space<semaphore_mem>>)
      %dma_wait3A_79 = arith.constant 0 : i32
      %dma_wait3A_80 = tpu.memref_slice %arg9[%multiple_of3A_53, %dma_wait3A_79] : memref<10240x128xf32, #tpu.memory_space<vmem_shared>> -> memref<80x128xf32, #tpu.memory_space<vmem_shared>>
      %dma_wait3A_81 = arith.constant 0 : i32
      %dma_wait3A_82 = tpu.memref_slice %arg9[%multiple_of3A_53, %dma_wait3A_81] : memref<10240x128xf32, #tpu.memory_space<vmem_shared>> -> memref<80x128xf32, #tpu.memory_space<vmem_shared>>
      tpu.wait_dma2 semaphore(%run_scoped3A : memref<!tpu.dma_semaphore, #tpu.memory_space<semaphore_mem>>) src(%dma_wait3A_82 : memref<80x128xf32, #tpu.memory_space<vmem_shared>>) dst(%arg6 : memref<80x128xf32, #tpu.memory_space<vmem>>)
      tpu.yield
    }) : () -> ()
    "tpu.region"() ({
      %run_scoped3A = tpu.sem_alloc : memref<!tpu.dma_semaphore, #tpu.memory_space<semaphore_mem>>
      %dma_start3A_75 = arith.constant 0 : i32
      %dma_start3A_76 = arith.constant 0 : i32
      %dma_start3A_77 = tpu.memref_slice %arg5[%arg0, %dma_start3A_75, %dma_start3A_76] : memref<2x10240x128xf32, #tpu.memory_space<hbm>> -> memref<1x10240x128xf32, #tpu.memory_space<hbm>>
      %dma_start3A_78 = tpu.memref_squeeze %dma_start3A_77 : memref<1x10240x128xf32, #tpu.memory_space<hbm>> -> memref<10240x128xf32, #tpu.memory_space<hbm>>
      %dma_start3A_79 = arith.constant 0 : i32
      %dma_start3A_80 = tpu.memref_slice %dma_start3A_78[%multiple_of3A_53, %dma_start3A_79] : memref<10240x128xf32, #tpu.memory_space<hbm>> -> memref<80x128xf32, #tpu.memory_space<hbm>>
      %dma_start3A_81 = arith.constant 0 : i32
      %dma_start3A_82 = arith.constant 0 : i32
      %dma_start3A_83 = tpu.memref_slice %arg5[%arg0, %dma_start3A_81, %dma_start3A_82] : memref<2x10240x128xf32, #tpu.memory_space<hbm>> -> memref<1x10240x128xf32, #tpu.memory_space<hbm>>
      %dma_start3A_84 = tpu.memref_squeeze %dma_start3A_83 : memref<1x10240x128xf32, #tpu.memory_space<hbm>> -> memref<10240x128xf32, #tpu.memory_space<hbm>>
      %dma_start3A_85 = arith.constant 0 : i32
      %dma_start3A_86 = tpu.memref_slice %dma_start3A_84[%multiple_of3A_53, %dma_start3A_85] : memref<10240x128xf32, #tpu.memory_space<hbm>> -> memref<80x128xf32, #tpu.memory_space<hbm>>
      tpu.enqueue_dma source(%arg6 : memref<80x128xf32, #tpu.memory_space<vmem>>) target(%dma_start3A_86 : memref<80x128xf32, #tpu.memory_space<hbm>>) target_semaphore(%run_scoped3A : memref<!tpu.dma_semaphore, #tpu.memory_space<semaphore_mem>>)
      %dma_wait3A_87 = arith.constant 0 : i32
      %dma_wait3A_88 = arith.constant 0 : i32
      %dma_wait3A_89 = tpu.memref_slice %arg5[%arg0, %dma_wait3A_87, %dma_wait3A_88] : memref<2x10240x128xf32, #tpu.memory_space<hbm>> -> memref<1x10240x128xf32, #tpu.memory_space<hbm>>
      %dma_wait3A_90 = tpu.memref_squeeze %dma_wait3A_89 : memref<1x10240x128xf32, #tpu.memory_space<hbm>> -> memref<10240x128xf32, #tpu.memory_space<hbm>>
      %dma_wait3A_91 = arith.constant 0 : i32
      %dma_wait3A_92 = tpu.memref_slice %dma_wait3A_90[%multiple_of3A_53, %dma_wait3A_91] : memref<10240x128xf32, #tpu.memory_space<hbm>> -> memref<80x128xf32, #tpu.memory_space<hbm>>
      %dma_wait3A_93 = arith.constant 0 : i32
      %dma_wait3A_94 = arith.constant 0 : i32
      %dma_wait3A_95 = tpu.memref_slice %arg5[%arg0, %dma_wait3A_93, %dma_wait3A_94] : memref<2x10240x128xf32, #tpu.memory_space<hbm>> -> memref<1x10240x128xf32, #tpu.memory_space<hbm>>
      %dma_wait3A_96 = tpu.memref_squeeze %dma_wait3A_95 : memref<1x10240x128xf32, #tpu.memory_space<hbm>> -> memref<10240x128xf32, #tpu.memory_space<hbm>>
      %dma_wait3A_97 = arith.constant 0 : i32
      %dma_wait3A_98 = tpu.memref_slice %dma_wait3A_96[%multiple_of3A_53, %dma_wait3A_97] : memref<10240x128xf32, #tpu.memory_space<hbm>> -> memref<80x128xf32, #tpu.memory_space<hbm>>
      tpu.wait_dma2 semaphore(%run_scoped3A : memref<!tpu.dma_semaphore, #tpu.memory_space<semaphore_mem>>) src(%arg6 : memref<80x128xf32, #tpu.memory_space<vmem>>) dst(%dma_wait3A_98 : memref<80x128xf32, #tpu.memory_space<hbm>>)
      tpu.yield
    }) : () -> ()
    %add3A_54 = arith.constant 80 : i32
    %add3A_55 = arith.addi %multiple_of3A, %add3A_54 : i32
    %multiple_of3A_56 = tpu.assume_multiple %add3A_55, 8 : i32
    "tpu.region"() ({
      %run_scoped3A = tpu.sem_alloc : memref<!tpu.dma_semaphore, #tpu.memory_space<semaphore_mem>>
      %dma_start3A_75 = arith.constant 0 : i32
      %dma_start3A_76 = tpu.memref_slice %arg9[%multiple_of3A_56, %dma_start3A_75] : memref<10240x128xf32, #tpu.memory_space<vmem_shared>> -> memref<80x128xf32, #tpu.memory_space<vmem_shared>>
      %dma_start3A_77 = arith.constant 0 : i32
      %dma_start3A_78 = tpu.memref_slice %arg9[%multiple_of3A_56, %dma_start3A_77] : memref<10240x128xf32, #tpu.memory_space<vmem_shared>> -> memref<80x128xf32, #tpu.memory_space<vmem_shared>>
      tpu.enqueue_dma source(%dma_start3A_78 : memref<80x128xf32, #tpu.memory_space<vmem_shared>>) target(%arg6 : memref<80x128xf32, #tpu.memory_space<vmem>>) target_semaphore(%run_scoped3A : memref<!tpu.dma_semaphore, #tpu.memory_space<semaphore_mem>>)
      %dma_wait3A_79 = arith.constant 0 : i32
      %dma_wait3A_80 = tpu.memref_slice %arg9[%multiple_of3A_56, %dma_wait3A_79] : memref<10240x128xf32, #tpu.memory_space<vmem_shared>> -> memref<80x128xf32, #tpu.memory_space<vmem_shared>>
      %dma_wait3A_81 = arith.constant 0 : i32
      %dma_wait3A_82 = tpu.memref_slice %arg9[%multiple_of3A_56, %dma_wait3A_81] : memref<10240x128xf32, #tpu.memory_space<vmem_shared>> -> memref<80x128xf32, #tpu.memory_space<vmem_shared>>
      tpu.wait_dma2 semaphore(%run_scoped3A : memref<!tpu.dma_semaphore, #tpu.memory_space<semaphore_mem>>) src(%dma_wait3A_82 : memref<80x128xf32, #tpu.memory_space<vmem_shared>>) dst(%arg6 : memref<80x128xf32, #tpu.memory_space<vmem>>)
      tpu.yield
    }) : () -> ()
    "tpu.region"() ({
      %run_scoped3A = tpu.sem_alloc : memref<!tpu.dma_semaphore, #tpu.memory_space<semaphore_mem>>
      %dma_start3A_75 = arith.constant 0 : i32
      %dma_start3A_76 = arith.constant 0 : i32
      %dma_start3A_77 = tpu.memref_slice %arg5[%arg0, %dma_start3A_75, %dma_start3A_76] : memref<2x10240x128xf32, #tpu.memory_space<hbm>> -> memref<1x10240x128xf32, #tpu.memory_space<hbm>>
      %dma_start3A_78 = tpu.memref_squeeze %dma_start3A_77 : memref<1x10240x128xf32, #tpu.memory_space<hbm>> -> memref<10240x128xf32, #tpu.memory_space<hbm>>
      %dma_start3A_79 = arith.constant 0 : i32
      %dma_start3A_80 = tpu.memref_slice %dma_start3A_78[%multiple_of3A_56, %dma_start3A_79] : memref<10240x128xf32, #tpu.memory_space<hbm>> -> memref<80x128xf32, #tpu.memory_space<hbm>>
      %dma_start3A_81 = arith.constant 0 : i32
      %dma_start3A_82 = arith.constant 0 : i32
      %dma_start3A_83 = tpu.memref_slice %arg5[%arg0, %dma_start3A_81, %dma_start3A_82] : memref<2x10240x128xf32, #tpu.memory_space<hbm>> -> memref<1x10240x128xf32, #tpu.memory_space<hbm>>
      %dma_start3A_84 = tpu.memref_squeeze %dma_start3A_83 : memref<1x10240x128xf32, #tpu.memory_space<hbm>> -> memref<10240x128xf32, #tpu.memory_space<hbm>>
      %dma_start3A_85 = arith.constant 0 : i32
      %dma_start3A_86 = tpu.memref_slice %dma_start3A_84[%multiple_of3A_56, %dma_start3A_85] : memref<10240x128xf32, #tpu.memory_space<hbm>> -> memref<80x128xf32, #tpu.memory_space<hbm>>
      tpu.enqueue_dma source(%arg6 : memref<80x128xf32, #tpu.memory_space<vmem>>) target(%dma_start3A_86 : memref<80x128xf32, #tpu.memory_space<hbm>>) target_semaphore(%run_scoped3A : memref<!tpu.dma_semaphore, #tpu.memory_space<semaphore_mem>>)
      %dma_wait3A_87 = arith.constant 0 : i32
      %dma_wait3A_88 = arith.constant 0 : i32
      %dma_wait3A_89 = tpu.memref_slice %arg5[%arg0, %dma_wait3A_87, %dma_wait3A_88] : memref<2x10240x128xf32, #tpu.memory_space<hbm>> -> memref<1x10240x128xf32, #tpu.memory_space<hbm>>
      %dma_wait3A_90 = tpu.memref_squeeze %dma_wait3A_89 : memref<1x10240x128xf32, #tpu.memory_space<hbm>> -> memref<10240x128xf32, #tpu.memory_space<hbm>>
      %dma_wait3A_91 = arith.constant 0 : i32
      %dma_wait3A_92 = tpu.memref_slice %dma_wait3A_90[%multiple_of3A_56, %dma_wait3A_91] : memref<10240x128xf32, #tpu.memory_space<hbm>> -> memref<80x128xf32, #tpu.memory_space<hbm>>
      %dma_wait3A_93 = arith.constant 0 : i32
      %dma_wait3A_94 = arith.constant 0 : i32
      %dma_wait3A_95 = tpu.memref_slice %arg5[%arg0, %dma_wait3A_93, %dma_wait3A_94] : memref<2x10240x128xf32, #tpu.memory_space<hbm>> -> memref<1x10240x128xf32, #tpu.memory_space<hbm>>
      %dma_wait3A_96 = tpu.memref_squeeze %dma_wait3A_95 : memref<1x10240x128xf32, #tpu.memory_space<hbm>> -> memref<10240x128xf32, #tpu.memory_space<hbm>>
      %dma_wait3A_97 = arith.constant 0 : i32
      %dma_wait3A_98 = tpu.memref_slice %dma_wait3A_96[%multiple_of3A_56, %dma_wait3A_97] : memref<10240x128xf32, #tpu.memory_space<hbm>> -> memref<80x128xf32, #tpu.memory_space<hbm>>
      tpu.wait_dma2 semaphore(%run_scoped3A : memref<!tpu.dma_semaphore, #tpu.memory_space<semaphore_mem>>) src(%arg6 : memref<80x128xf32, #tpu.memory_space<vmem>>) dst(%dma_wait3A_98 : memref<80x128xf32, #tpu.memory_space<hbm>>)
      tpu.yield
    }) : () -> ()
    %add3A_57 = arith.constant 160 : i32
    %add3A_58 = arith.addi %multiple_of3A, %add3A_57 : i32
    %multiple_of3A_59 = tpu.assume_multiple %add3A_58, 8 : i32
    "tpu.region"() ({
      %run_scoped3A = tpu.sem_alloc : memref<!tpu.dma_semaphore, #tpu.memory_space<semaphore_mem>>
      %dma_start3A_75 = arith.constant 0 : i32
      %dma_start3A_76 = tpu.memref_slice %arg9[%multiple_of3A_59, %dma_start3A_75] : memref<10240x128xf32, #tpu.memory_space<vmem_shared>> -> memref<80x128xf32, #tpu.memory_space<vmem_shared>>
      %dma_start3A_77 = arith.constant 0 : i32
      %dma_start3A_78 = tpu.memref_slice %arg9[%multiple_of3A_59, %dma_start3A_77] : memref<10240x128xf32, #tpu.memory_space<vmem_shared>> -> memref<80x128xf32, #tpu.memory_space<vmem_shared>>
      tpu.enqueue_dma source(%dma_start3A_78 : memref<80x128xf32, #tpu.memory_space<vmem_shared>>) target(%arg6 : memref<80x128xf32, #tpu.memory_space<vmem>>) target_semaphore(%run_scoped3A : memref<!tpu.dma_semaphore, #tpu.memory_space<semaphore_mem>>)
      %dma_wait3A_79 = arith.constant 0 : i32
      %dma_wait3A_80 = tpu.memref_slice %arg9[%multiple_of3A_59, %dma_wait3A_79] : memref<10240x128xf32, #tpu.memory_space<vmem_shared>> -> memref<80x128xf32, #tpu.memory_space<vmem_shared>>
      %dma_wait3A_81 = arith.constant 0 : i32
      %dma_wait3A_82 = tpu.memref_slice %arg9[%multiple_of3A_59, %dma_wait3A_81] : memref<10240x128xf32, #tpu.memory_space<vmem_shared>> -> memref<80x128xf32, #tpu.memory_space<vmem_shared>>
      tpu.wait_dma2 semaphore(%run_scoped3A : memref<!tpu.dma_semaphore, #tpu.memory_space<semaphore_mem>>) src(%dma_wait3A_82 : memref<80x128xf32, #tpu.memory_space<vmem_shared>>) dst(%arg6 : memref<80x128xf32, #tpu.memory_space<vmem>>)
      tpu.yield
    }) : () -> ()
    "tpu.region"() ({
      %run_scoped3A = tpu.sem_alloc : memref<!tpu.dma_semaphore, #tpu.memory_space<semaphore_mem>>
      %dma_start3A_75 = arith.constant 0 : i32
      %dma_start3A_76 = arith.constant 0 : i32
      %dma_start3A_77 = tpu.memref_slice %arg5[%arg0, %dma_start3A_75, %dma_start3A_76] : memref<2x10240x128xf32, #tpu.memory_space<hbm>> -> memref<1x10240x128xf32, #tpu.memory_space<hbm>>
      %dma_start3A_78 = tpu.memref_squeeze %dma_start3A_77 : memref<1x10240x128xf32, #tpu.memory_space<hbm>> -> memref<10240x128xf32, #tpu.memory_space<hbm>>
      %dma_start3A_79 = arith.constant 0 : i32
      %dma_start3A_80 = tpu.memref_slice %dma_start3A_78[%multiple_of3A_59, %dma_start3A_79] : memref<10240x128xf32, #tpu.memory_space<hbm>> -> memref<80x128xf32, #tpu.memory_space<hbm>>
      %dma_start3A_81 = arith.constant 0 : i32
      %dma_start3A_82 = arith.constant 0 : i32
      %dma_start3A_83 = tpu.memref_slice %arg5[%arg0, %dma_start3A_81, %dma_start3A_82] : memref<2x10240x128xf32, #tpu.memory_space<hbm>> -> memref<1x10240x128xf32, #tpu.memory_space<hbm>>
      %dma_start3A_84 = tpu.memref_squeeze %dma_start3A_83 : memref<1x10240x128xf32, #tpu.memory_space<hbm>> -> memref<10240x128xf32, #tpu.memory_space<hbm>>
      %dma_start3A_85 = arith.constant 0 : i32
      %dma_start3A_86 = tpu.memref_slice %dma_start3A_84[%multiple_of3A_59, %dma_start3A_85] : memref<10240x128xf32, #tpu.memory_space<hbm>> -> memref<80x128xf32, #tpu.memory_space<hbm>>
      tpu.enqueue_dma source(%arg6 : memref<80x128xf32, #tpu.memory_space<vmem>>) target(%dma_start3A_86 : memref<80x128xf32, #tpu.memory_space<hbm>>) target_semaphore(%run_scoped3A : memref<!tpu.dma_semaphore, #tpu.memory_space<semaphore_mem>>)
      %dma_wait3A_87 = arith.constant 0 : i32
      %dma_wait3A_88 = arith.constant 0 : i32
      %dma_wait3A_89 = tpu.memref_slice %arg5[%arg0, %dma_wait3A_87, %dma_wait3A_88] : memref<2x10240x128xf32, #tpu.memory_space<hbm>> -> memref<1x10240x128xf32, #tpu.memory_space<hbm>>
      %dma_wait3A_90 = tpu.memref_squeeze %dma_wait3A_89 : memref<1x10240x128xf32, #tpu.memory_space<hbm>> -> memref<10240x128xf32, #tpu.memory_space<hbm>>
      %dma_wait3A_91 = arith.constant 0 : i32
      %dma_wait3A_92 = tpu.memref_slice %dma_wait3A_90[%multiple_of3A_59, %dma_wait3A_91] : memref<10240x128xf32, #tpu.memory_space<hbm>> -> memref<80x128xf32, #tpu.memory_space<hbm>>
      %dma_wait3A_93 = arith.constant 0 : i32
      %dma_wait3A_94 = arith.constant 0 : i32
      %dma_wait3A_95 = tpu.memref_slice %arg5[%arg0, %dma_wait3A_93, %dma_wait3A_94] : memref<2x10240x128xf32, #tpu.memory_space<hbm>> -> memref<1x10240x128xf32, #tpu.memory_space<hbm>>
      %dma_wait3A_96 = tpu.memref_squeeze %dma_wait3A_95 : memref<1x10240x128xf32, #tpu.memory_space<hbm>> -> memref<10240x128xf32, #tpu.memory_space<hbm>>
      %dma_wait3A_97 = arith.constant 0 : i32
      %dma_wait3A_98 = tpu.memref_slice %dma_wait3A_96[%multiple_of3A_59, %dma_wait3A_97] : memref<10240x128xf32, #tpu.memory_space<hbm>> -> memref<80x128xf32, #tpu.memory_space<hbm>>
      tpu.wait_dma2 semaphore(%run_scoped3A : memref<!tpu.dma_semaphore, #tpu.memory_space<semaphore_mem>>) src(%arg6 : memref<80x128xf32, #tpu.memory_space<vmem>>) dst(%dma_wait3A_98 : memref<80x128xf32, #tpu.memory_space<hbm>>)
      tpu.yield
    }) : () -> ()
    %add3A_60 = arith.constant 240 : i32
    %add3A_61 = arith.addi %multiple_of3A, %add3A_60 : i32
    %multiple_of3A_62 = tpu.assume_multiple %add3A_61, 8 : i32
    "tpu.region"() ({
      %run_scoped3A = tpu.sem_alloc : memref<!tpu.dma_semaphore, #tpu.memory_space<semaphore_mem>>
      %dma_start3A_75 = arith.constant 0 : i32
      %dma_start3A_76 = tpu.memref_slice %arg9[%multiple_of3A_62, %dma_start3A_75] : memref<10240x128xf32, #tpu.memory_space<vmem_shared>> -> memref<80x128xf32, #tpu.memory_space<vmem_shared>>
      %dma_start3A_77 = arith.constant 0 : i32
      %dma_start3A_78 = tpu.memref_slice %arg9[%multiple_of3A_62, %dma_start3A_77] : memref<10240x128xf32, #tpu.memory_space<vmem_shared>> -> memref<80x128xf32, #tpu.memory_space<vmem_shared>>
      tpu.enqueue_dma source(%dma_start3A_78 : memref<80x128xf32, #tpu.memory_space<vmem_shared>>) target(%arg6 : memref<80x128xf32, #tpu.memory_space<vmem>>) target_semaphore(%run_scoped3A : memref<!tpu.dma_semaphore, #tpu.memory_space<semaphore_mem>>)
      %dma_wait3A_79 = arith.constant 0 : i32
      %dma_wait3A_80 = tpu.memref_slice %arg9[%multiple_of3A_62, %dma_wait3A_79] : memref<10240x128xf32, #tpu.memory_space<vmem_shared>> -> memref<80x128xf32, #tpu.memory_space<vmem_shared>>
      %dma_wait3A_81 = arith.constant 0 : i32
      %dma_wait3A_82 = tpu.memref_slice %arg9[%multiple_of3A_62, %dma_wait3A_81] : memref<10240x128xf32, #tpu.memory_space<vmem_shared>> -> memref<80x128xf32, #tpu.memory_space<vmem_shared>>
      tpu.wait_dma2 semaphore(%run_scoped3A : memref<!tpu.dma_semaphore, #tpu.memory_space<semaphore_mem>>) src(%dma_wait3A_82 : memref<80x128xf32, #tpu.memory_space<vmem_shared>>) dst(%arg6 : memref<80x128xf32, #tpu.memory_space<vmem>>)
      tpu.yield
    }) : () -> ()
    "tpu.region"() ({
      %run_scoped3A = tpu.sem_alloc : memref<!tpu.dma_semaphore, #tpu.memory_space<semaphore_mem>>
      %dma_start3A_75 = arith.constant 0 : i32
      %dma_start3A_76 = arith.constant 0 : i32
      %dma_start3A_77 = tpu.memref_slice %arg5[%arg0, %dma_start3A_75, %dma_start3A_76] : memref<2x10240x128xf32, #tpu.memory_space<hbm>> -> memref<1x10240x128xf32, #tpu.memory_space<hbm>>
      %dma_start3A_78 = tpu.memref_squeeze %dma_start3A_77 : memref<1x10240x128xf32, #tpu.memory_space<hbm>> -> memref<10240x128xf32, #tpu.memory_space<hbm>>
      %dma_start3A_79 = arith.constant 0 : i32
      %dma_start3A_80 = tpu.memref_slice %dma_start3A_78[%multiple_of3A_62, %dma_start3A_79] : memref<10240x128xf32, #tpu.memory_space<hbm>> -> memref<80x128xf32, #tpu.memory_space<hbm>>
      %dma_start3A_81 = arith.constant 0 : i32
      %dma_start3A_82 = arith.constant 0 : i32
      %dma_start3A_83 = tpu.memref_slice %arg5[%arg0, %dma_start3A_81, %dma_start3A_82] : memref<2x10240x128xf32, #tpu.memory_space<hbm>> -> memref<1x10240x128xf32, #tpu.memory_space<hbm>>
      %dma_start3A_84 = tpu.memref_squeeze %dma_start3A_83 : memref<1x10240x128xf32, #tpu.memory_space<hbm>> -> memref<10240x128xf32, #tpu.memory_space<hbm>>
      %dma_start3A_85 = arith.constant 0 : i32
      %dma_start3A_86 = tpu.memref_slice %dma_start3A_84[%multiple_of3A_62, %dma_start3A_85] : memref<10240x128xf32, #tpu.memory_space<hbm>> -> memref<80x128xf32, #tpu.memory_space<hbm>>
      tpu.enqueue_dma source(%arg6 : memref<80x128xf32, #tpu.memory_space<vmem>>) target(%dma_start3A_86 : memref<80x128xf32, #tpu.memory_space<hbm>>) target_semaphore(%run_scoped3A : memref<!tpu.dma_semaphore, #tpu.memory_space<semaphore_mem>>)
      %dma_wait3A_87 = arith.constant 0 : i32
      %dma_wait3A_88 = arith.constant 0 : i32
      %dma_wait3A_89 = tpu.memref_slice %arg5[%arg0, %dma_wait3A_87, %dma_wait3A_88] : memref<2x10240x128xf32, #tpu.memory_space<hbm>> -> memref<1x10240x128xf32, #tpu.memory_space<hbm>>
      %dma_wait3A_90 = tpu.memref_squeeze %dma_wait3A_89 : memref<1x10240x128xf32, #tpu.memory_space<hbm>> -> memref<10240x128xf32, #tpu.memory_space<hbm>>
      %dma_wait3A_91 = arith.constant 0 : i32
      %dma_wait3A_92 = tpu.memref_slice %dma_wait3A_90[%multiple_of3A_62, %dma_wait3A_91] : memref<10240x128xf32, #tpu.memory_space<hbm>> -> memref<80x128xf32, #tpu.memory_space<hbm>>
      %dma_wait3A_93 = arith.constant 0 : i32
      %dma_wait3A_94 = arith.constant 0 : i32
      %dma_wait3A_95 = tpu.memref_slice %arg5[%arg0, %dma_wait3A_93, %dma_wait3A_94] : memref<2x10240x128xf32, #tpu.memory_space<hbm>> -> memref<1x10240x128xf32, #tpu.memory_space<hbm>>
      %dma_wait3A_96 = tpu.memref_squeeze %dma_wait3A_95 : memref<1x10240x128xf32, #tpu.memory_space<hbm>> -> memref<10240x128xf32, #tpu.memory_space<hbm>>
      %dma_wait3A_97 = arith.constant 0 : i32
      %dma_wait3A_98 = tpu.memref_slice %dma_wait3A_96[%multiple_of3A_62, %dma_wait3A_97] : memref<10240x128xf32, #tpu.memory_space<hbm>> -> memref<80x128xf32, #tpu.memory_space<hbm>>
      tpu.wait_dma2 semaphore(%run_scoped3A : memref<!tpu.dma_semaphore, #tpu.memory_space<semaphore_mem>>) src(%arg6 : memref<80x128xf32, #tpu.memory_space<vmem>>) dst(%dma_wait3A_98 : memref<80x128xf32, #tpu.memory_space<hbm>>)
      tpu.yield
    }) : () -> ()
    %add3A_63 = arith.constant 320 : i32
    %add3A_64 = arith.addi %multiple_of3A, %add3A_63 : i32
    %multiple_of3A_65 = tpu.assume_multiple %add3A_64, 8 : i32
    "tpu.region"() ({
      %run_scoped3A = tpu.sem_alloc : memref<!tpu.dma_semaphore, #tpu.memory_space<semaphore_mem>>
      %dma_start3A_75 = arith.constant 0 : i32
      %dma_start3A_76 = tpu.memref_slice %arg9[%multiple_of3A_65, %dma_start3A_75] : memref<10240x128xf32, #tpu.memory_space<vmem_shared>> -> memref<80x128xf32, #tpu.memory_space<vmem_shared>>
      %dma_start3A_77 = arith.constant 0 : i32
      %dma_start3A_78 = tpu.memref_slice %arg9[%multiple_of3A_65, %dma_start3A_77] : memref<10240x128xf32, #tpu.memory_space<vmem_shared>> -> memref<80x128xf32, #tpu.memory_space<vmem_shared>>
      tpu.enqueue_dma source(%dma_start3A_78 : memref<80x128xf32, #tpu.memory_space<vmem_shared>>) target(%arg6 : memref<80x128xf32, #tpu.memory_space<vmem>>) target_semaphore(%run_scoped3A : memref<!tpu.dma_semaphore, #tpu.memory_space<semaphore_mem>>)
      %dma_wait3A_79 = arith.constant 0 : i32
      %dma_wait3A_80 = tpu.memref_slice %arg9[%multiple_of3A_65, %dma_wait3A_79] : memref<10240x128xf32, #tpu.memory_space<vmem_shared>> -> memref<80x128xf32, #tpu.memory_space<vmem_shared>>
      %dma_wait3A_81 = arith.constant 0 : i32
      %dma_wait3A_82 = tpu.memref_slice %arg9[%multiple_of3A_65, %dma_wait3A_81] : memref<10240x128xf32, #tpu.memory_space<vmem_shared>> -> memref<80x128xf32, #tpu.memory_space<vmem_shared>>
      tpu.wait_dma2 semaphore(%run_scoped3A : memref<!tpu.dma_semaphore, #tpu.memory_space<semaphore_mem>>) src(%dma_wait3A_82 : memref<80x128xf32, #tpu.memory_space<vmem_shared>>) dst(%arg6 : memref<80x128xf32, #tpu.memory_space<vmem>>)
      tpu.yield
    }) : () -> ()
    "tpu.region"() ({
      %run_scoped3A = tpu.sem_alloc : memref<!tpu.dma_semaphore, #tpu.memory_space<semaphore_mem>>
      %dma_start3A_75 = arith.constant 0 : i32
      %dma_start3A_76 = arith.constant 0 : i32
      %dma_start3A_77 = tpu.memref_slice %arg5[%arg0, %dma_start3A_75, %dma_start3A_76] : memref<2x10240x128xf32, #tpu.memory_space<hbm>> -> memref<1x10240x128xf32, #tpu.memory_space<hbm>>
      %dma_start3A_78 = tpu.memref_squeeze %dma_start3A_77 : memref<1x10240x128xf32, #tpu.memory_space<hbm>> -> memref<10240x128xf32, #tpu.memory_space<hbm>>
      %dma_start3A_79 = arith.constant 0 : i32
      %dma_start3A_80 = tpu.memref_slice %dma_start3A_78[%multiple_of3A_65, %dma_start3A_79] : memref<10240x128xf32, #tpu.memory_space<hbm>> -> memref<80x128xf32, #tpu.memory_space<hbm>>
      %dma_start3A_81 = arith.constant 0 : i32
      %dma_start3A_82 = arith.constant 0 : i32
      %dma_start3A_83 = tpu.memref_slice %arg5[%arg0, %dma_start3A_81, %dma_start3A_82] : memref<2x10240x128xf32, #tpu.memory_space<hbm>> -> memref<1x10240x128xf32, #tpu.memory_space<hbm>>
      %dma_start3A_84 = tpu.memref_squeeze %dma_start3A_83 : memref<1x10240x128xf32, #tpu.memory_space<hbm>> -> memref<10240x128xf32, #tpu.memory_space<hbm>>
      %dma_start3A_85 = arith.constant 0 : i32
      %dma_start3A_86 = tpu.memref_slice %dma_start3A_84[%multiple_of3A_65, %dma_start3A_85] : memref<10240x128xf32, #tpu.memory_space<hbm>> -> memref<80x128xf32, #tpu.memory_space<hbm>>
      tpu.enqueue_dma source(%arg6 : memref<80x128xf32, #tpu.memory_space<vmem>>) target(%dma_start3A_86 : memref<80x128xf32, #tpu.memory_space<hbm>>) target_semaphore(%run_scoped3A : memref<!tpu.dma_semaphore, #tpu.memory_space<semaphore_mem>>)
      %dma_wait3A_87 = arith.constant 0 : i32
      %dma_wait3A_88 = arith.constant 0 : i32
      %dma_wait3A_89 = tpu.memref_slice %arg5[%arg0, %dma_wait3A_87, %dma_wait3A_88] : memref<2x10240x128xf32, #tpu.memory_space<hbm>> -> memref<1x10240x128xf32, #tpu.memory_space<hbm>>
      %dma_wait3A_90 = tpu.memref_squeeze %dma_wait3A_89 : memref<1x10240x128xf32, #tpu.memory_space<hbm>> -> memref<10240x128xf32, #tpu.memory_space<hbm>>
      %dma_wait3A_91 = arith.constant 0 : i32
      %dma_wait3A_92 = tpu.memref_slice %dma_wait3A_90[%multiple_of3A_65, %dma_wait3A_91] : memref<10240x128xf32, #tpu.memory_space<hbm>> -> memref<80x128xf32, #tpu.memory_space<hbm>>
      %dma_wait3A_93 = arith.constant 0 : i32
      %dma_wait3A_94 = arith.constant 0 : i32
      %dma_wait3A_95 = tpu.memref_slice %arg5[%arg0, %dma_wait3A_93, %dma_wait3A_94] : memref<2x10240x128xf32, #tpu.memory_space<hbm>> -> memref<1x10240x128xf32, #tpu.memory_space<hbm>>
      %dma_wait3A_96 = tpu.memref_squeeze %dma_wait3A_95 : memref<1x10240x128xf32, #tpu.memory_space<hbm>> -> memref<10240x128xf32, #tpu.memory_space<hbm>>
      %dma_wait3A_97 = arith.constant 0 : i32
      %dma_wait3A_98 = tpu.memref_slice %dma_wait3A_96[%multiple_of3A_65, %dma_wait3A_97] : memref<10240x128xf32, #tpu.memory_space<hbm>> -> memref<80x128xf32, #tpu.memory_space<hbm>>
      tpu.wait_dma2 semaphore(%run_scoped3A : memref<!tpu.dma_semaphore, #tpu.memory_space<semaphore_mem>>) src(%arg6 : memref<80x128xf32, #tpu.memory_space<vmem>>) dst(%dma_wait3A_98 : memref<80x128xf32, #tpu.memory_space<hbm>>)
      tpu.yield
    }) : () -> ()
    %add3A_66 = arith.constant 400 : i32
    %add3A_67 = arith.addi %multiple_of3A, %add3A_66 : i32
    %multiple_of3A_68 = tpu.assume_multiple %add3A_67, 8 : i32
    "tpu.region"() ({
      %run_scoped3A = tpu.sem_alloc : memref<!tpu.dma_semaphore, #tpu.memory_space<semaphore_mem>>
      %dma_start3A_75 = arith.constant 0 : i32
      %dma_start3A_76 = tpu.memref_slice %arg9[%multiple_of3A_68, %dma_start3A_75] : memref<10240x128xf32, #tpu.memory_space<vmem_shared>> -> memref<80x128xf32, #tpu.memory_space<vmem_shared>>
      %dma_start3A_77 = arith.constant 0 : i32
      %dma_start3A_78 = tpu.memref_slice %arg9[%multiple_of3A_68, %dma_start3A_77] : memref<10240x128xf32, #tpu.memory_space<vmem_shared>> -> memref<80x128xf32, #tpu.memory_space<vmem_shared>>
      tpu.enqueue_dma source(%dma_start3A_78 : memref<80x128xf32, #tpu.memory_space<vmem_shared>>) target(%arg6 : memref<80x128xf32, #tpu.memory_space<vmem>>) target_semaphore(%run_scoped3A : memref<!tpu.dma_semaphore, #tpu.memory_space<semaphore_mem>>)
      %dma_wait3A_79 = arith.constant 0 : i32
      %dma_wait3A_80 = tpu.memref_slice %arg9[%multiple_of3A_68, %dma_wait3A_79] : memref<10240x128xf32, #tpu.memory_space<vmem_shared>> -> memref<80x128xf32, #tpu.memory_space<vmem_shared>>
      %dma_wait3A_81 = arith.constant 0 : i32
      %dma_wait3A_82 = tpu.memref_slice %arg9[%multiple_of3A_68, %dma_wait3A_81] : memref<10240x128xf32, #tpu.memory_space<vmem_shared>> -> memref<80x128xf32, #tpu.memory_space<vmem_shared>>
      tpu.wait_dma2 semaphore(%run_scoped3A : memref<!tpu.dma_semaphore, #tpu.memory_space<semaphore_mem>>) src(%dma_wait3A_82 : memref<80x128xf32, #tpu.memory_space<vmem_shared>>) dst(%arg6 : memref<80x128xf32, #tpu.memory_space<vmem>>)
      tpu.yield
    }) : () -> ()
    "tpu.region"() ({
      %run_scoped3A = tpu.sem_alloc : memref<!tpu.dma_semaphore, #tpu.memory_space<semaphore_mem>>
      %dma_start3A_75 = arith.constant 0 : i32
      %dma_start3A_76 = arith.constant 0 : i32
      %dma_start3A_77 = tpu.memref_slice %arg5[%arg0, %dma_start3A_75, %dma_start3A_76] : memref<2x10240x128xf32, #tpu.memory_space<hbm>> -> memref<1x10240x128xf32, #tpu.memory_space<hbm>>
      %dma_start3A_78 = tpu.memref_squeeze %dma_start3A_77 : memref<1x10240x128xf32, #tpu.memory_space<hbm>> -> memref<10240x128xf32, #tpu.memory_space<hbm>>
      %dma_start3A_79 = arith.constant 0 : i32
      %dma_start3A_80 = tpu.memref_slice %dma_start3A_78[%multiple_of3A_68, %dma_start3A_79] : memref<10240x128xf32, #tpu.memory_space<hbm>> -> memref<80x128xf32, #tpu.memory_space<hbm>>
      %dma_start3A_81 = arith.constant 0 : i32
      %dma_start3A_82 = arith.constant 0 : i32
      %dma_start3A_83 = tpu.memref_slice %arg5[%arg0, %dma_start3A_81, %dma_start3A_82] : memref<2x10240x128xf32, #tpu.memory_space<hbm>> -> memref<1x10240x128xf32, #tpu.memory_space<hbm>>
      %dma_start3A_84 = tpu.memref_squeeze %dma_start3A_83 : memref<1x10240x128xf32, #tpu.memory_space<hbm>> -> memref<10240x128xf32, #tpu.memory_space<hbm>>
      %dma_start3A_85 = arith.constant 0 : i32
      %dma_start3A_86 = tpu.memref_slice %dma_start3A_84[%multiple_of3A_68, %dma_start3A_85] : memref<10240x128xf32, #tpu.memory_space<hbm>> -> memref<80x128xf32, #tpu.memory_space<hbm>>
      tpu.enqueue_dma source(%arg6 : memref<80x128xf32, #tpu.memory_space<vmem>>) target(%dma_start3A_86 : memref<80x128xf32, #tpu.memory_space<hbm>>) target_semaphore(%run_scoped3A : memref<!tpu.dma_semaphore, #tpu.memory_space<semaphore_mem>>)
      %dma_wait3A_87 = arith.constant 0 : i32
      %dma_wait3A_88 = arith.constant 0 : i32
      %dma_wait3A_89 = tpu.memref_slice %arg5[%arg0, %dma_wait3A_87, %dma_wait3A_88] : memref<2x10240x128xf32, #tpu.memory_space<hbm>> -> memref<1x10240x128xf32, #tpu.memory_space<hbm>>
      %dma_wait3A_90 = tpu.memref_squeeze %dma_wait3A_89 : memref<1x10240x128xf32, #tpu.memory_space<hbm>> -> memref<10240x128xf32, #tpu.memory_space<hbm>>
      %dma_wait3A_91 = arith.constant 0 : i32
      %dma_wait3A_92 = tpu.memref_slice %dma_wait3A_90[%multiple_of3A_68, %dma_wait3A_91] : memref<10240x128xf32, #tpu.memory_space<hbm>> -> memref<80x128xf32, #tpu.memory_space<hbm>>
      %dma_wait3A_93 = arith.constant 0 : i32
      %dma_wait3A_94 = arith.constant 0 : i32
      %dma_wait3A_95 = tpu.memref_slice %arg5[%arg0, %dma_wait3A_93, %dma_wait3A_94] : memref<2x10240x128xf32, #tpu.memory_space<hbm>> -> memref<1x10240x128xf32, #tpu.memory_space<hbm>>
      %dma_wait3A_96 = tpu.memref_squeeze %dma_wait3A_95 : memref<1x10240x128xf32, #tpu.memory_space<hbm>> -> memref<10240x128xf32, #tpu.memory_space<hbm>>
      %dma_wait3A_97 = arith.constant 0 : i32
      %dma_wait3A_98 = tpu.memref_slice %dma_wait3A_96[%multiple_of3A_68, %dma_wait3A_97] : memref<10240x128xf32, #tpu.memory_space<hbm>> -> memref<80x128xf32, #tpu.memory_space<hbm>>
      tpu.wait_dma2 semaphore(%run_scoped3A : memref<!tpu.dma_semaphore, #tpu.memory_space<semaphore_mem>>) src(%arg6 : memref<80x128xf32, #tpu.memory_space<vmem>>) dst(%dma_wait3A_98 : memref<80x128xf32, #tpu.memory_space<hbm>>)
      tpu.yield
    }) : () -> ()
    %add3A_69 = arith.constant 480 : i32
    %add3A_70 = arith.addi %multiple_of3A, %add3A_69 : i32
    %multiple_of3A_71 = tpu.assume_multiple %add3A_70, 8 : i32
    "tpu.region"() ({
      %run_scoped3A = tpu.sem_alloc : memref<!tpu.dma_semaphore, #tpu.memory_space<semaphore_mem>>
      %dma_start3A_75 = arith.constant 0 : i32
      %dma_start3A_76 = tpu.memref_slice %arg9[%multiple_of3A_71, %dma_start3A_75] : memref<10240x128xf32, #tpu.memory_space<vmem_shared>> -> memref<80x128xf32, #tpu.memory_space<vmem_shared>>
      %dma_start3A_77 = arith.constant 0 : i32
      %dma_start3A_78 = tpu.memref_slice %arg9[%multiple_of3A_71, %dma_start3A_77] : memref<10240x128xf32, #tpu.memory_space<vmem_shared>> -> memref<80x128xf32, #tpu.memory_space<vmem_shared>>
      tpu.enqueue_dma source(%dma_start3A_78 : memref<80x128xf32, #tpu.memory_space<vmem_shared>>) target(%arg6 : memref<80x128xf32, #tpu.memory_space<vmem>>) target_semaphore(%run_scoped3A : memref<!tpu.dma_semaphore, #tpu.memory_space<semaphore_mem>>)
      %dma_wait3A_79 = arith.constant 0 : i32
      %dma_wait3A_80 = tpu.memref_slice %arg9[%multiple_of3A_71, %dma_wait3A_79] : memref<10240x128xf32, #tpu.memory_space<vmem_shared>> -> memref<80x128xf32, #tpu.memory_space<vmem_shared>>
      %dma_wait3A_81 = arith.constant 0 : i32
      %dma_wait3A_82 = tpu.memref_slice %arg9[%multiple_of3A_71, %dma_wait3A_81] : memref<10240x128xf32, #tpu.memory_space<vmem_shared>> -> memref<80x128xf32, #tpu.memory_space<vmem_shared>>
      tpu.wait_dma2 semaphore(%run_scoped3A : memref<!tpu.dma_semaphore, #tpu.memory_space<semaphore_mem>>) src(%dma_wait3A_82 : memref<80x128xf32, #tpu.memory_space<vmem_shared>>) dst(%arg6 : memref<80x128xf32, #tpu.memory_space<vmem>>)
      tpu.yield
    }) : () -> ()
    "tpu.region"() ({
      %run_scoped3A = tpu.sem_alloc : memref<!tpu.dma_semaphore, #tpu.memory_space<semaphore_mem>>
      %dma_start3A_75 = arith.constant 0 : i32
      %dma_start3A_76 = arith.constant 0 : i32
      %dma_start3A_77 = tpu.memref_slice %arg5[%arg0, %dma_start3A_75, %dma_start3A_76] : memref<2x10240x128xf32, #tpu.memory_space<hbm>> -> memref<1x10240x128xf32, #tpu.memory_space<hbm>>
      %dma_start3A_78 = tpu.memref_squeeze %dma_start3A_77 : memref<1x10240x128xf32, #tpu.memory_space<hbm>> -> memref<10240x128xf32, #tpu.memory_space<hbm>>
      %dma_start3A_79 = arith.constant 0 : i32
      %dma_start3A_80 = tpu.memref_slice %dma_start3A_78[%multiple_of3A_71, %dma_start3A_79] : memref<10240x128xf32, #tpu.memory_space<hbm>> -> memref<80x128xf32, #tpu.memory_space<hbm>>
      %dma_start3A_81 = arith.constant 0 : i32
      %dma_start3A_82 = arith.constant 0 : i32
      %dma_start3A_83 = tpu.memref_slice %arg5[%arg0, %dma_start3A_81, %dma_start3A_82] : memref<2x10240x128xf32, #tpu.memory_space<hbm>> -> memref<1x10240x128xf32, #tpu.memory_space<hbm>>
      %dma_start3A_84 = tpu.memref_squeeze %dma_start3A_83 : memref<1x10240x128xf32, #tpu.memory_space<hbm>> -> memref<10240x128xf32, #tpu.memory_space<hbm>>
      %dma_start3A_85 = arith.constant 0 : i32
      %dma_start3A_86 = tpu.memref_slice %dma_start3A_84[%multiple_of3A_71, %dma_start3A_85] : memref<10240x128xf32, #tpu.memory_space<hbm>> -> memref<80x128xf32, #tpu.memory_space<hbm>>
      tpu.enqueue_dma source(%arg6 : memref<80x128xf32, #tpu.memory_space<vmem>>) target(%dma_start3A_86 : memref<80x128xf32, #tpu.memory_space<hbm>>) target_semaphore(%run_scoped3A : memref<!tpu.dma_semaphore, #tpu.memory_space<semaphore_mem>>)
      %dma_wait3A_87 = arith.constant 0 : i32
      %dma_wait3A_88 = arith.constant 0 : i32
      %dma_wait3A_89 = tpu.memref_slice %arg5[%arg0, %dma_wait3A_87, %dma_wait3A_88] : memref<2x10240x128xf32, #tpu.memory_space<hbm>> -> memref<1x10240x128xf32, #tpu.memory_space<hbm>>
      %dma_wait3A_90 = tpu.memref_squeeze %dma_wait3A_89 : memref<1x10240x128xf32, #tpu.memory_space<hbm>> -> memref<10240x128xf32, #tpu.memory_space<hbm>>
      %dma_wait3A_91 = arith.constant 0 : i32
      %dma_wait3A_92 = tpu.memref_slice %dma_wait3A_90[%multiple_of3A_71, %dma_wait3A_91] : memref<10240x128xf32, #tpu.memory_space<hbm>> -> memref<80x128xf32, #tpu.memory_space<hbm>>
      %dma_wait3A_93 = arith.constant 0 : i32
      %dma_wait3A_94 = arith.constant 0 : i32
      %dma_wait3A_95 = tpu.memref_slice %arg5[%arg0, %dma_wait3A_93, %dma_wait3A_94] : memref<2x10240x128xf32, #tpu.memory_space<hbm>> -> memref<1x10240x128xf32, #tpu.memory_space<hbm>>
      %dma_wait3A_96 = tpu.memref_squeeze %dma_wait3A_95 : memref<1x10240x128xf32, #tpu.memory_space<hbm>> -> memref<10240x128xf32, #tpu.memory_space<hbm>>
      %dma_wait3A_97 = arith.constant 0 : i32
      %dma_wait3A_98 = tpu.memref_slice %dma_wait3A_96[%multiple_of3A_71, %dma_wait3A_97] : memref<10240x128xf32, #tpu.memory_space<hbm>> -> memref<80x128xf32, #tpu.memory_space<hbm>>
      tpu.wait_dma2 semaphore(%run_scoped3A : memref<!tpu.dma_semaphore, #tpu.memory_space<semaphore_mem>>) src(%arg6 : memref<80x128xf32, #tpu.memory_space<vmem>>) dst(%dma_wait3A_98 : memref<80x128xf32, #tpu.memory_space<hbm>>)
      tpu.yield
    }) : () -> ()
    %add3A_72 = arith.constant 560 : i32
    %add3A_73 = arith.addi %multiple_of3A, %add3A_72 : i32
    %multiple_of3A_74 = tpu.assume_multiple %add3A_73, 8 : i32
    "tpu.region"() ({
      %run_scoped3A = tpu.sem_alloc : memref<!tpu.dma_semaphore, #tpu.memory_space<semaphore_mem>>
      %dma_start3A_75 = arith.constant 0 : i32
      %dma_start3A_76 = tpu.memref_slice %arg9[%multiple_of3A_74, %dma_start3A_75] : memref<10240x128xf32, #tpu.memory_space<vmem_shared>> -> memref<80x128xf32, #tpu.memory_space<vmem_shared>>
      %dma_start3A_77 = arith.constant 0 : i32
      %dma_start3A_78 = tpu.memref_slice %arg9[%multiple_of3A_74, %dma_start3A_77] : memref<10240x128xf32, #tpu.memory_space<vmem_shared>> -> memref<80x128xf32, #tpu.memory_space<vmem_shared>>
      tpu.enqueue_dma source(%dma_start3A_78 : memref<80x128xf32, #tpu.memory_space<vmem_shared>>) target(%arg6 : memref<80x128xf32, #tpu.memory_space<vmem>>) target_semaphore(%run_scoped3A : memref<!tpu.dma_semaphore, #tpu.memory_space<semaphore_mem>>)
      %dma_wait3A_79 = arith.constant 0 : i32
      %dma_wait3A_80 = tpu.memref_slice %arg9[%multiple_of3A_74, %dma_wait3A_79] : memref<10240x128xf32, #tpu.memory_space<vmem_shared>> -> memref<80x128xf32, #tpu.memory_space<vmem_shared>>
      %dma_wait3A_81 = arith.constant 0 : i32
      %dma_wait3A_82 = tpu.memref_slice %arg9[%multiple_of3A_74, %dma_wait3A_81] : memref<10240x128xf32, #tpu.memory_space<vmem_shared>> -> memref<80x128xf32, #tpu.memory_space<vmem_shared>>
      tpu.wait_dma2 semaphore(%run_scoped3A : memref<!tpu.dma_semaphore, #tpu.memory_space<semaphore_mem>>) src(%dma_wait3A_82 : memref<80x128xf32, #tpu.memory_space<vmem_shared>>) dst(%arg6 : memref<80x128xf32, #tpu.memory_space<vmem>>)
      tpu.yield
    }) : () -> ()
    "tpu.region"() ({
      %run_scoped3A = tpu.sem_alloc : memref<!tpu.dma_semaphore, #tpu.memory_space<semaphore_mem>>
      %dma_start3A_75 = arith.constant 0 : i32
      %dma_start3A_76 = arith.constant 0 : i32
      %dma_start3A_77 = tpu.memref_slice %arg5[%arg0, %dma_start3A_75, %dma_start3A_76] : memref<2x10240x128xf32, #tpu.memory_space<hbm>> -> memref<1x10240x128xf32, #tpu.memory_space<hbm>>
      %dma_start3A_78 = tpu.memref_squeeze %dma_start3A_77 : memref<1x10240x128xf32, #tpu.memory_space<hbm>> -> memref<10240x128xf32, #tpu.memory_space<hbm>>
      %dma_start3A_79 = arith.constant 0 : i32
      %dma_start3A_80 = tpu.memref_slice %dma_start3A_78[%multiple_of3A_74, %dma_start3A_79] : memref<10240x128xf32, #tpu.memory_space<hbm>> -> memref<80x128xf32, #tpu.memory_space<hbm>>
      %dma_start3A_81 = arith.constant 0 : i32
      %dma_start3A_82 = arith.constant 0 : i32
      %dma_start3A_83 = tpu.memref_slice %arg5[%arg0, %dma_start3A_81, %dma_start3A_82] : memref<2x10240x128xf32, #tpu.memory_space<hbm>> -> memref<1x10240x128xf32, #tpu.memory_space<hbm>>
      %dma_start3A_84 = tpu.memref_squeeze %dma_start3A_83 : memref<1x10240x128xf32, #tpu.memory_space<hbm>> -> memref<10240x128xf32, #tpu.memory_space<hbm>>
      %dma_start3A_85 = arith.constant 0 : i32
      %dma_start3A_86 = tpu.memref_slice %dma_start3A_84[%multiple_of3A_74, %dma_start3A_85] : memref<10240x128xf32, #tpu.memory_space<hbm>> -> memref<80x128xf32, #tpu.memory_space<hbm>>
      tpu.enqueue_dma source(%arg6 : memref<80x128xf32, #tpu.memory_space<vmem>>) target(%dma_start3A_86 : memref<80x128xf32, #tpu.memory_space<hbm>>) target_semaphore(%run_scoped3A : memref<!tpu.dma_semaphore, #tpu.memory_space<semaphore_mem>>)
      %dma_wait3A_87 = arith.constant 0 : i32
      %dma_wait3A_88 = arith.constant 0 : i32
      %dma_wait3A_89 = tpu.memref_slice %arg5[%arg0, %dma_wait3A_87, %dma_wait3A_88] : memref<2x10240x128xf32, #tpu.memory_space<hbm>> -> memref<1x10240x128xf32, #tpu.memory_space<hbm>>
      %dma_wait3A_90 = tpu.memref_squeeze %dma_wait3A_89 : memref<1x10240x128xf32, #tpu.memory_space<hbm>> -> memref<10240x128xf32, #tpu.memory_space<hbm>>
      %dma_wait3A_91 = arith.constant 0 : i32
      %dma_wait3A_92 = tpu.memref_slice %dma_wait3A_90[%multiple_of3A_74, %dma_wait3A_91] : memref<10240x128xf32, #tpu.memory_space<hbm>> -> memref<80x128xf32, #tpu.memory_space<hbm>>
      %dma_wait3A_93 = arith.constant 0 : i32
      %dma_wait3A_94 = arith.constant 0 : i32
      %dma_wait3A_95 = tpu.memref_slice %arg5[%arg0, %dma_wait3A_93, %dma_wait3A_94] : memref<2x10240x128xf32, #tpu.memory_space<hbm>> -> memref<1x10240x128xf32, #tpu.memory_space<hbm>>
      %dma_wait3A_96 = tpu.memref_squeeze %dma_wait3A_95 : memref<1x10240x128xf32, #tpu.memory_space<hbm>> -> memref<10240x128xf32, #tpu.memory_space<hbm>>
      %dma_wait3A_97 = arith.constant 0 : i32
      %dma_wait3A_98 = tpu.memref_slice %dma_wait3A_96[%multiple_of3A_74, %dma_wait3A_97] : memref<10240x128xf32, #tpu.memory_space<hbm>> -> memref<80x128xf32, #tpu.memory_space<hbm>>
      tpu.wait_dma2 semaphore(%run_scoped3A : memref<!tpu.dma_semaphore, #tpu.memory_space<semaphore_mem>>) src(%arg6 : memref<80x128xf32, #tpu.memory_space<vmem>>) dst(%dma_wait3A_98 : memref<80x128xf32, #tpu.memory_space<hbm>>)
      tpu.yield
    }) : () -> ()
    return
  }
}

#map = affine_map<(d0, d1) -> (0, 0)>
#map1 = affine_map<(d0, d1) -> (0, 0, 0)>
module attributes {stable_mosaic.version = 14 : i64} {
  func.func @_sc_sums(%arg0: i32, %arg1: i32, %arg2: memref<320000x128xf32, #tpu.memory_space<hbm>>, %arg3: memref<32x125x80xi32, #tpu.memory_space<hbm>>, %arg4: memref<80x128xf32, #tpu.memory_space<hbm>>, %arg5: memref<2x10240x128xf32, #tpu.memory_space<hbm>>, %arg6: memref<3x80x128xf32, #tpu.memory_space<vmem>>, %arg7: memref<125x80xi32, #tpu.memory_space<vmem>>, %arg8: memref<10240x128xf32, #tpu.memory_space<vmem_shared>>, %arg9: memref<!tpu.dma_semaphore, #tpu.memory_space<semaphore_mem>>, %arg10: memref<!tpu.dma_semaphore, #tpu.memory_space<semaphore_mem>>, %arg11: memref<!tpu.dma_semaphore, #tpu.memory_space<semaphore_mem>>) attributes {dimension_semantics = [#tpu.dimension_semantics<core_parallel>, #tpu.dimension_semantics<subcore_parallel>], iteration_bounds = array<i64: 2, 16>, scalar_prefetch = 0 : i64, scratch_operands = 6 : i64, tpu.core_type = #tpu.core_type<sc_vector_subcore>, window_params = [{transform_indices = #map}, {transform_indices = #map1}, {transform_indices = #map}, {transform_indices = #map1}]} {
    %mul3A = arith.constant 16 : i32
    %mul3A_0 = arith.muli %arg0, %mul3A : i32
    %add3A = arith.addi %mul3A_0, %arg1 : i32
    %mul3A_1 = arith.constant 640 : i32
    %mul3A_2 = arith.muli %arg1, %mul3A_1 : i32
    %multiple_of3A = tpu.assume_multiple %mul3A_2, 8 : i32
    "tpu.region"() ({
      %run_scoped3A_181 = tpu.sem_alloc : memref<!tpu.dma_semaphore, #tpu.memory_space<semaphore_mem>>
      %dma_start3A_182 = arith.constant 0 : i32
      %dma_start3A_183 = arith.constant 0 : i32
      %dma_start3A_184 = tpu.memref_slice %arg3[%add3A, %dma_start3A_182, %dma_start3A_183] : memref<32x125x80xi32, #tpu.memory_space<hbm>> -> memref<1x125x80xi32, #tpu.memory_space<hbm>>
      %dma_start3A_185 = tpu.memref_squeeze %dma_start3A_184 : memref<1x125x80xi32, #tpu.memory_space<hbm>> -> memref<125x80xi32, #tpu.memory_space<hbm>>
      %dma_start3A_186 = arith.constant 0 : i32
      %dma_start3A_187 = arith.constant 0 : i32
      %dma_start3A_188 = tpu.memref_slice %arg3[%add3A, %dma_start3A_186, %dma_start3A_187] : memref<32x125x80xi32, #tpu.memory_space<hbm>> -> memref<1x125x80xi32, #tpu.memory_space<hbm>>
      %dma_start3A_189 = tpu.memref_squeeze %dma_start3A_188 : memref<1x125x80xi32, #tpu.memory_space<hbm>> -> memref<125x80xi32, #tpu.memory_space<hbm>>
      tpu.enqueue_dma source(%dma_start3A_189 : memref<125x80xi32, #tpu.memory_space<hbm>>) target(%arg7 : memref<125x80xi32, #tpu.memory_space<vmem>>) target_semaphore(%run_scoped3A_181 : memref<!tpu.dma_semaphore, #tpu.memory_space<semaphore_mem>>)
      %dma_wait3A_190 = arith.constant 0 : i32
      %dma_wait3A_191 = arith.constant 0 : i32
      %dma_wait3A_192 = tpu.memref_slice %arg3[%add3A, %dma_wait3A_190, %dma_wait3A_191] : memref<32x125x80xi32, #tpu.memory_space<hbm>> -> memref<1x125x80xi32, #tpu.memory_space<hbm>>
      %dma_wait3A_193 = tpu.memref_squeeze %dma_wait3A_192 : memref<1x125x80xi32, #tpu.memory_space<hbm>> -> memref<125x80xi32, #tpu.memory_space<hbm>>
      %dma_wait3A_194 = arith.constant 0 : i32
      %dma_wait3A_195 = arith.constant 0 : i32
      %dma_wait3A_196 = tpu.memref_slice %arg3[%add3A, %dma_wait3A_194, %dma_wait3A_195] : memref<32x125x80xi32, #tpu.memory_space<hbm>> -> memref<1x125x80xi32, #tpu.memory_space<hbm>>
      %dma_wait3A_197 = tpu.memref_squeeze %dma_wait3A_196 : memref<1x125x80xi32, #tpu.memory_space<hbm>> -> memref<125x80xi32, #tpu.memory_space<hbm>>
      tpu.wait_dma2 semaphore(%run_scoped3A_181 : memref<!tpu.dma_semaphore, #tpu.memory_space<semaphore_mem>>) src(%dma_wait3A_197 : memref<125x80xi32, #tpu.memory_space<hbm>>) dst(%arg7 : memref<125x80xi32, #tpu.memory_space<vmem>>)
      tpu.yield
    }) : () -> ()
    %run_scoped3A = arith.constant 0 : i32
    "tpu.region"() ({
      %run_scoped3A_181 = tpu.sem_alloc : memref<!tpu.dma_semaphore, #tpu.memory_space<semaphore_mem>>
      %dma_start3A_182 = arith.constant 0 : i32
      %dma_start3A_183 = arith.constant 0 : i32
      %dma_start3A_184 = tpu.memref_slice %arg6[%run_scoped3A, %dma_start3A_182, %dma_start3A_183] : memref<3x80x128xf32, #tpu.memory_space<vmem>> -> memref<1x80x128xf32, #tpu.memory_space<vmem>>
      %dma_start3A_185 = tpu.memref_squeeze %dma_start3A_184 : memref<1x80x128xf32, #tpu.memory_space<vmem>> -> memref<80x128xf32, #tpu.memory_space<vmem>>
      %dma_start3A_186 = arith.constant 0 : i32
      %dma_start3A_187 = arith.constant 0 : i32
      %dma_start3A_188 = tpu.memref_slice %arg4[%dma_start3A_186, %dma_start3A_187] : memref<80x128xf32, #tpu.memory_space<hbm>> -> memref<80x128xf32, #tpu.memory_space<hbm>>
      %dma_start3A_189 = arith.constant 0 : i32
      %dma_start3A_190 = arith.constant 0 : i32
      %dma_start3A_191 = tpu.memref_slice %arg6[%run_scoped3A, %dma_start3A_189, %dma_start3A_190] : memref<3x80x128xf32, #tpu.memory_space<vmem>> -> memref<1x80x128xf32, #tpu.memory_space<vmem>>
      %dma_start3A_192 = tpu.memref_squeeze %dma_start3A_191 : memref<1x80x128xf32, #tpu.memory_space<vmem>> -> memref<80x128xf32, #tpu.memory_space<vmem>>
      %dma_start3A_193 = arith.constant 0 : i32
      %dma_start3A_194 = arith.constant 0 : i32
      %dma_start3A_195 = tpu.memref_slice %arg4[%dma_start3A_193, %dma_start3A_194] : memref<80x128xf32, #tpu.memory_space<hbm>> -> memref<80x128xf32, #tpu.memory_space<hbm>>
      tpu.enqueue_dma source(%dma_start3A_195 : memref<80x128xf32, #tpu.memory_space<hbm>>) target(%dma_start3A_192 : memref<80x128xf32, #tpu.memory_space<vmem>>) target_semaphore(%run_scoped3A_181 : memref<!tpu.dma_semaphore, #tpu.memory_space<semaphore_mem>>)
      %dma_wait3A_196 = arith.constant 0 : i32
      %dma_wait3A_197 = arith.constant 0 : i32
      %dma_wait3A_198 = tpu.memref_slice %arg6[%run_scoped3A, %dma_wait3A_196, %dma_wait3A_197] : memref<3x80x128xf32, #tpu.memory_space<vmem>> -> memref<1x80x128xf32, #tpu.memory_space<vmem>>
      %dma_wait3A_199 = tpu.memref_squeeze %dma_wait3A_198 : memref<1x80x128xf32, #tpu.memory_space<vmem>> -> memref<80x128xf32, #tpu.memory_space<vmem>>
      %dma_wait3A_200 = arith.constant 0 : i32
      %dma_wait3A_201 = arith.constant 0 : i32
      %dma_wait3A_202 = tpu.memref_slice %arg4[%dma_wait3A_200, %dma_wait3A_201] : memref<80x128xf32, #tpu.memory_space<hbm>> -> memref<80x128xf32, #tpu.memory_space<hbm>>
      %dma_wait3A_203 = arith.constant 0 : i32
      %dma_wait3A_204 = arith.constant 0 : i32
      %dma_wait3A_205 = tpu.memref_slice %arg6[%run_scoped3A, %dma_wait3A_203, %dma_wait3A_204] : memref<3x80x128xf32, #tpu.memory_space<vmem>> -> memref<1x80x128xf32, #tpu.memory_space<vmem>>
      %dma_wait3A_206 = tpu.memref_squeeze %dma_wait3A_205 : memref<1x80x128xf32, #tpu.memory_space<vmem>> -> memref<80x128xf32, #tpu.memory_space<vmem>>
      %dma_wait3A_207 = arith.constant 0 : i32
      %dma_wait3A_208 = arith.constant 0 : i32
      %dma_wait3A_209 = tpu.memref_slice %arg4[%dma_wait3A_207, %dma_wait3A_208] : memref<80x128xf32, #tpu.memory_space<hbm>> -> memref<80x128xf32, #tpu.memory_space<hbm>>
      tpu.wait_dma2 semaphore(%run_scoped3A_181 : memref<!tpu.dma_semaphore, #tpu.memory_space<semaphore_mem>>) src(%dma_wait3A_209 : memref<80x128xf32, #tpu.memory_space<hbm>>) dst(%dma_wait3A_206 : memref<80x128xf32, #tpu.memory_space<vmem>>)
      tpu.yield
    }) : () -> ()
    %add3A_3 = arith.constant 0 : i32
    %add3A_4 = arith.addi %multiple_of3A, %add3A_3 : i32
    %run_scoped3A_5 = arith.constant 0 : i32
    "tpu.region"() ({
      %run_scoped3A_181 = tpu.sem_alloc : memref<!tpu.dma_semaphore, #tpu.memory_space<semaphore_mem>>
      %dma_start3A_182 = arith.constant 0 : i32
      %dma_start3A_183 = arith.constant 0 : i32
      %dma_start3A_184 = tpu.memref_slice %arg6[%run_scoped3A_5, %dma_start3A_182, %dma_start3A_183] : memref<3x80x128xf32, #tpu.memory_space<vmem>> -> memref<1x80x128xf32, #tpu.memory_space<vmem>>
      %dma_start3A_185 = tpu.memref_squeeze %dma_start3A_184 : memref<1x80x128xf32, #tpu.memory_space<vmem>> -> memref<80x128xf32, #tpu.memory_space<vmem>>
      %dma_start3A_186 = arith.constant 0 : i32
      %dma_start3A_187 = tpu.memref_slice %arg8[%add3A_4, %dma_start3A_186] : memref<10240x128xf32, #tpu.memory_space<vmem_shared>> -> memref<80x128xf32, #tpu.memory_space<vmem_shared>>
      %dma_start3A_188 = arith.constant 0 : i32
      %dma_start3A_189 = tpu.memref_slice %arg8[%add3A_4, %dma_start3A_188] : memref<10240x128xf32, #tpu.memory_space<vmem_shared>> -> memref<80x128xf32, #tpu.memory_space<vmem_shared>>
      %dma_start3A_190 = arith.constant 0 : i32
      %dma_start3A_191 = arith.constant 0 : i32
      %dma_start3A_192 = tpu.memref_slice %arg6[%run_scoped3A_5, %dma_start3A_190, %dma_start3A_191] : memref<3x80x128xf32, #tpu.memory_space<vmem>> -> memref<1x80x128xf32, #tpu.memory_space<vmem>>
      %dma_start3A_193 = tpu.memref_squeeze %dma_start3A_192 : memref<1x80x128xf32, #tpu.memory_space<vmem>> -> memref<80x128xf32, #tpu.memory_space<vmem>>
      tpu.enqueue_dma source(%dma_start3A_193 : memref<80x128xf32, #tpu.memory_space<vmem>>) target(%dma_start3A_189 : memref<80x128xf32, #tpu.memory_space<vmem_shared>>) target_semaphore(%run_scoped3A_181 : memref<!tpu.dma_semaphore, #tpu.memory_space<semaphore_mem>>)
      %dma_wait3A_194 = arith.constant 0 : i32
      %dma_wait3A_195 = arith.constant 0 : i32
      %dma_wait3A_196 = tpu.memref_slice %arg6[%run_scoped3A_5, %dma_wait3A_194, %dma_wait3A_195] : memref<3x80x128xf32, #tpu.memory_space<vmem>> -> memref<1x80x128xf32, #tpu.memory_space<vmem>>
      %dma_wait3A_197 = tpu.memref_squeeze %dma_wait3A_196 : memref<1x80x128xf32, #tpu.memory_space<vmem>> -> memref<80x128xf32, #tpu.memory_space<vmem>>
      %dma_wait3A_198 = arith.constant 0 : i32
      %dma_wait3A_199 = tpu.memref_slice %arg8[%add3A_4, %dma_wait3A_198] : memref<10240x128xf32, #tpu.memory_space<vmem_shared>> -> memref<80x128xf32, #tpu.memory_space<vmem_shared>>
      %dma_wait3A_200 = arith.constant 0 : i32
      %dma_wait3A_201 = tpu.memref_slice %arg8[%add3A_4, %dma_wait3A_200] : memref<10240x128xf32, #tpu.memory_space<vmem_shared>> -> memref<80x128xf32, #tpu.memory_space<vmem_shared>>
      %dma_wait3A_202 = arith.constant 0 : i32
      %dma_wait3A_203 = arith.constant 0 : i32
      %dma_wait3A_204 = tpu.memref_slice %arg6[%run_scoped3A_5, %dma_wait3A_202, %dma_wait3A_203] : memref<3x80x128xf32, #tpu.memory_space<vmem>> -> memref<1x80x128xf32, #tpu.memory_space<vmem>>
      %dma_wait3A_205 = tpu.memref_squeeze %dma_wait3A_204 : memref<1x80x128xf32, #tpu.memory_space<vmem>> -> memref<80x128xf32, #tpu.memory_space<vmem>>
      tpu.wait_dma2 semaphore(%run_scoped3A_181 : memref<!tpu.dma_semaphore, #tpu.memory_space<semaphore_mem>>) src(%dma_wait3A_205 : memref<80x128xf32, #tpu.memory_space<vmem>>) dst(%dma_wait3A_201 : memref<80x128xf32, #tpu.memory_space<vmem_shared>>)
      tpu.yield
    }) : () -> ()
    %add3A_6 = arith.constant 80 : i32
    %add3A_7 = arith.addi %multiple_of3A, %add3A_6 : i32
    %run_scoped3A_8 = arith.constant 0 : i32
    "tpu.region"() ({
      %run_scoped3A_181 = tpu.sem_alloc : memref<!tpu.dma_semaphore, #tpu.memory_space<semaphore_mem>>
      %dma_start3A_182 = arith.constant 0 : i32
      %dma_start3A_183 = arith.constant 0 : i32
      %dma_start3A_184 = tpu.memref_slice %arg6[%run_scoped3A_8, %dma_start3A_182, %dma_start3A_183] : memref<3x80x128xf32, #tpu.memory_space<vmem>> -> memref<1x80x128xf32, #tpu.memory_space<vmem>>
      %dma_start3A_185 = tpu.memref_squeeze %dma_start3A_184 : memref<1x80x128xf32, #tpu.memory_space<vmem>> -> memref<80x128xf32, #tpu.memory_space<vmem>>
      %dma_start3A_186 = arith.constant 0 : i32
      %dma_start3A_187 = tpu.memref_slice %arg8[%add3A_7, %dma_start3A_186] : memref<10240x128xf32, #tpu.memory_space<vmem_shared>> -> memref<80x128xf32, #tpu.memory_space<vmem_shared>>
      %dma_start3A_188 = arith.constant 0 : i32
      %dma_start3A_189 = tpu.memref_slice %arg8[%add3A_7, %dma_start3A_188] : memref<10240x128xf32, #tpu.memory_space<vmem_shared>> -> memref<80x128xf32, #tpu.memory_space<vmem_shared>>
      %dma_start3A_190 = arith.constant 0 : i32
      %dma_start3A_191 = arith.constant 0 : i32
      %dma_start3A_192 = tpu.memref_slice %arg6[%run_scoped3A_8, %dma_start3A_190, %dma_start3A_191] : memref<3x80x128xf32, #tpu.memory_space<vmem>> -> memref<1x80x128xf32, #tpu.memory_space<vmem>>
      %dma_start3A_193 = tpu.memref_squeeze %dma_start3A_192 : memref<1x80x128xf32, #tpu.memory_space<vmem>> -> memref<80x128xf32, #tpu.memory_space<vmem>>
      tpu.enqueue_dma source(%dma_start3A_193 : memref<80x128xf32, #tpu.memory_space<vmem>>) target(%dma_start3A_189 : memref<80x128xf32, #tpu.memory_space<vmem_shared>>) target_semaphore(%run_scoped3A_181 : memref<!tpu.dma_semaphore, #tpu.memory_space<semaphore_mem>>)
      %dma_wait3A_194 = arith.constant 0 : i32
      %dma_wait3A_195 = arith.constant 0 : i32
      %dma_wait3A_196 = tpu.memref_slice %arg6[%run_scoped3A_8, %dma_wait3A_194, %dma_wait3A_195] : memref<3x80x128xf32, #tpu.memory_space<vmem>> -> memref<1x80x128xf32, #tpu.memory_space<vmem>>
      %dma_wait3A_197 = tpu.memref_squeeze %dma_wait3A_196 : memref<1x80x128xf32, #tpu.memory_space<vmem>> -> memref<80x128xf32, #tpu.memory_space<vmem>>
      %dma_wait3A_198 = arith.constant 0 : i32
      %dma_wait3A_199 = tpu.memref_slice %arg8[%add3A_7, %dma_wait3A_198] : memref<10240x128xf32, #tpu.memory_space<vmem_shared>> -> memref<80x128xf32, #tpu.memory_space<vmem_shared>>
      %dma_wait3A_200 = arith.constant 0 : i32
      %dma_wait3A_201 = tpu.memref_slice %arg8[%add3A_7, %dma_wait3A_200] : memref<10240x128xf32, #tpu.memory_space<vmem_shared>> -> memref<80x128xf32, #tpu.memory_space<vmem_shared>>
      %dma_wait3A_202 = arith.constant 0 : i32
      %dma_wait3A_203 = arith.constant 0 : i32
      %dma_wait3A_204 = tpu.memref_slice %arg6[%run_scoped3A_8, %dma_wait3A_202, %dma_wait3A_203] : memref<3x80x128xf32, #tpu.memory_space<vmem>> -> memref<1x80x128xf32, #tpu.memory_space<vmem>>
      %dma_wait3A_205 = tpu.memref_squeeze %dma_wait3A_204 : memref<1x80x128xf32, #tpu.memory_space<vmem>> -> memref<80x128xf32, #tpu.memory_space<vmem>>
      tpu.wait_dma2 semaphore(%run_scoped3A_181 : memref<!tpu.dma_semaphore, #tpu.memory_space<semaphore_mem>>) src(%dma_wait3A_205 : memref<80x128xf32, #tpu.memory_space<vmem>>) dst(%dma_wait3A_201 : memref<80x128xf32, #tpu.memory_space<vmem_shared>>)
      tpu.yield
    }) : () -> ()
    %add3A_9 = arith.constant 160 : i32
    %add3A_10 = arith.addi %multiple_of3A, %add3A_9 : i32
    %run_scoped3A_11 = arith.constant 0 : i32
    "tpu.region"() ({
      %run_scoped3A_181 = tpu.sem_alloc : memref<!tpu.dma_semaphore, #tpu.memory_space<semaphore_mem>>
      %dma_start3A_182 = arith.constant 0 : i32
      %dma_start3A_183 = arith.constant 0 : i32
      %dma_start3A_184 = tpu.memref_slice %arg6[%run_scoped3A_11, %dma_start3A_182, %dma_start3A_183] : memref<3x80x128xf32, #tpu.memory_space<vmem>> -> memref<1x80x128xf32, #tpu.memory_space<vmem>>
      %dma_start3A_185 = tpu.memref_squeeze %dma_start3A_184 : memref<1x80x128xf32, #tpu.memory_space<vmem>> -> memref<80x128xf32, #tpu.memory_space<vmem>>
      %dma_start3A_186 = arith.constant 0 : i32
      %dma_start3A_187 = tpu.memref_slice %arg8[%add3A_10, %dma_start3A_186] : memref<10240x128xf32, #tpu.memory_space<vmem_shared>> -> memref<80x128xf32, #tpu.memory_space<vmem_shared>>
      %dma_start3A_188 = arith.constant 0 : i32
      %dma_start3A_189 = tpu.memref_slice %arg8[%add3A_10, %dma_start3A_188] : memref<10240x128xf32, #tpu.memory_space<vmem_shared>> -> memref<80x128xf32, #tpu.memory_space<vmem_shared>>
      %dma_start3A_190 = arith.constant 0 : i32
      %dma_start3A_191 = arith.constant 0 : i32
      %dma_start3A_192 = tpu.memref_slice %arg6[%run_scoped3A_11, %dma_start3A_190, %dma_start3A_191] : memref<3x80x128xf32, #tpu.memory_space<vmem>> -> memref<1x80x128xf32, #tpu.memory_space<vmem>>
      %dma_start3A_193 = tpu.memref_squeeze %dma_start3A_192 : memref<1x80x128xf32, #tpu.memory_space<vmem>> -> memref<80x128xf32, #tpu.memory_space<vmem>>
      tpu.enqueue_dma source(%dma_start3A_193 : memref<80x128xf32, #tpu.memory_space<vmem>>) target(%dma_start3A_189 : memref<80x128xf32, #tpu.memory_space<vmem_shared>>) target_semaphore(%run_scoped3A_181 : memref<!tpu.dma_semaphore, #tpu.memory_space<semaphore_mem>>)
      %dma_wait3A_194 = arith.constant 0 : i32
      %dma_wait3A_195 = arith.constant 0 : i32
      %dma_wait3A_196 = tpu.memref_slice %arg6[%run_scoped3A_11, %dma_wait3A_194, %dma_wait3A_195] : memref<3x80x128xf32, #tpu.memory_space<vmem>> -> memref<1x80x128xf32, #tpu.memory_space<vmem>>
      %dma_wait3A_197 = tpu.memref_squeeze %dma_wait3A_196 : memref<1x80x128xf32, #tpu.memory_space<vmem>> -> memref<80x128xf32, #tpu.memory_space<vmem>>
      %dma_wait3A_198 = arith.constant 0 : i32
      %dma_wait3A_199 = tpu.memref_slice %arg8[%add3A_10, %dma_wait3A_198] : memref<10240x128xf32, #tpu.memory_space<vmem_shared>> -> memref<80x128xf32, #tpu.memory_space<vmem_shared>>
      %dma_wait3A_200 = arith.constant 0 : i32
      %dma_wait3A_201 = tpu.memref_slice %arg8[%add3A_10, %dma_wait3A_200] : memref<10240x128xf32, #tpu.memory_space<vmem_shared>> -> memref<80x128xf32, #tpu.memory_space<vmem_shared>>
      %dma_wait3A_202 = arith.constant 0 : i32
      %dma_wait3A_203 = arith.constant 0 : i32
      %dma_wait3A_204 = tpu.memref_slice %arg6[%run_scoped3A_11, %dma_wait3A_202, %dma_wait3A_203] : memref<3x80x128xf32, #tpu.memory_space<vmem>> -> memref<1x80x128xf32, #tpu.memory_space<vmem>>
      %dma_wait3A_205 = tpu.memref_squeeze %dma_wait3A_204 : memref<1x80x128xf32, #tpu.memory_space<vmem>> -> memref<80x128xf32, #tpu.memory_space<vmem>>
      tpu.wait_dma2 semaphore(%run_scoped3A_181 : memref<!tpu.dma_semaphore, #tpu.memory_space<semaphore_mem>>) src(%dma_wait3A_205 : memref<80x128xf32, #tpu.memory_space<vmem>>) dst(%dma_wait3A_201 : memref<80x128xf32, #tpu.memory_space<vmem_shared>>)
      tpu.yield
    }) : () -> ()
    %add3A_12 = arith.constant 240 : i32
    %add3A_13 = arith.addi %multiple_of3A, %add3A_12 : i32
    %run_scoped3A_14 = arith.constant 0 : i32
    "tpu.region"() ({
      %run_scoped3A_181 = tpu.sem_alloc : memref<!tpu.dma_semaphore, #tpu.memory_space<semaphore_mem>>
      %dma_start3A_182 = arith.constant 0 : i32
      %dma_start3A_183 = arith.constant 0 : i32
      %dma_start3A_184 = tpu.memref_slice %arg6[%run_scoped3A_14, %dma_start3A_182, %dma_start3A_183] : memref<3x80x128xf32, #tpu.memory_space<vmem>> -> memref<1x80x128xf32, #tpu.memory_space<vmem>>
      %dma_start3A_185 = tpu.memref_squeeze %dma_start3A_184 : memref<1x80x128xf32, #tpu.memory_space<vmem>> -> memref<80x128xf32, #tpu.memory_space<vmem>>
      %dma_start3A_186 = arith.constant 0 : i32
      %dma_start3A_187 = tpu.memref_slice %arg8[%add3A_13, %dma_start3A_186] : memref<10240x128xf32, #tpu.memory_space<vmem_shared>> -> memref<80x128xf32, #tpu.memory_space<vmem_shared>>
      %dma_start3A_188 = arith.constant 0 : i32
      %dma_start3A_189 = tpu.memref_slice %arg8[%add3A_13, %dma_start3A_188] : memref<10240x128xf32, #tpu.memory_space<vmem_shared>> -> memref<80x128xf32, #tpu.memory_space<vmem_shared>>
      %dma_start3A_190 = arith.constant 0 : i32
      %dma_start3A_191 = arith.constant 0 : i32
      %dma_start3A_192 = tpu.memref_slice %arg6[%run_scoped3A_14, %dma_start3A_190, %dma_start3A_191] : memref<3x80x128xf32, #tpu.memory_space<vmem>> -> memref<1x80x128xf32, #tpu.memory_space<vmem>>
      %dma_start3A_193 = tpu.memref_squeeze %dma_start3A_192 : memref<1x80x128xf32, #tpu.memory_space<vmem>> -> memref<80x128xf32, #tpu.memory_space<vmem>>
      tpu.enqueue_dma source(%dma_start3A_193 : memref<80x128xf32, #tpu.memory_space<vmem>>) target(%dma_start3A_189 : memref<80x128xf32, #tpu.memory_space<vmem_shared>>) target_semaphore(%run_scoped3A_181 : memref<!tpu.dma_semaphore, #tpu.memory_space<semaphore_mem>>)
      %dma_wait3A_194 = arith.constant 0 : i32
      %dma_wait3A_195 = arith.constant 0 : i32
      %dma_wait3A_196 = tpu.memref_slice %arg6[%run_scoped3A_14, %dma_wait3A_194, %dma_wait3A_195] : memref<3x80x128xf32, #tpu.memory_space<vmem>> -> memref<1x80x128xf32, #tpu.memory_space<vmem>>
      %dma_wait3A_197 = tpu.memref_squeeze %dma_wait3A_196 : memref<1x80x128xf32, #tpu.memory_space<vmem>> -> memref<80x128xf32, #tpu.memory_space<vmem>>
      %dma_wait3A_198 = arith.constant 0 : i32
      %dma_wait3A_199 = tpu.memref_slice %arg8[%add3A_13, %dma_wait3A_198] : memref<10240x128xf32, #tpu.memory_space<vmem_shared>> -> memref<80x128xf32, #tpu.memory_space<vmem_shared>>
      %dma_wait3A_200 = arith.constant 0 : i32
      %dma_wait3A_201 = tpu.memref_slice %arg8[%add3A_13, %dma_wait3A_200] : memref<10240x128xf32, #tpu.memory_space<vmem_shared>> -> memref<80x128xf32, #tpu.memory_space<vmem_shared>>
      %dma_wait3A_202 = arith.constant 0 : i32
      %dma_wait3A_203 = arith.constant 0 : i32
      %dma_wait3A_204 = tpu.memref_slice %arg6[%run_scoped3A_14, %dma_wait3A_202, %dma_wait3A_203] : memref<3x80x128xf32, #tpu.memory_space<vmem>> -> memref<1x80x128xf32, #tpu.memory_space<vmem>>
      %dma_wait3A_205 = tpu.memref_squeeze %dma_wait3A_204 : memref<1x80x128xf32, #tpu.memory_space<vmem>> -> memref<80x128xf32, #tpu.memory_space<vmem>>
      tpu.wait_dma2 semaphore(%run_scoped3A_181 : memref<!tpu.dma_semaphore, #tpu.memory_space<semaphore_mem>>) src(%dma_wait3A_205 : memref<80x128xf32, #tpu.memory_space<vmem>>) dst(%dma_wait3A_201 : memref<80x128xf32, #tpu.memory_space<vmem_shared>>)
      tpu.yield
    }) : () -> ()
    %add3A_15 = arith.constant 320 : i32
    %add3A_16 = arith.addi %multiple_of3A, %add3A_15 : i32
    %run_scoped3A_17 = arith.constant 0 : i32
    "tpu.region"() ({
      %run_scoped3A_181 = tpu.sem_alloc : memref<!tpu.dma_semaphore, #tpu.memory_space<semaphore_mem>>
      %dma_start3A_182 = arith.constant 0 : i32
      %dma_start3A_183 = arith.constant 0 : i32
      %dma_start3A_184 = tpu.memref_slice %arg6[%run_scoped3A_17, %dma_start3A_182, %dma_start3A_183] : memref<3x80x128xf32, #tpu.memory_space<vmem>> -> memref<1x80x128xf32, #tpu.memory_space<vmem>>
      %dma_start3A_185 = tpu.memref_squeeze %dma_start3A_184 : memref<1x80x128xf32, #tpu.memory_space<vmem>> -> memref<80x128xf32, #tpu.memory_space<vmem>>
      %dma_start3A_186 = arith.constant 0 : i32
      %dma_start3A_187 = tpu.memref_slice %arg8[%add3A_16, %dma_start3A_186] : memref<10240x128xf32, #tpu.memory_space<vmem_shared>> -> memref<80x128xf32, #tpu.memory_space<vmem_shared>>
      %dma_start3A_188 = arith.constant 0 : i32
      %dma_start3A_189 = tpu.memref_slice %arg8[%add3A_16, %dma_start3A_188] : memref<10240x128xf32, #tpu.memory_space<vmem_shared>> -> memref<80x128xf32, #tpu.memory_space<vmem_shared>>
      %dma_start3A_190 = arith.constant 0 : i32
      %dma_start3A_191 = arith.constant 0 : i32
      %dma_start3A_192 = tpu.memref_slice %arg6[%run_scoped3A_17, %dma_start3A_190, %dma_start3A_191] : memref<3x80x128xf32, #tpu.memory_space<vmem>> -> memref<1x80x128xf32, #tpu.memory_space<vmem>>
      %dma_start3A_193 = tpu.memref_squeeze %dma_start3A_192 : memref<1x80x128xf32, #tpu.memory_space<vmem>> -> memref<80x128xf32, #tpu.memory_space<vmem>>
      tpu.enqueue_dma source(%dma_start3A_193 : memref<80x128xf32, #tpu.memory_space<vmem>>) target(%dma_start3A_189 : memref<80x128xf32, #tpu.memory_space<vmem_shared>>) target_semaphore(%run_scoped3A_181 : memref<!tpu.dma_semaphore, #tpu.memory_space<semaphore_mem>>)
      %dma_wait3A_194 = arith.constant 0 : i32
      %dma_wait3A_195 = arith.constant 0 : i32
      %dma_wait3A_196 = tpu.memref_slice %arg6[%run_scoped3A_17, %dma_wait3A_194, %dma_wait3A_195] : memref<3x80x128xf32, #tpu.memory_space<vmem>> -> memref<1x80x128xf32, #tpu.memory_space<vmem>>
      %dma_wait3A_197 = tpu.memref_squeeze %dma_wait3A_196 : memref<1x80x128xf32, #tpu.memory_space<vmem>> -> memref<80x128xf32, #tpu.memory_space<vmem>>
      %dma_wait3A_198 = arith.constant 0 : i32
      %dma_wait3A_199 = tpu.memref_slice %arg8[%add3A_16, %dma_wait3A_198] : memref<10240x128xf32, #tpu.memory_space<vmem_shared>> -> memref<80x128xf32, #tpu.memory_space<vmem_shared>>
      %dma_wait3A_200 = arith.constant 0 : i32
      %dma_wait3A_201 = tpu.memref_slice %arg8[%add3A_16, %dma_wait3A_200] : memref<10240x128xf32, #tpu.memory_space<vmem_shared>> -> memref<80x128xf32, #tpu.memory_space<vmem_shared>>
      %dma_wait3A_202 = arith.constant 0 : i32
      %dma_wait3A_203 = arith.constant 0 : i32
      %dma_wait3A_204 = tpu.memref_slice %arg6[%run_scoped3A_17, %dma_wait3A_202, %dma_wait3A_203] : memref<3x80x128xf32, #tpu.memory_space<vmem>> -> memref<1x80x128xf32, #tpu.memory_space<vmem>>
      %dma_wait3A_205 = tpu.memref_squeeze %dma_wait3A_204 : memref<1x80x128xf32, #tpu.memory_space<vmem>> -> memref<80x128xf32, #tpu.memory_space<vmem>>
      tpu.wait_dma2 semaphore(%run_scoped3A_181 : memref<!tpu.dma_semaphore, #tpu.memory_space<semaphore_mem>>) src(%dma_wait3A_205 : memref<80x128xf32, #tpu.memory_space<vmem>>) dst(%dma_wait3A_201 : memref<80x128xf32, #tpu.memory_space<vmem_shared>>)
      tpu.yield
    }) : () -> ()
    %add3A_18 = arith.constant 400 : i32
    %add3A_19 = arith.addi %multiple_of3A, %add3A_18 : i32
    %run_scoped3A_20 = arith.constant 0 : i32
    "tpu.region"() ({
      %run_scoped3A_181 = tpu.sem_alloc : memref<!tpu.dma_semaphore, #tpu.memory_space<semaphore_mem>>
      %dma_start3A_182 = arith.constant 0 : i32
      %dma_start3A_183 = arith.constant 0 : i32
      %dma_start3A_184 = tpu.memref_slice %arg6[%run_scoped3A_20, %dma_start3A_182, %dma_start3A_183] : memref<3x80x128xf32, #tpu.memory_space<vmem>> -> memref<1x80x128xf32, #tpu.memory_space<vmem>>
      %dma_start3A_185 = tpu.memref_squeeze %dma_start3A_184 : memref<1x80x128xf32, #tpu.memory_space<vmem>> -> memref<80x128xf32, #tpu.memory_space<vmem>>
      %dma_start3A_186 = arith.constant 0 : i32
      %dma_start3A_187 = tpu.memref_slice %arg8[%add3A_19, %dma_start3A_186] : memref<10240x128xf32, #tpu.memory_space<vmem_shared>> -> memref<80x128xf32, #tpu.memory_space<vmem_shared>>
      %dma_start3A_188 = arith.constant 0 : i32
      %dma_start3A_189 = tpu.memref_slice %arg8[%add3A_19, %dma_start3A_188] : memref<10240x128xf32, #tpu.memory_space<vmem_shared>> -> memref<80x128xf32, #tpu.memory_space<vmem_shared>>
      %dma_start3A_190 = arith.constant 0 : i32
      %dma_start3A_191 = arith.constant 0 : i32
      %dma_start3A_192 = tpu.memref_slice %arg6[%run_scoped3A_20, %dma_start3A_190, %dma_start3A_191] : memref<3x80x128xf32, #tpu.memory_space<vmem>> -> memref<1x80x128xf32, #tpu.memory_space<vmem>>
      %dma_start3A_193 = tpu.memref_squeeze %dma_start3A_192 : memref<1x80x128xf32, #tpu.memory_space<vmem>> -> memref<80x128xf32, #tpu.memory_space<vmem>>
      tpu.enqueue_dma source(%dma_start3A_193 : memref<80x128xf32, #tpu.memory_space<vmem>>) target(%dma_start3A_189 : memref<80x128xf32, #tpu.memory_space<vmem_shared>>) target_semaphore(%run_scoped3A_181 : memref<!tpu.dma_semaphore, #tpu.memory_space<semaphore_mem>>)
      %dma_wait3A_194 = arith.constant 0 : i32
      %dma_wait3A_195 = arith.constant 0 : i32
      %dma_wait3A_196 = tpu.memref_slice %arg6[%run_scoped3A_20, %dma_wait3A_194, %dma_wait3A_195] : memref<3x80x128xf32, #tpu.memory_space<vmem>> -> memref<1x80x128xf32, #tpu.memory_space<vmem>>
      %dma_wait3A_197 = tpu.memref_squeeze %dma_wait3A_196 : memref<1x80x128xf32, #tpu.memory_space<vmem>> -> memref<80x128xf32, #tpu.memory_space<vmem>>
      %dma_wait3A_198 = arith.constant 0 : i32
      %dma_wait3A_199 = tpu.memref_slice %arg8[%add3A_19, %dma_wait3A_198] : memref<10240x128xf32, #tpu.memory_space<vmem_shared>> -> memref<80x128xf32, #tpu.memory_space<vmem_shared>>
      %dma_wait3A_200 = arith.constant 0 : i32
      %dma_wait3A_201 = tpu.memref_slice %arg8[%add3A_19, %dma_wait3A_200] : memref<10240x128xf32, #tpu.memory_space<vmem_shared>> -> memref<80x128xf32, #tpu.memory_space<vmem_shared>>
      %dma_wait3A_202 = arith.constant 0 : i32
      %dma_wait3A_203 = arith.constant 0 : i32
      %dma_wait3A_204 = tpu.memref_slice %arg6[%run_scoped3A_20, %dma_wait3A_202, %dma_wait3A_203] : memref<3x80x128xf32, #tpu.memory_space<vmem>> -> memref<1x80x128xf32, #tpu.memory_space<vmem>>
      %dma_wait3A_205 = tpu.memref_squeeze %dma_wait3A_204 : memref<1x80x128xf32, #tpu.memory_space<vmem>> -> memref<80x128xf32, #tpu.memory_space<vmem>>
      tpu.wait_dma2 semaphore(%run_scoped3A_181 : memref<!tpu.dma_semaphore, #tpu.memory_space<semaphore_mem>>) src(%dma_wait3A_205 : memref<80x128xf32, #tpu.memory_space<vmem>>) dst(%dma_wait3A_201 : memref<80x128xf32, #tpu.memory_space<vmem_shared>>)
      tpu.yield
    }) : () -> ()
    %add3A_21 = arith.constant 480 : i32
    %add3A_22 = arith.addi %multiple_of3A, %add3A_21 : i32
    %run_scoped3A_23 = arith.constant 0 : i32
    "tpu.region"() ({
      %run_scoped3A_181 = tpu.sem_alloc : memref<!tpu.dma_semaphore, #tpu.memory_space<semaphore_mem>>
      %dma_start3A_182 = arith.constant 0 : i32
      %dma_start3A_183 = arith.constant 0 : i32
      %dma_start3A_184 = tpu.memref_slice %arg6[%run_scoped3A_23, %dma_start3A_182, %dma_start3A_183] : memref<3x80x128xf32, #tpu.memory_space<vmem>> -> memref<1x80x128xf32, #tpu.memory_space<vmem>>
      %dma_start3A_185 = tpu.memref_squeeze %dma_start3A_184 : memref<1x80x128xf32, #tpu.memory_space<vmem>> -> memref<80x128xf32, #tpu.memory_space<vmem>>
      %dma_start3A_186 = arith.constant 0 : i32
      %dma_start3A_187 = tpu.memref_slice %arg8[%add3A_22, %dma_start3A_186] : memref<10240x128xf32, #tpu.memory_space<vmem_shared>> -> memref<80x128xf32, #tpu.memory_space<vmem_shared>>
      %dma_start3A_188 = arith.constant 0 : i32
      %dma_start3A_189 = tpu.memref_slice %arg8[%add3A_22, %dma_start3A_188] : memref<10240x128xf32, #tpu.memory_space<vmem_shared>> -> memref<80x128xf32, #tpu.memory_space<vmem_shared>>
      %dma_start3A_190 = arith.constant 0 : i32
      %dma_start3A_191 = arith.constant 0 : i32
      %dma_start3A_192 = tpu.memref_slice %arg6[%run_scoped3A_23, %dma_start3A_190, %dma_start3A_191] : memref<3x80x128xf32, #tpu.memory_space<vmem>> -> memref<1x80x128xf32, #tpu.memory_space<vmem>>
      %dma_start3A_193 = tpu.memref_squeeze %dma_start3A_192 : memref<1x80x128xf32, #tpu.memory_space<vmem>> -> memref<80x128xf32, #tpu.memory_space<vmem>>
      tpu.enqueue_dma source(%dma_start3A_193 : memref<80x128xf32, #tpu.memory_space<vmem>>) target(%dma_start3A_189 : memref<80x128xf32, #tpu.memory_space<vmem_shared>>) target_semaphore(%run_scoped3A_181 : memref<!tpu.dma_semaphore, #tpu.memory_space<semaphore_mem>>)
      %dma_wait3A_194 = arith.constant 0 : i32
      %dma_wait3A_195 = arith.constant 0 : i32
      %dma_wait3A_196 = tpu.memref_slice %arg6[%run_scoped3A_23, %dma_wait3A_194, %dma_wait3A_195] : memref<3x80x128xf32, #tpu.memory_space<vmem>> -> memref<1x80x128xf32, #tpu.memory_space<vmem>>
      %dma_wait3A_197 = tpu.memref_squeeze %dma_wait3A_196 : memref<1x80x128xf32, #tpu.memory_space<vmem>> -> memref<80x128xf32, #tpu.memory_space<vmem>>
      %dma_wait3A_198 = arith.constant 0 : i32
      %dma_wait3A_199 = tpu.memref_slice %arg8[%add3A_22, %dma_wait3A_198] : memref<10240x128xf32, #tpu.memory_space<vmem_shared>> -> memref<80x128xf32, #tpu.memory_space<vmem_shared>>
      %dma_wait3A_200 = arith.constant 0 : i32
      %dma_wait3A_201 = tpu.memref_slice %arg8[%add3A_22, %dma_wait3A_200] : memref<10240x128xf32, #tpu.memory_space<vmem_shared>> -> memref<80x128xf32, #tpu.memory_space<vmem_shared>>
      %dma_wait3A_202 = arith.constant 0 : i32
      %dma_wait3A_203 = arith.constant 0 : i32
      %dma_wait3A_204 = tpu.memref_slice %arg6[%run_scoped3A_23, %dma_wait3A_202, %dma_wait3A_203] : memref<3x80x128xf32, #tpu.memory_space<vmem>> -> memref<1x80x128xf32, #tpu.memory_space<vmem>>
      %dma_wait3A_205 = tpu.memref_squeeze %dma_wait3A_204 : memref<1x80x128xf32, #tpu.memory_space<vmem>> -> memref<80x128xf32, #tpu.memory_space<vmem>>
      tpu.wait_dma2 semaphore(%run_scoped3A_181 : memref<!tpu.dma_semaphore, #tpu.memory_space<semaphore_mem>>) src(%dma_wait3A_205 : memref<80x128xf32, #tpu.memory_space<vmem>>) dst(%dma_wait3A_201 : memref<80x128xf32, #tpu.memory_space<vmem_shared>>)
      tpu.yield
    }) : () -> ()
    %add3A_24 = arith.constant 560 : i32
    %add3A_25 = arith.addi %multiple_of3A, %add3A_24 : i32
    %run_scoped3A_26 = arith.constant 0 : i32
    "tpu.region"() ({
      %run_scoped3A_181 = tpu.sem_alloc : memref<!tpu.dma_semaphore, #tpu.memory_space<semaphore_mem>>
      %dma_start3A_182 = arith.constant 0 : i32
      %dma_start3A_183 = arith.constant 0 : i32
      %dma_start3A_184 = tpu.memref_slice %arg6[%run_scoped3A_26, %dma_start3A_182, %dma_start3A_183] : memref<3x80x128xf32, #tpu.memory_space<vmem>> -> memref<1x80x128xf32, #tpu.memory_space<vmem>>
      %dma_start3A_185 = tpu.memref_squeeze %dma_start3A_184 : memref<1x80x128xf32, #tpu.memory_space<vmem>> -> memref<80x128xf32, #tpu.memory_space<vmem>>
      %dma_start3A_186 = arith.constant 0 : i32
      %dma_start3A_187 = tpu.memref_slice %arg8[%add3A_25, %dma_start3A_186] : memref<10240x128xf32, #tpu.memory_space<vmem_shared>> -> memref<80x128xf32, #tpu.memory_space<vmem_shared>>
      %dma_start3A_188 = arith.constant 0 : i32
      %dma_start3A_189 = tpu.memref_slice %arg8[%add3A_25, %dma_start3A_188] : memref<10240x128xf32, #tpu.memory_space<vmem_shared>> -> memref<80x128xf32, #tpu.memory_space<vmem_shared>>
      %dma_start3A_190 = arith.constant 0 : i32
      %dma_start3A_191 = arith.constant 0 : i32
      %dma_start3A_192 = tpu.memref_slice %arg6[%run_scoped3A_26, %dma_start3A_190, %dma_start3A_191] : memref<3x80x128xf32, #tpu.memory_space<vmem>> -> memref<1x80x128xf32, #tpu.memory_space<vmem>>
      %dma_start3A_193 = tpu.memref_squeeze %dma_start3A_192 : memref<1x80x128xf32, #tpu.memory_space<vmem>> -> memref<80x128xf32, #tpu.memory_space<vmem>>
      tpu.enqueue_dma source(%dma_start3A_193 : memref<80x128xf32, #tpu.memory_space<vmem>>) target(%dma_start3A_189 : memref<80x128xf32, #tpu.memory_space<vmem_shared>>) target_semaphore(%run_scoped3A_181 : memref<!tpu.dma_semaphore, #tpu.memory_space<semaphore_mem>>)
      %dma_wait3A_194 = arith.constant 0 : i32
      %dma_wait3A_195 = arith.constant 0 : i32
      %dma_wait3A_196 = tpu.memref_slice %arg6[%run_scoped3A_26, %dma_wait3A_194, %dma_wait3A_195] : memref<3x80x128xf32, #tpu.memory_space<vmem>> -> memref<1x80x128xf32, #tpu.memory_space<vmem>>
      %dma_wait3A_197 = tpu.memref_squeeze %dma_wait3A_196 : memref<1x80x128xf32, #tpu.memory_space<vmem>> -> memref<80x128xf32, #tpu.memory_space<vmem>>
      %dma_wait3A_198 = arith.constant 0 : i32
      %dma_wait3A_199 = tpu.memref_slice %arg8[%add3A_25, %dma_wait3A_198] : memref<10240x128xf32, #tpu.memory_space<vmem_shared>> -> memref<80x128xf32, #tpu.memory_space<vmem_shared>>
      %dma_wait3A_200 = arith.constant 0 : i32
      %dma_wait3A_201 = tpu.memref_slice %arg8[%add3A_25, %dma_wait3A_200] : memref<10240x128xf32, #tpu.memory_space<vmem_shared>> -> memref<80x128xf32, #tpu.memory_space<vmem_shared>>
      %dma_wait3A_202 = arith.constant 0 : i32
      %dma_wait3A_203 = arith.constant 0 : i32
      %dma_wait3A_204 = tpu.memref_slice %arg6[%run_scoped3A_26, %dma_wait3A_202, %dma_wait3A_203] : memref<3x80x128xf32, #tpu.memory_space<vmem>> -> memref<1x80x128xf32, #tpu.memory_space<vmem>>
      %dma_wait3A_205 = tpu.memref_squeeze %dma_wait3A_204 : memref<1x80x128xf32, #tpu.memory_space<vmem>> -> memref<80x128xf32, #tpu.memory_space<vmem>>
      tpu.wait_dma2 semaphore(%run_scoped3A_181 : memref<!tpu.dma_semaphore, #tpu.memory_space<semaphore_mem>>) src(%dma_wait3A_205 : memref<80x128xf32, #tpu.memory_space<vmem>>) dst(%dma_wait3A_201 : memref<80x128xf32, #tpu.memory_space<vmem_shared>>)
      tpu.yield
    }) : () -> ()
    %barrier3A = arith.constant 0 : index
    tpu.barrier barrier_id(%barrier3A)
    %mul3A_27 = arith.constant 10000 : i32
    %mul3A_28 = arith.muli %add3A, %mul3A_27 : i32
    %min3A = arith.constant 0 : i32
    %min3A_29 = arith.constant 124 : i32
    %min3A_30 = arith.minsi %min3A, %min3A_29 : i32
    %mul3A_31 = arith.constant 80 : i32
    %mul3A_32 = arith.muli %min3A_30, %mul3A_31 : i32
    %add3A_33 = arith.addi %mul3A_28, %mul3A_32 : i32
    %multiple_of3A_34 = tpu.assume_multiple %add3A_33, 80 : i32
    %dma_start3A = arith.constant 0 : i32
    %dma_start3A_35 = arith.constant 0 : i32
    %dma_start3A_36 = arith.constant 0 : i32
    %dma_start3A_37 = tpu.memref_slice %arg6[%dma_start3A, %dma_start3A_35, %dma_start3A_36] : memref<3x80x128xf32, #tpu.memory_space<vmem>> -> memref<1x80x128xf32, #tpu.memory_space<vmem>>
    %dma_start3A_38 = tpu.memref_squeeze %dma_start3A_37 : memref<1x80x128xf32, #tpu.memory_space<vmem>> -> memref<80x128xf32, #tpu.memory_space<vmem>>
    %dma_start3A_39 = arith.constant 0 : i32
    %dma_start3A_40 = tpu.memref_slice %arg2[%multiple_of3A_34, %dma_start3A_39] : memref<320000x128xf32, #tpu.memory_space<hbm>> -> memref<80x128xf32, #tpu.memory_space<hbm>>
    %dma_start3A_41 = arith.constant 0 : i32
    %dma_start3A_42 = arith.constant 0 : i32
    %dma_start3A_43 = tpu.memref_slice %arg6[%dma_start3A, %dma_start3A_41, %dma_start3A_42] : memref<3x80x128xf32, #tpu.memory_space<vmem>> -> memref<1x80x128xf32, #tpu.memory_space<vmem>>
    %dma_start3A_44 = tpu.memref_squeeze %dma_start3A_43 : memref<1x80x128xf32, #tpu.memory_space<vmem>> -> memref<80x128xf32, #tpu.memory_space<vmem>>
    %dma_start3A_45 = arith.constant 0 : i32
    %dma_start3A_46 = tpu.memref_slice %arg2[%multiple_of3A_34, %dma_start3A_45] : memref<320000x128xf32, #tpu.memory_space<hbm>> -> memref<80x128xf32, #tpu.memory_space<hbm>>
    tpu.enqueue_dma source(%dma_start3A_46 : memref<80x128xf32, #tpu.memory_space<hbm>>) target(%dma_start3A_44 : memref<80x128xf32, #tpu.memory_space<vmem>>) target_semaphore(%arg9 : memref<!tpu.dma_semaphore, #tpu.memory_space<semaphore_mem>>)
    %min3A_47 = arith.constant 1 : i32
    %min3A_48 = arith.constant 124 : i32
    %min3A_49 = arith.minsi %min3A_47, %min3A_48 : i32
    %mul3A_50 = arith.constant 80 : i32
    %mul3A_51 = arith.muli %min3A_49, %mul3A_50 : i32
    %add3A_52 = arith.addi %mul3A_28, %mul3A_51 : i32
    %multiple_of3A_53 = tpu.assume_multiple %add3A_52, 80 : i32
    %dma_start3A_54 = arith.constant 1 : i32
    %dma_start3A_55 = arith.constant 0 : i32
    %dma_start3A_56 = arith.constant 0 : i32
    %dma_start3A_57 = tpu.memref_slice %arg6[%dma_start3A_54, %dma_start3A_55, %dma_start3A_56] : memref<3x80x128xf32, #tpu.memory_space<vmem>> -> memref<1x80x128xf32, #tpu.memory_space<vmem>>
    %dma_start3A_58 = tpu.memref_squeeze %dma_start3A_57 : memref<1x80x128xf32, #tpu.memory_space<vmem>> -> memref<80x128xf32, #tpu.memory_space<vmem>>
    %dma_start3A_59 = arith.constant 0 : i32
    %dma_start3A_60 = tpu.memref_slice %arg2[%multiple_of3A_53, %dma_start3A_59] : memref<320000x128xf32, #tpu.memory_space<hbm>> -> memref<80x128xf32, #tpu.memory_space<hbm>>
    %dma_start3A_61 = arith.constant 0 : i32
    %dma_start3A_62 = arith.constant 0 : i32
    %dma_start3A_63 = tpu.memref_slice %arg6[%dma_start3A_54, %dma_start3A_61, %dma_start3A_62] : memref<3x80x128xf32, #tpu.memory_space<vmem>> -> memref<1x80x128xf32, #tpu.memory_space<vmem>>
    %dma_start3A_64 = tpu.memref_squeeze %dma_start3A_63 : memref<1x80x128xf32, #tpu.memory_space<vmem>> -> memref<80x128xf32, #tpu.memory_space<vmem>>
    %dma_start3A_65 = arith.constant 0 : i32
    %dma_start3A_66 = tpu.memref_slice %arg2[%multiple_of3A_53, %dma_start3A_65] : memref<320000x128xf32, #tpu.memory_space<hbm>> -> memref<80x128xf32, #tpu.memory_space<hbm>>
    tpu.enqueue_dma source(%dma_start3A_66 : memref<80x128xf32, #tpu.memory_space<hbm>>) target(%dma_start3A_64 : memref<80x128xf32, #tpu.memory_space<vmem>>) target_semaphore(%arg10 : memref<!tpu.dma_semaphore, #tpu.memory_space<semaphore_mem>>)
    %min3A_67 = arith.constant 2 : i32
    %min3A_68 = arith.constant 124 : i32
    %min3A_69 = arith.minsi %min3A_67, %min3A_68 : i32
    %mul3A_70 = arith.constant 80 : i32
    %mul3A_71 = arith.muli %min3A_69, %mul3A_70 : i32
    %add3A_72 = arith.addi %mul3A_28, %mul3A_71 : i32
    %multiple_of3A_73 = tpu.assume_multiple %add3A_72, 80 : i32
    %dma_start3A_74 = arith.constant 2 : i32
    %dma_start3A_75 = arith.constant 0 : i32
    %dma_start3A_76 = arith.constant 0 : i32
    %dma_start3A_77 = tpu.memref_slice %arg6[%dma_start3A_74, %dma_start3A_75, %dma_start3A_76] : memref<3x80x128xf32, #tpu.memory_space<vmem>> -> memref<1x80x128xf32, #tpu.memory_space<vmem>>
    %dma_start3A_78 = tpu.memref_squeeze %dma_start3A_77 : memref<1x80x128xf32, #tpu.memory_space<vmem>> -> memref<80x128xf32, #tpu.memory_space<vmem>>
    %dma_start3A_79 = arith.constant 0 : i32
    %dma_start3A_80 = tpu.memref_slice %arg2[%multiple_of3A_73, %dma_start3A_79] : memref<320000x128xf32, #tpu.memory_space<hbm>> -> memref<80x128xf32, #tpu.memory_space<hbm>>
    %dma_start3A_81 = arith.constant 0 : i32
    %dma_start3A_82 = arith.constant 0 : i32
    %dma_start3A_83 = tpu.memref_slice %arg6[%dma_start3A_74, %dma_start3A_81, %dma_start3A_82] : memref<3x80x128xf32, #tpu.memory_space<vmem>> -> memref<1x80x128xf32, #tpu.memory_space<vmem>>
    %dma_start3A_84 = tpu.memref_squeeze %dma_start3A_83 : memref<1x80x128xf32, #tpu.memory_space<vmem>> -> memref<80x128xf32, #tpu.memory_space<vmem>>
    %dma_start3A_85 = arith.constant 0 : i32
    %dma_start3A_86 = tpu.memref_slice %arg2[%multiple_of3A_73, %dma_start3A_85] : memref<320000x128xf32, #tpu.memory_space<hbm>> -> memref<80x128xf32, #tpu.memory_space<hbm>>
    tpu.enqueue_dma source(%dma_start3A_86 : memref<80x128xf32, #tpu.memory_space<hbm>>) target(%dma_start3A_84 : memref<80x128xf32, #tpu.memory_space<vmem>>) target_semaphore(%arg11 : memref<!tpu.dma_semaphore, #tpu.memory_space<semaphore_mem>>)
    %scan3A = arith.constant 0 : i32
    %scan3A_87 = arith.constant 0 : i32
    %scan3A_88 = arith.constant 41 : i32
    %scan3A_89 = arith.addi %scan3A_87, %scan3A_88 : i32
    %scan3A_90 = arith.constant 1 : i32
    scf.for %scan3A_181 = %scan3A_87 to %scan3A_89 step %scan3A_90  : i32 {
      %mul3A_182 = arith.constant 3 : i32
      %mul3A_183 = arith.muli %mul3A_182, %scan3A_181 : i32
      %add3A_184 = arith.constant 0 : i32
      %add3A_185 = arith.addi %mul3A_183, %add3A_184 : i32
      %dma_wait3A_186 = arith.constant 0 : i32
      %dma_wait3A_187 = arith.constant 0 : i32
      %dma_wait3A_188 = arith.constant 0 : i32
      %dma_wait3A_189 = tpu.memref_slice %arg6[%dma_wait3A_186, %dma_wait3A_187, %dma_wait3A_188] : memref<3x80x128xf32, #tpu.memory_space<vmem>> -> memref<1x80x128xf32, #tpu.memory_space<vmem>>
      %dma_wait3A_190 = tpu.memref_squeeze %dma_wait3A_189 : memref<1x80x128xf32, #tpu.memory_space<vmem>> -> memref<80x128xf32, #tpu.memory_space<vmem>>
      %dma_wait3A_191 = arith.constant 0 : i32
      %dma_wait3A_192 = arith.constant 0 : i32
      %dma_wait3A_193 = tpu.memref_slice %arg2[%dma_wait3A_191, %dma_wait3A_192] : memref<320000x128xf32, #tpu.memory_space<hbm>> -> memref<80x128xf32, #tpu.memory_space<hbm>>
      %dma_wait3A_194 = arith.constant 0 : i32
      %dma_wait3A_195 = arith.constant 0 : i32
      %dma_wait3A_196 = tpu.memref_slice %arg6[%dma_wait3A_186, %dma_wait3A_194, %dma_wait3A_195] : memref<3x80x128xf32, #tpu.memory_space<vmem>> -> memref<1x80x128xf32, #tpu.memory_space<vmem>>
      %dma_wait3A_197 = tpu.memref_squeeze %dma_wait3A_196 : memref<1x80x128xf32, #tpu.memory_space<vmem>> -> memref<80x128xf32, #tpu.memory_space<vmem>>
      %dma_wait3A_198 = arith.constant 0 : i32
      %dma_wait3A_199 = arith.constant 0 : i32
      %dma_wait3A_200 = tpu.memref_slice %arg2[%dma_wait3A_198, %dma_wait3A_199] : memref<320000x128xf32, #tpu.memory_space<hbm>> -> memref<80x128xf32, #tpu.memory_space<hbm>>
      tpu.wait_dma2 semaphore(%arg9 : memref<!tpu.dma_semaphore, #tpu.memory_space<semaphore_mem>>) src(%dma_wait3A_200 : memref<80x128xf32, #tpu.memory_space<hbm>>) dst(%dma_wait3A_197 : memref<80x128xf32, #tpu.memory_space<vmem>>)
      %run_scoped3A_201 = arith.constant 0 : i32
      "tpu.region"() ({
        %run_scoped3A_305 = tpu.sem_alloc : memref<!tpu.dma_semaphore, #tpu.memory_space<semaphore_mem>>
        %dma_start3A_306 = arith.constant 0 : i32
        %dma_start3A_307 = arith.constant 0 : i32
        %dma_start3A_308 = tpu.memref_slice %arg6[%run_scoped3A_201, %dma_start3A_306, %dma_start3A_307] : memref<3x80x128xf32, #tpu.memory_space<vmem>> -> memref<1x80x128xf32, #tpu.memory_space<vmem>>
        %dma_start3A_309 = tpu.memref_squeeze %dma_start3A_308 : memref<1x80x128xf32, #tpu.memory_space<vmem>> -> memref<80x128xf32, #tpu.memory_space<vmem>>
        %dma_start3A_310 = arith.constant 0 : i32
        %dma_start3A_311 = tpu.memref_slice %arg7[%add3A_185, %dma_start3A_310] : memref<125x80xi32, #tpu.memory_space<vmem>> -> memref<1x80xi32, #tpu.memory_space<vmem>>
        %dma_start3A_312 = tpu.memref_squeeze %dma_start3A_311 : memref<1x80xi32, #tpu.memory_space<vmem>> -> memref<80xi32, #tpu.memory_space<vmem>>
        %dma_start3A_313 = arith.constant 0 : i32
        %dma_start3A_314 = arith.constant 0 : i32
        %dma_start3A_315 = tpu.memref_slice %arg8[%dma_start3A_313, %dma_start3A_314] : memref<10240x128xf32, #tpu.memory_space<vmem_shared>> -> memref<10240x128xf32, #tpu.memory_space<vmem_shared>>
        tpu.enqueue_indirect_dma source(%dma_start3A_309 : memref<80x128xf32, #tpu.memory_space<vmem>>) target(%dma_start3A_315 : memref<10240x128xf32, #tpu.memory_space<vmem_shared>>) offsets(%dma_start3A_312 : memref<80xi32, #tpu.memory_space<vmem>>) semaphore(%run_scoped3A_305 : memref<!tpu.dma_semaphore, #tpu.memory_space<semaphore_mem>>) {add = true}
        %dma_wait3A_316 = arith.constant 0 : i32
        %dma_wait3A_317 = arith.constant 0 : i32
        %dma_wait3A_318 = tpu.memref_slice %arg6[%run_scoped3A_201, %dma_wait3A_316, %dma_wait3A_317] : memref<3x80x128xf32, #tpu.memory_space<vmem>> -> memref<1x80x128xf32, #tpu.memory_space<vmem>>
        %dma_wait3A_319 = tpu.memref_squeeze %dma_wait3A_318 : memref<1x80x128xf32, #tpu.memory_space<vmem>> -> memref<80x128xf32, #tpu.memory_space<vmem>>
        %dma_wait3A_320 = arith.constant 0 : i32
        %dma_wait3A_321 = tpu.memref_slice %arg7[%add3A_185, %dma_wait3A_320] : memref<125x80xi32, #tpu.memory_space<vmem>> -> memref<1x80xi32, #tpu.memory_space<vmem>>
        %dma_wait3A_322 = tpu.memref_squeeze %dma_wait3A_321 : memref<1x80xi32, #tpu.memory_space<vmem>> -> memref<80xi32, #tpu.memory_space<vmem>>
        %dma_wait3A_323 = arith.constant 0 : i32
        %dma_wait3A_324 = arith.constant 0 : i32
        %dma_wait3A_325 = tpu.memref_slice %arg8[%dma_wait3A_323, %dma_wait3A_324] : memref<10240x128xf32, #tpu.memory_space<vmem_shared>> -> memref<10240x128xf32, #tpu.memory_space<vmem_shared>>
        tpu.wait_indirect_dma semaphore(%run_scoped3A_305 : memref<!tpu.dma_semaphore, #tpu.memory_space<semaphore_mem>>) src(%dma_wait3A_319 : memref<80x128xf32, #tpu.memory_space<vmem>>) dst(%dma_wait3A_325 : memref<10240x128xf32, #tpu.memory_space<vmem_shared>>)
        tpu.yield
      }) : () -> ()
      %add3A_202 = arith.constant 3 : i32
      %add3A_203 = arith.addi %add3A_185, %add3A_202 : i32
      %min3A_204 = arith.constant 124 : i32
      %min3A_205 = arith.minsi %add3A_203, %min3A_204 : i32
      %mul3A_206 = arith.constant 80 : i32
      %mul3A_207 = arith.muli %min3A_205, %mul3A_206 : i32
      %add3A_208 = arith.addi %mul3A_28, %mul3A_207 : i32
      %multiple_of3A_209 = tpu.assume_multiple %add3A_208, 80 : i32
      %dma_start3A_210 = arith.constant 0 : i32
      %dma_start3A_211 = arith.constant 0 : i32
      %dma_start3A_212 = arith.constant 0 : i32
      %dma_start3A_213 = tpu.memref_slice %arg6[%dma_start3A_210, %dma_start3A_211, %dma_start3A_212] : memref<3x80x128xf32, #tpu.memory_space<vmem>> -> memref<1x80x128xf32, #tpu.memory_space<vmem>>
      %dma_start3A_214 = tpu.memref_squeeze %dma_start3A_213 : memref<1x80x128xf32, #tpu.memory_space<vmem>> -> memref<80x128xf32, #tpu.memory_space<vmem>>
      %dma_start3A_215 = arith.constant 0 : i32
      %dma_start3A_216 = tpu.memref_slice %arg2[%multiple_of3A_209, %dma_start3A_215] : memref<320000x128xf32, #tpu.memory_space<hbm>> -> memref<80x128xf32, #tpu.memory_space<hbm>>
      %dma_start3A_217 = arith.constant 0 : i32
      %dma_start3A_218 = arith.constant 0 : i32
      %dma_start3A_219 = tpu.memref_slice %arg6[%dma_start3A_210, %dma_start3A_217, %dma_start3A_218] : memref<3x80x128xf32, #tpu.memory_space<vmem>> -> memref<1x80x128xf32, #tpu.memory_space<vmem>>
      %dma_start3A_220 = tpu.memref_squeeze %dma_start3A_219 : memref<1x80x128xf32, #tpu.memory_space<vmem>> -> memref<80x128xf32, #tpu.memory_space<vmem>>
      %dma_start3A_221 = arith.constant 0 : i32
      %dma_start3A_222 = tpu.memref_slice %arg2[%multiple_of3A_209, %dma_start3A_221] : memref<320000x128xf32, #tpu.memory_space<hbm>> -> memref<80x128xf32, #tpu.memory_space<hbm>>
      tpu.enqueue_dma source(%dma_start3A_222 : memref<80x128xf32, #tpu.memory_space<hbm>>) target(%dma_start3A_220 : memref<80x128xf32, #tpu.memory_space<vmem>>) target_semaphore(%arg9 : memref<!tpu.dma_semaphore, #tpu.memory_space<semaphore_mem>>)
      %mul3A_223 = arith.constant 3 : i32
      %mul3A_224 = arith.muli %mul3A_223, %scan3A_181 : i32
      %add3A_225 = arith.constant 1 : i32
      %add3A_226 = arith.addi %mul3A_224, %add3A_225 : i32
      %dma_wait3A_227 = arith.constant 1 : i32
      %dma_wait3A_228 = arith.constant 0 : i32
      %dma_wait3A_229 = arith.constant 0 : i32
      %dma_wait3A_230 = tpu.memref_slice %arg6[%dma_wait3A_227, %dma_wait3A_228, %dma_wait3A_229] : memref<3x80x128xf32, #tpu.memory_space<vmem>> -> memref<1x80x128xf32, #tpu.memory_space<vmem>>
      %dma_wait3A_231 = tpu.memref_squeeze %dma_wait3A_230 : memref<1x80x128xf32, #tpu.memory_space<vmem>> -> memref<80x128xf32, #tpu.memory_space<vmem>>
      %dma_wait3A_232 = arith.constant 0 : i32
      %dma_wait3A_233 = arith.constant 0 : i32
      %dma_wait3A_234 = tpu.memref_slice %arg2[%dma_wait3A_232, %dma_wait3A_233] : memref<320000x128xf32, #tpu.memory_space<hbm>> -> memref<80x128xf32, #tpu.memory_space<hbm>>
      %dma_wait3A_235 = arith.constant 0 : i32
      %dma_wait3A_236 = arith.constant 0 : i32
      %dma_wait3A_237 = tpu.memref_slice %arg6[%dma_wait3A_227, %dma_wait3A_235, %dma_wait3A_236] : memref<3x80x128xf32, #tpu.memory_space<vmem>> -> memref<1x80x128xf32, #tpu.memory_space<vmem>>
      %dma_wait3A_238 = tpu.memref_squeeze %dma_wait3A_237 : memref<1x80x128xf32, #tpu.memory_space<vmem>> -> memref<80x128xf32, #tpu.memory_space<vmem>>
      %dma_wait3A_239 = arith.constant 0 : i32
      %dma_wait3A_240 = arith.constant 0 : i32
      %dma_wait3A_241 = tpu.memref_slice %arg2[%dma_wait3A_239, %dma_wait3A_240] : memref<320000x128xf32, #tpu.memory_space<hbm>> -> memref<80x128xf32, #tpu.memory_space<hbm>>
      tpu.wait_dma2 semaphore(%arg10 : memref<!tpu.dma_semaphore, #tpu.memory_space<semaphore_mem>>) src(%dma_wait3A_241 : memref<80x128xf32, #tpu.memory_space<hbm>>) dst(%dma_wait3A_238 : memref<80x128xf32, #tpu.memory_space<vmem>>)
      %run_scoped3A_242 = arith.constant 1 : i32
      "tpu.region"() ({
        %run_scoped3A_305 = tpu.sem_alloc : memref<!tpu.dma_semaphore, #tpu.memory_space<semaphore_mem>>
        %dma_start3A_306 = arith.constant 0 : i32
        %dma_start3A_307 = arith.constant 0 : i32
        %dma_start3A_308 = tpu.memref_slice %arg6[%run_scoped3A_242, %dma_start3A_306, %dma_start3A_307] : memref<3x80x128xf32, #tpu.memory_space<vmem>> -> memref<1x80x128xf32, #tpu.memory_space<vmem>>
        %dma_start3A_309 = tpu.memref_squeeze %dma_start3A_308 : memref<1x80x128xf32, #tpu.memory_space<vmem>> -> memref<80x128xf32, #tpu.memory_space<vmem>>
        %dma_start3A_310 = arith.constant 0 : i32
        %dma_start3A_311 = tpu.memref_slice %arg7[%add3A_226, %dma_start3A_310] : memref<125x80xi32, #tpu.memory_space<vmem>> -> memref<1x80xi32, #tpu.memory_space<vmem>>
        %dma_start3A_312 = tpu.memref_squeeze %dma_start3A_311 : memref<1x80xi32, #tpu.memory_space<vmem>> -> memref<80xi32, #tpu.memory_space<vmem>>
        %dma_start3A_313 = arith.constant 0 : i32
        %dma_start3A_314 = arith.constant 0 : i32
        %dma_start3A_315 = tpu.memref_slice %arg8[%dma_start3A_313, %dma_start3A_314] : memref<10240x128xf32, #tpu.memory_space<vmem_shared>> -> memref<10240x128xf32, #tpu.memory_space<vmem_shared>>
        tpu.enqueue_indirect_dma source(%dma_start3A_309 : memref<80x128xf32, #tpu.memory_space<vmem>>) target(%dma_start3A_315 : memref<10240x128xf32, #tpu.memory_space<vmem_shared>>) offsets(%dma_start3A_312 : memref<80xi32, #tpu.memory_space<vmem>>) semaphore(%run_scoped3A_305 : memref<!tpu.dma_semaphore, #tpu.memory_space<semaphore_mem>>) {add = true}
        %dma_wait3A_316 = arith.constant 0 : i32
        %dma_wait3A_317 = arith.constant 0 : i32
        %dma_wait3A_318 = tpu.memref_slice %arg6[%run_scoped3A_242, %dma_wait3A_316, %dma_wait3A_317] : memref<3x80x128xf32, #tpu.memory_space<vmem>> -> memref<1x80x128xf32, #tpu.memory_space<vmem>>
        %dma_wait3A_319 = tpu.memref_squeeze %dma_wait3A_318 : memref<1x80x128xf32, #tpu.memory_space<vmem>> -> memref<80x128xf32, #tpu.memory_space<vmem>>
        %dma_wait3A_320 = arith.constant 0 : i32
        %dma_wait3A_321 = tpu.memref_slice %arg7[%add3A_226, %dma_wait3A_320] : memref<125x80xi32, #tpu.memory_space<vmem>> -> memref<1x80xi32, #tpu.memory_space<vmem>>
        %dma_wait3A_322 = tpu.memref_squeeze %dma_wait3A_321 : memref<1x80xi32, #tpu.memory_space<vmem>> -> memref<80xi32, #tpu.memory_space<vmem>>
        %dma_wait3A_323 = arith.constant 0 : i32
        %dma_wait3A_324 = arith.constant 0 : i32
        %dma_wait3A_325 = tpu.memref_slice %arg8[%dma_wait3A_323, %dma_wait3A_324] : memref<10240x128xf32, #tpu.memory_space<vmem_shared>> -> memref<10240x128xf32, #tpu.memory_space<vmem_shared>>
        tpu.wait_indirect_dma semaphore(%run_scoped3A_305 : memref<!tpu.dma_semaphore, #tpu.memory_space<semaphore_mem>>) src(%dma_wait3A_319 : memref<80x128xf32, #tpu.memory_space<vmem>>) dst(%dma_wait3A_325 : memref<10240x128xf32, #tpu.memory_space<vmem_shared>>)
        tpu.yield
      }) : () -> ()
      %add3A_243 = arith.constant 3 : i32
      %add3A_244 = arith.addi %add3A_226, %add3A_243 : i32
      %min3A_245 = arith.constant 124 : i32
      %min3A_246 = arith.minsi %add3A_244, %min3A_245 : i32
      %mul3A_247 = arith.constant 80 : i32
      %mul3A_248 = arith.muli %min3A_246, %mul3A_247 : i32
      %add3A_249 = arith.addi %mul3A_28, %mul3A_248 : i32
      %multiple_of3A_250 = tpu.assume_multiple %add3A_249, 80 : i32
      %dma_start3A_251 = arith.constant 1 : i32
      %dma_start3A_252 = arith.constant 0 : i32
      %dma_start3A_253 = arith.constant 0 : i32
      %dma_start3A_254 = tpu.memref_slice %arg6[%dma_start3A_251, %dma_start3A_252, %dma_start3A_253] : memref<3x80x128xf32, #tpu.memory_space<vmem>> -> memref<1x80x128xf32, #tpu.memory_space<vmem>>
      %dma_start3A_255 = tpu.memref_squeeze %dma_start3A_254 : memref<1x80x128xf32, #tpu.memory_space<vmem>> -> memref<80x128xf32, #tpu.memory_space<vmem>>
      %dma_start3A_256 = arith.constant 0 : i32
      %dma_start3A_257 = tpu.memref_slice %arg2[%multiple_of3A_250, %dma_start3A_256] : memref<320000x128xf32, #tpu.memory_space<hbm>> -> memref<80x128xf32, #tpu.memory_space<hbm>>
      %dma_start3A_258 = arith.constant 0 : i32
      %dma_start3A_259 = arith.constant 0 : i32
      %dma_start3A_260 = tpu.memref_slice %arg6[%dma_start3A_251, %dma_start3A_258, %dma_start3A_259] : memref<3x80x128xf32, #tpu.memory_space<vmem>> -> memref<1x80x128xf32, #tpu.memory_space<vmem>>
      %dma_start3A_261 = tpu.memref_squeeze %dma_start3A_260 : memref<1x80x128xf32, #tpu.memory_space<vmem>> -> memref<80x128xf32, #tpu.memory_space<vmem>>
      %dma_start3A_262 = arith.constant 0 : i32
      %dma_start3A_263 = tpu.memref_slice %arg2[%multiple_of3A_250, %dma_start3A_262] : memref<320000x128xf32, #tpu.memory_space<hbm>> -> memref<80x128xf32, #tpu.memory_space<hbm>>
      tpu.enqueue_dma source(%dma_start3A_263 : memref<80x128xf32, #tpu.memory_space<hbm>>) target(%dma_start3A_261 : memref<80x128xf32, #tpu.memory_space<vmem>>) target_semaphore(%arg10 : memref<!tpu.dma_semaphore, #tpu.memory_space<semaphore_mem>>)
      %mul3A_264 = arith.constant 3 : i32
      %mul3A_265 = arith.muli %mul3A_264, %scan3A_181 : i32
      %add3A_266 = arith.constant 2 : i32
      %add3A_267 = arith.addi %mul3A_265, %add3A_266 : i32
      %dma_wait3A_268 = arith.constant 2 : i32
      %dma_wait3A_269 = arith.constant 0 : i32
      %dma_wait3A_270 = arith.constant 0 : i32
      %dma_wait3A_271 = tpu.memref_slice %arg6[%dma_wait3A_268, %dma_wait3A_269, %dma_wait3A_270] : memref<3x80x128xf32, #tpu.memory_space<vmem>> -> memref<1x80x128xf32, #tpu.memory_space<vmem>>
      %dma_wait3A_272 = tpu.memref_squeeze %dma_wait3A_271 : memref<1x80x128xf32, #tpu.memory_space<vmem>> -> memref<80x128xf32, #tpu.memory_space<vmem>>
      %dma_wait3A_273 = arith.constant 0 : i32
      %dma_wait3A_274 = arith.constant 0 : i32
      %dma_wait3A_275 = tpu.memref_slice %arg2[%dma_wait3A_273, %dma_wait3A_274] : memref<320000x128xf32, #tpu.memory_space<hbm>> -> memref<80x128xf32, #tpu.memory_space<hbm>>
      %dma_wait3A_276 = arith.constant 0 : i32
      %dma_wait3A_277 = arith.constant 0 : i32
      %dma_wait3A_278 = tpu.memref_slice %arg6[%dma_wait3A_268, %dma_wait3A_276, %dma_wait3A_277] : memref<3x80x128xf32, #tpu.memory_space<vmem>> -> memref<1x80x128xf32, #tpu.memory_space<vmem>>
      %dma_wait3A_279 = tpu.memref_squeeze %dma_wait3A_278 : memref<1x80x128xf32, #tpu.memory_space<vmem>> -> memref<80x128xf32, #tpu.memory_space<vmem>>
      %dma_wait3A_280 = arith.constant 0 : i32
      %dma_wait3A_281 = arith.constant 0 : i32
      %dma_wait3A_282 = tpu.memref_slice %arg2[%dma_wait3A_280, %dma_wait3A_281] : memref<320000x128xf32, #tpu.memory_space<hbm>> -> memref<80x128xf32, #tpu.memory_space<hbm>>
      tpu.wait_dma2 semaphore(%arg11 : memref<!tpu.dma_semaphore, #tpu.memory_space<semaphore_mem>>) src(%dma_wait3A_282 : memref<80x128xf32, #tpu.memory_space<hbm>>) dst(%dma_wait3A_279 : memref<80x128xf32, #tpu.memory_space<vmem>>)
      %run_scoped3A_283 = arith.constant 2 : i32
      "tpu.region"() ({
        %run_scoped3A_305 = tpu.sem_alloc : memref<!tpu.dma_semaphore, #tpu.memory_space<semaphore_mem>>
        %dma_start3A_306 = arith.constant 0 : i32
        %dma_start3A_307 = arith.constant 0 : i32
        %dma_start3A_308 = tpu.memref_slice %arg6[%run_scoped3A_283, %dma_start3A_306, %dma_start3A_307] : memref<3x80x128xf32, #tpu.memory_space<vmem>> -> memref<1x80x128xf32, #tpu.memory_space<vmem>>
        %dma_start3A_309 = tpu.memref_squeeze %dma_start3A_308 : memref<1x80x128xf32, #tpu.memory_space<vmem>> -> memref<80x128xf32, #tpu.memory_space<vmem>>
        %dma_start3A_310 = arith.constant 0 : i32
        %dma_start3A_311 = tpu.memref_slice %arg7[%add3A_267, %dma_start3A_310] : memref<125x80xi32, #tpu.memory_space<vmem>> -> memref<1x80xi32, #tpu.memory_space<vmem>>
        %dma_start3A_312 = tpu.memref_squeeze %dma_start3A_311 : memref<1x80xi32, #tpu.memory_space<vmem>> -> memref<80xi32, #tpu.memory_space<vmem>>
        %dma_start3A_313 = arith.constant 0 : i32
        %dma_start3A_314 = arith.constant 0 : i32
        %dma_start3A_315 = tpu.memref_slice %arg8[%dma_start3A_313, %dma_start3A_314] : memref<10240x128xf32, #tpu.memory_space<vmem_shared>> -> memref<10240x128xf32, #tpu.memory_space<vmem_shared>>
        tpu.enqueue_indirect_dma source(%dma_start3A_309 : memref<80x128xf32, #tpu.memory_space<vmem>>) target(%dma_start3A_315 : memref<10240x128xf32, #tpu.memory_space<vmem_shared>>) offsets(%dma_start3A_312 : memref<80xi32, #tpu.memory_space<vmem>>) semaphore(%run_scoped3A_305 : memref<!tpu.dma_semaphore, #tpu.memory_space<semaphore_mem>>) {add = true}
        %dma_wait3A_316 = arith.constant 0 : i32
        %dma_wait3A_317 = arith.constant 0 : i32
        %dma_wait3A_318 = tpu.memref_slice %arg6[%run_scoped3A_283, %dma_wait3A_316, %dma_wait3A_317] : memref<3x80x128xf32, #tpu.memory_space<vmem>> -> memref<1x80x128xf32, #tpu.memory_space<vmem>>
        %dma_wait3A_319 = tpu.memref_squeeze %dma_wait3A_318 : memref<1x80x128xf32, #tpu.memory_space<vmem>> -> memref<80x128xf32, #tpu.memory_space<vmem>>
        %dma_wait3A_320 = arith.constant 0 : i32
        %dma_wait3A_321 = tpu.memref_slice %arg7[%add3A_267, %dma_wait3A_320] : memref<125x80xi32, #tpu.memory_space<vmem>> -> memref<1x80xi32, #tpu.memory_space<vmem>>
        %dma_wait3A_322 = tpu.memref_squeeze %dma_wait3A_321 : memref<1x80xi32, #tpu.memory_space<vmem>> -> memref<80xi32, #tpu.memory_space<vmem>>
        %dma_wait3A_323 = arith.constant 0 : i32
        %dma_wait3A_324 = arith.constant 0 : i32
        %dma_wait3A_325 = tpu.memref_slice %arg8[%dma_wait3A_323, %dma_wait3A_324] : memref<10240x128xf32, #tpu.memory_space<vmem_shared>> -> memref<10240x128xf32, #tpu.memory_space<vmem_shared>>
        tpu.wait_indirect_dma semaphore(%run_scoped3A_305 : memref<!tpu.dma_semaphore, #tpu.memory_space<semaphore_mem>>) src(%dma_wait3A_319 : memref<80x128xf32, #tpu.memory_space<vmem>>) dst(%dma_wait3A_325 : memref<10240x128xf32, #tpu.memory_space<vmem_shared>>)
        tpu.yield
      }) : () -> ()
      %add3A_284 = arith.constant 3 : i32
      %add3A_285 = arith.addi %add3A_267, %add3A_284 : i32
      %min3A_286 = arith.constant 124 : i32
      %min3A_287 = arith.minsi %add3A_285, %min3A_286 : i32
      %mul3A_288 = arith.constant 80 : i32
      %mul3A_289 = arith.muli %min3A_287, %mul3A_288 : i32
      %add3A_290 = arith.addi %mul3A_28, %mul3A_289 : i32
      %multiple_of3A_291 = tpu.assume_multiple %add3A_290, 80 : i32
      %dma_start3A_292 = arith.constant 2 : i32
      %dma_start3A_293 = arith.constant 0 : i32
      %dma_start3A_294 = arith.constant 0 : i32
      %dma_start3A_295 = tpu.memref_slice %arg6[%dma_start3A_292, %dma_start3A_293, %dma_start3A_294] : memref<3x80x128xf32, #tpu.memory_space<vmem>> -> memref<1x80x128xf32, #tpu.memory_space<vmem>>
      %dma_start3A_296 = tpu.memref_squeeze %dma_start3A_295 : memref<1x80x128xf32, #tpu.memory_space<vmem>> -> memref<80x128xf32, #tpu.memory_space<vmem>>
      %dma_start3A_297 = arith.constant 0 : i32
      %dma_start3A_298 = tpu.memref_slice %arg2[%multiple_of3A_291, %dma_start3A_297] : memref<320000x128xf32, #tpu.memory_space<hbm>> -> memref<80x128xf32, #tpu.memory_space<hbm>>
      %dma_start3A_299 = arith.constant 0 : i32
      %dma_start3A_300 = arith.constant 0 : i32
      %dma_start3A_301 = tpu.memref_slice %arg6[%dma_start3A_292, %dma_start3A_299, %dma_start3A_300] : memref<3x80x128xf32, #tpu.memory_space<vmem>> -> memref<1x80x128xf32, #tpu.memory_space<vmem>>
      %dma_start3A_302 = tpu.memref_squeeze %dma_start3A_301 : memref<1x80x128xf32, #tpu.memory_space<vmem>> -> memref<80x128xf32, #tpu.memory_space<vmem>>
      %dma_start3A_303 = arith.constant 0 : i32
      %dma_start3A_304 = tpu.memref_slice %arg2[%multiple_of3A_291, %dma_start3A_303] : memref<320000x128xf32, #tpu.memory_space<hbm>> -> memref<80x128xf32, #tpu.memory_space<hbm>>
      tpu.enqueue_dma source(%dma_start3A_304 : memref<80x128xf32, #tpu.memory_space<hbm>>) target(%dma_start3A_302 : memref<80x128xf32, #tpu.memory_space<vmem>>) target_semaphore(%arg11 : memref<!tpu.dma_semaphore, #tpu.memory_space<semaphore_mem>>)
    }
    %scan3A_91 = arith.constant 41 : i32
    %dma_wait3A = arith.constant 0 : i32
    %dma_wait3A_92 = arith.constant 0 : i32
    %dma_wait3A_93 = arith.constant 0 : i32
    %dma_wait3A_94 = tpu.memref_slice %arg6[%dma_wait3A, %dma_wait3A_92, %dma_wait3A_93] : memref<3x80x128xf32, #tpu.memory_space<vmem>> -> memref<1x80x128xf32, #tpu.memory_space<vmem>>
    %dma_wait3A_95 = tpu.memref_squeeze %dma_wait3A_94 : memref<1x80x128xf32, #tpu.memory_space<vmem>> -> memref<80x128xf32, #tpu.memory_space<vmem>>
    %dma_wait3A_96 = arith.constant 0 : i32
    %dma_wait3A_97 = arith.constant 0 : i32
    %dma_wait3A_98 = tpu.memref_slice %arg2[%dma_wait3A_96, %dma_wait3A_97] : memref<320000x128xf32, #tpu.memory_space<hbm>> -> memref<80x128xf32, #tpu.memory_space<hbm>>
    %dma_wait3A_99 = arith.constant 0 : i32
    %dma_wait3A_100 = arith.constant 0 : i32
    %dma_wait3A_101 = tpu.memref_slice %arg6[%dma_wait3A, %dma_wait3A_99, %dma_wait3A_100] : memref<3x80x128xf32, #tpu.memory_space<vmem>> -> memref<1x80x128xf32, #tpu.memory_space<vmem>>
    %dma_wait3A_102 = tpu.memref_squeeze %dma_wait3A_101 : memref<1x80x128xf32, #tpu.memory_space<vmem>> -> memref<80x128xf32, #tpu.memory_space<vmem>>
    %dma_wait3A_103 = arith.constant 0 : i32
    %dma_wait3A_104 = arith.constant 0 : i32
    %dma_wait3A_105 = tpu.memref_slice %arg2[%dma_wait3A_103, %dma_wait3A_104] : memref<320000x128xf32, #tpu.memory_space<hbm>> -> memref<80x128xf32, #tpu.memory_space<hbm>>
    tpu.wait_dma2 semaphore(%arg9 : memref<!tpu.dma_semaphore, #tpu.memory_space<semaphore_mem>>) src(%dma_wait3A_105 : memref<80x128xf32, #tpu.memory_space<hbm>>) dst(%dma_wait3A_102 : memref<80x128xf32, #tpu.memory_space<vmem>>)
    %run_scoped3A_106 = arith.constant 0 : i32
    %run_scoped3A_107 = arith.constant 123 : i32
    "tpu.region"() ({
      %run_scoped3A_181 = tpu.sem_alloc : memref<!tpu.dma_semaphore, #tpu.memory_space<semaphore_mem>>
      %dma_start3A_182 = arith.constant 0 : i32
      %dma_start3A_183 = arith.constant 0 : i32
      %dma_start3A_184 = tpu.memref_slice %arg6[%run_scoped3A_106, %dma_start3A_182, %dma_start3A_183] : memref<3x80x128xf32, #tpu.memory_space<vmem>> -> memref<1x80x128xf32, #tpu.memory_space<vmem>>
      %dma_start3A_185 = tpu.memref_squeeze %dma_start3A_184 : memref<1x80x128xf32, #tpu.memory_space<vmem>> -> memref<80x128xf32, #tpu.memory_space<vmem>>
      %dma_start3A_186 = arith.constant 0 : i32
      %dma_start3A_187 = tpu.memref_slice %arg7[%run_scoped3A_107, %dma_start3A_186] : memref<125x80xi32, #tpu.memory_space<vmem>> -> memref<1x80xi32, #tpu.memory_space<vmem>>
      %dma_start3A_188 = tpu.memref_squeeze %dma_start3A_187 : memref<1x80xi32, #tpu.memory_space<vmem>> -> memref<80xi32, #tpu.memory_space<vmem>>
      %dma_start3A_189 = arith.constant 0 : i32
      %dma_start3A_190 = arith.constant 0 : i32
      %dma_start3A_191 = tpu.memref_slice %arg8[%dma_start3A_189, %dma_start3A_190] : memref<10240x128xf32, #tpu.memory_space<vmem_shared>> -> memref<10240x128xf32, #tpu.memory_space<vmem_shared>>
      tpu.enqueue_indirect_dma source(%dma_start3A_185 : memref<80x128xf32, #tpu.memory_space<vmem>>) target(%dma_start3A_191 : memref<10240x128xf32, #tpu.memory_space<vmem_shared>>) offsets(%dma_start3A_188 : memref<80xi32, #tpu.memory_space<vmem>>) semaphore(%run_scoped3A_181 : memref<!tpu.dma_semaphore, #tpu.memory_space<semaphore_mem>>) {add = true}
      %dma_wait3A_192 = arith.constant 0 : i32
      %dma_wait3A_193 = arith.constant 0 : i32
      %dma_wait3A_194 = tpu.memref_slice %arg6[%run_scoped3A_106, %dma_wait3A_192, %dma_wait3A_193] : memref<3x80x128xf32, #tpu.memory_space<vmem>> -> memref<1x80x128xf32, #tpu.memory_space<vmem>>
      %dma_wait3A_195 = tpu.memref_squeeze %dma_wait3A_194 : memref<1x80x128xf32, #tpu.memory_space<vmem>> -> memref<80x128xf32, #tpu.memory_space<vmem>>
      %dma_wait3A_196 = arith.constant 0 : i32
      %dma_wait3A_197 = tpu.memref_slice %arg7[%run_scoped3A_107, %dma_wait3A_196] : memref<125x80xi32, #tpu.memory_space<vmem>> -> memref<1x80xi32, #tpu.memory_space<vmem>>
      %dma_wait3A_198 = tpu.memref_squeeze %dma_wait3A_197 : memref<1x80xi32, #tpu.memory_space<vmem>> -> memref<80xi32, #tpu.memory_space<vmem>>
      %dma_wait3A_199 = arith.constant 0 : i32
      %dma_wait3A_200 = arith.constant 0 : i32
      %dma_wait3A_201 = tpu.memref_slice %arg8[%dma_wait3A_199, %dma_wait3A_200] : memref<10240x128xf32, #tpu.memory_space<vmem_shared>> -> memref<10240x128xf32, #tpu.memory_space<vmem_shared>>
      tpu.wait_indirect_dma semaphore(%run_scoped3A_181 : memref<!tpu.dma_semaphore, #tpu.memory_space<semaphore_mem>>) src(%dma_wait3A_195 : memref<80x128xf32, #tpu.memory_space<vmem>>) dst(%dma_wait3A_201 : memref<10240x128xf32, #tpu.memory_space<vmem_shared>>)
      tpu.yield
    }) : () -> ()
    %dma_wait3A_108 = arith.constant 1 : i32
    %dma_wait3A_109 = arith.constant 0 : i32
    %dma_wait3A_110 = arith.constant 0 : i32
    %dma_wait3A_111 = tpu.memref_slice %arg6[%dma_wait3A_108, %dma_wait3A_109, %dma_wait3A_110] : memref<3x80x128xf32, #tpu.memory_space<vmem>> -> memref<1x80x128xf32, #tpu.memory_space<vmem>>
    %dma_wait3A_112 = tpu.memref_squeeze %dma_wait3A_111 : memref<1x80x128xf32, #tpu.memory_space<vmem>> -> memref<80x128xf32, #tpu.memory_space<vmem>>
    %dma_wait3A_113 = arith.constant 0 : i32
    %dma_wait3A_114 = arith.constant 0 : i32
    %dma_wait3A_115 = tpu.memref_slice %arg2[%dma_wait3A_113, %dma_wait3A_114] : memref<320000x128xf32, #tpu.memory_space<hbm>> -> memref<80x128xf32, #tpu.memory_space<hbm>>
    %dma_wait3A_116 = arith.constant 0 : i32
    %dma_wait3A_117 = arith.constant 0 : i32
    %dma_wait3A_118 = tpu.memref_slice %arg6[%dma_wait3A_108, %dma_wait3A_116, %dma_wait3A_117] : memref<3x80x128xf32, #tpu.memory_space<vmem>> -> memref<1x80x128xf32, #tpu.memory_space<vmem>>
    %dma_wait3A_119 = tpu.memref_squeeze %dma_wait3A_118 : memref<1x80x128xf32, #tpu.memory_space<vmem>> -> memref<80x128xf32, #tpu.memory_space<vmem>>
    %dma_wait3A_120 = arith.constant 0 : i32
    %dma_wait3A_121 = arith.constant 0 : i32
    %dma_wait3A_122 = tpu.memref_slice %arg2[%dma_wait3A_120, %dma_wait3A_121] : memref<320000x128xf32, #tpu.memory_space<hbm>> -> memref<80x128xf32, #tpu.memory_space<hbm>>
    tpu.wait_dma2 semaphore(%arg10 : memref<!tpu.dma_semaphore, #tpu.memory_space<semaphore_mem>>) src(%dma_wait3A_122 : memref<80x128xf32, #tpu.memory_space<hbm>>) dst(%dma_wait3A_119 : memref<80x128xf32, #tpu.memory_space<vmem>>)
    %run_scoped3A_123 = arith.constant 1 : i32
    %run_scoped3A_124 = arith.constant 124 : i32
    "tpu.region"() ({
      %run_scoped3A_181 = tpu.sem_alloc : memref<!tpu.dma_semaphore, #tpu.memory_space<semaphore_mem>>
      %dma_start3A_182 = arith.constant 0 : i32
      %dma_start3A_183 = arith.constant 0 : i32
      %dma_start3A_184 = tpu.memref_slice %arg6[%run_scoped3A_123, %dma_start3A_182, %dma_start3A_183] : memref<3x80x128xf32, #tpu.memory_space<vmem>> -> memref<1x80x128xf32, #tpu.memory_space<vmem>>
      %dma_start3A_185 = tpu.memref_squeeze %dma_start3A_184 : memref<1x80x128xf32, #tpu.memory_space<vmem>> -> memref<80x128xf32, #tpu.memory_space<vmem>>
      %dma_start3A_186 = arith.constant 0 : i32
      %dma_start3A_187 = tpu.memref_slice %arg7[%run_scoped3A_124, %dma_start3A_186] : memref<125x80xi32, #tpu.memory_space<vmem>> -> memref<1x80xi32, #tpu.memory_space<vmem>>
      %dma_start3A_188 = tpu.memref_squeeze %dma_start3A_187 : memref<1x80xi32, #tpu.memory_space<vmem>> -> memref<80xi32, #tpu.memory_space<vmem>>
      %dma_start3A_189 = arith.constant 0 : i32
      %dma_start3A_190 = arith.constant 0 : i32
      %dma_start3A_191 = tpu.memref_slice %arg8[%dma_start3A_189, %dma_start3A_190] : memref<10240x128xf32, #tpu.memory_space<vmem_shared>> -> memref<10240x128xf32, #tpu.memory_space<vmem_shared>>
      tpu.enqueue_indirect_dma source(%dma_start3A_185 : memref<80x128xf32, #tpu.memory_space<vmem>>) target(%dma_start3A_191 : memref<10240x128xf32, #tpu.memory_space<vmem_shared>>) offsets(%dma_start3A_188 : memref<80xi32, #tpu.memory_space<vmem>>) semaphore(%run_scoped3A_181 : memref<!tpu.dma_semaphore, #tpu.memory_space<semaphore_mem>>) {add = true}
      %dma_wait3A_192 = arith.constant 0 : i32
      %dma_wait3A_193 = arith.constant 0 : i32
      %dma_wait3A_194 = tpu.memref_slice %arg6[%run_scoped3A_123, %dma_wait3A_192, %dma_wait3A_193] : memref<3x80x128xf32, #tpu.memory_space<vmem>> -> memref<1x80x128xf32, #tpu.memory_space<vmem>>
      %dma_wait3A_195 = tpu.memref_squeeze %dma_wait3A_194 : memref<1x80x128xf32, #tpu.memory_space<vmem>> -> memref<80x128xf32, #tpu.memory_space<vmem>>
      %dma_wait3A_196 = arith.constant 0 : i32
      %dma_wait3A_197 = tpu.memref_slice %arg7[%run_scoped3A_124, %dma_wait3A_196] : memref<125x80xi32, #tpu.memory_space<vmem>> -> memref<1x80xi32, #tpu.memory_space<vmem>>
      %dma_wait3A_198 = tpu.memref_squeeze %dma_wait3A_197 : memref<1x80xi32, #tpu.memory_space<vmem>> -> memref<80xi32, #tpu.memory_space<vmem>>
      %dma_wait3A_199 = arith.constant 0 : i32
      %dma_wait3A_200 = arith.constant 0 : i32
      %dma_wait3A_201 = tpu.memref_slice %arg8[%dma_wait3A_199, %dma_wait3A_200] : memref<10240x128xf32, #tpu.memory_space<vmem_shared>> -> memref<10240x128xf32, #tpu.memory_space<vmem_shared>>
      tpu.wait_indirect_dma semaphore(%run_scoped3A_181 : memref<!tpu.dma_semaphore, #tpu.memory_space<semaphore_mem>>) src(%dma_wait3A_195 : memref<80x128xf32, #tpu.memory_space<vmem>>) dst(%dma_wait3A_201 : memref<10240x128xf32, #tpu.memory_space<vmem_shared>>)
      tpu.yield
    }) : () -> ()
    %dma_wait3A_125 = arith.constant 2 : i32
    %dma_wait3A_126 = arith.constant 0 : i32
    %dma_wait3A_127 = arith.constant 0 : i32
    %dma_wait3A_128 = tpu.memref_slice %arg6[%dma_wait3A_125, %dma_wait3A_126, %dma_wait3A_127] : memref<3x80x128xf32, #tpu.memory_space<vmem>> -> memref<1x80x128xf32, #tpu.memory_space<vmem>>
    %dma_wait3A_129 = tpu.memref_squeeze %dma_wait3A_128 : memref<1x80x128xf32, #tpu.memory_space<vmem>> -> memref<80x128xf32, #tpu.memory_space<vmem>>
    %dma_wait3A_130 = arith.constant 0 : i32
    %dma_wait3A_131 = arith.constant 0 : i32
    %dma_wait3A_132 = tpu.memref_slice %arg2[%dma_wait3A_130, %dma_wait3A_131] : memref<320000x128xf32, #tpu.memory_space<hbm>> -> memref<80x128xf32, #tpu.memory_space<hbm>>
    %dma_wait3A_133 = arith.constant 0 : i32
    %dma_wait3A_134 = arith.constant 0 : i32
    %dma_wait3A_135 = tpu.memref_slice %arg6[%dma_wait3A_125, %dma_wait3A_133, %dma_wait3A_134] : memref<3x80x128xf32, #tpu.memory_space<vmem>> -> memref<1x80x128xf32, #tpu.memory_space<vmem>>
    %dma_wait3A_136 = tpu.memref_squeeze %dma_wait3A_135 : memref<1x80x128xf32, #tpu.memory_space<vmem>> -> memref<80x128xf32, #tpu.memory_space<vmem>>
    %dma_wait3A_137 = arith.constant 0 : i32
    %dma_wait3A_138 = arith.constant 0 : i32
    %dma_wait3A_139 = tpu.memref_slice %arg2[%dma_wait3A_137, %dma_wait3A_138] : memref<320000x128xf32, #tpu.memory_space<hbm>> -> memref<80x128xf32, #tpu.memory_space<hbm>>
    tpu.wait_dma2 semaphore(%arg11 : memref<!tpu.dma_semaphore, #tpu.memory_space<semaphore_mem>>) src(%dma_wait3A_139 : memref<80x128xf32, #tpu.memory_space<hbm>>) dst(%dma_wait3A_136 : memref<80x128xf32, #tpu.memory_space<vmem>>)
    %barrier3A_140 = arith.constant 0 : index
    tpu.barrier barrier_id(%barrier3A_140)
    %add3A_141 = arith.constant 0 : i32
    %add3A_142 = arith.addi %multiple_of3A, %add3A_141 : i32
    %multiple_of3A_143 = tpu.assume_multiple %add3A_142, 8 : i32
    %run_scoped3A_144 = arith.constant 0 : i32
    "tpu.region"() ({
      %run_scoped3A_181 = tpu.sem_alloc : memref<!tpu.dma_semaphore, #tpu.memory_space<semaphore_mem>>
      %dma_start3A_182 = arith.constant 0 : i32
      %dma_start3A_183 = arith.constant 0 : i32
      %dma_start3A_184 = tpu.memref_slice %arg6[%run_scoped3A_144, %dma_start3A_182, %dma_start3A_183] : memref<3x80x128xf32, #tpu.memory_space<vmem>> -> memref<1x80x128xf32, #tpu.memory_space<vmem>>
      %dma_start3A_185 = tpu.memref_squeeze %dma_start3A_184 : memref<1x80x128xf32, #tpu.memory_space<vmem>> -> memref<80x128xf32, #tpu.memory_space<vmem>>
      %dma_start3A_186 = arith.constant 0 : i32
      %dma_start3A_187 = tpu.memref_slice %arg8[%multiple_of3A_143, %dma_start3A_186] : memref<10240x128xf32, #tpu.memory_space<vmem_shared>> -> memref<80x128xf32, #tpu.memory_space<vmem_shared>>
      %dma_start3A_188 = arith.constant 0 : i32
      %dma_start3A_189 = arith.constant 0 : i32
      %dma_start3A_190 = tpu.memref_slice %arg6[%run_scoped3A_144, %dma_start3A_188, %dma_start3A_189] : memref<3x80x128xf32, #tpu.memory_space<vmem>> -> memref<1x80x128xf32, #tpu.memory_space<vmem>>
      %dma_start3A_191 = tpu.memref_squeeze %dma_start3A_190 : memref<1x80x128xf32, #tpu.memory_space<vmem>> -> memref<80x128xf32, #tpu.memory_space<vmem>>
      %dma_start3A_192 = arith.constant 0 : i32
      %dma_start3A_193 = tpu.memref_slice %arg8[%multiple_of3A_143, %dma_start3A_192] : memref<10240x128xf32, #tpu.memory_space<vmem_shared>> -> memref<80x128xf32, #tpu.memory_space<vmem_shared>>
      tpu.enqueue_dma source(%dma_start3A_193 : memref<80x128xf32, #tpu.memory_space<vmem_shared>>) target(%dma_start3A_191 : memref<80x128xf32, #tpu.memory_space<vmem>>) target_semaphore(%run_scoped3A_181 : memref<!tpu.dma_semaphore, #tpu.memory_space<semaphore_mem>>)
      %dma_wait3A_194 = arith.constant 0 : i32
      %dma_wait3A_195 = arith.constant 0 : i32
      %dma_wait3A_196 = tpu.memref_slice %arg6[%run_scoped3A_144, %dma_wait3A_194, %dma_wait3A_195] : memref<3x80x128xf32, #tpu.memory_space<vmem>> -> memref<1x80x128xf32, #tpu.memory_space<vmem>>
      %dma_wait3A_197 = tpu.memref_squeeze %dma_wait3A_196 : memref<1x80x128xf32, #tpu.memory_space<vmem>> -> memref<80x128xf32, #tpu.memory_space<vmem>>
      %dma_wait3A_198 = arith.constant 0 : i32
      %dma_wait3A_199 = tpu.memref_slice %arg8[%multiple_of3A_143, %dma_wait3A_198] : memref<10240x128xf32, #tpu.memory_space<vmem_shared>> -> memref<80x128xf32, #tpu.memory_space<vmem_shared>>
      %dma_wait3A_200 = arith.constant 0 : i32
      %dma_wait3A_201 = arith.constant 0 : i32
      %dma_wait3A_202 = tpu.memref_slice %arg6[%run_scoped3A_144, %dma_wait3A_200, %dma_wait3A_201] : memref<3x80x128xf32, #tpu.memory_space<vmem>> -> memref<1x80x128xf32, #tpu.memory_space<vmem>>
      %dma_wait3A_203 = tpu.memref_squeeze %dma_wait3A_202 : memref<1x80x128xf32, #tpu.memory_space<vmem>> -> memref<80x128xf32, #tpu.memory_space<vmem>>
      %dma_wait3A_204 = arith.constant 0 : i32
      %dma_wait3A_205 = tpu.memref_slice %arg8[%multiple_of3A_143, %dma_wait3A_204] : memref<10240x128xf32, #tpu.memory_space<vmem_shared>> -> memref<80x128xf32, #tpu.memory_space<vmem_shared>>
      tpu.wait_dma2 semaphore(%run_scoped3A_181 : memref<!tpu.dma_semaphore, #tpu.memory_space<semaphore_mem>>) src(%dma_wait3A_205 : memref<80x128xf32, #tpu.memory_space<vmem_shared>>) dst(%dma_wait3A_203 : memref<80x128xf32, #tpu.memory_space<vmem>>)
      tpu.yield
    }) : () -> ()
    %run_scoped3A_145 = arith.constant 0 : i32
    "tpu.region"() ({
      %run_scoped3A_181 = tpu.sem_alloc : memref<!tpu.dma_semaphore, #tpu.memory_space<semaphore_mem>>
      %dma_start3A_182 = arith.constant 0 : i32
      %dma_start3A_183 = arith.constant 0 : i32
      %dma_start3A_184 = tpu.memref_slice %arg6[%run_scoped3A_145, %dma_start3A_182, %dma_start3A_183] : memref<3x80x128xf32, #tpu.memory_space<vmem>> -> memref<1x80x128xf32, #tpu.memory_space<vmem>>
      %dma_start3A_185 = tpu.memref_squeeze %dma_start3A_184 : memref<1x80x128xf32, #tpu.memory_space<vmem>> -> memref<80x128xf32, #tpu.memory_space<vmem>>
      %dma_start3A_186 = arith.constant 0 : i32
      %dma_start3A_187 = arith.constant 0 : i32
      %dma_start3A_188 = tpu.memref_slice %arg5[%arg0, %dma_start3A_186, %dma_start3A_187] : memref<2x10240x128xf32, #tpu.memory_space<hbm>> -> memref<1x10240x128xf32, #tpu.memory_space<hbm>>
      %dma_start3A_189 = tpu.memref_squeeze %dma_start3A_188 : memref<1x10240x128xf32, #tpu.memory_space<hbm>> -> memref<10240x128xf32, #tpu.memory_space<hbm>>
      %dma_start3A_190 = arith.constant 0 : i32
      %dma_start3A_191 = tpu.memref_slice %dma_start3A_189[%multiple_of3A_143, %dma_start3A_190] : memref<10240x128xf32, #tpu.memory_space<hbm>> -> memref<80x128xf32, #tpu.memory_space<hbm>>
      %dma_start3A_192 = arith.constant 0 : i32
      %dma_start3A_193 = arith.constant 0 : i32
      %dma_start3A_194 = tpu.memref_slice %arg5[%arg0, %dma_start3A_192, %dma_start3A_193] : memref<2x10240x128xf32, #tpu.memory_space<hbm>> -> memref<1x10240x128xf32, #tpu.memory_space<hbm>>
      %dma_start3A_195 = tpu.memref_squeeze %dma_start3A_194 : memref<1x10240x128xf32, #tpu.memory_space<hbm>> -> memref<10240x128xf32, #tpu.memory_space<hbm>>
      %dma_start3A_196 = arith.constant 0 : i32
      %dma_start3A_197 = tpu.memref_slice %dma_start3A_195[%multiple_of3A_143, %dma_start3A_196] : memref<10240x128xf32, #tpu.memory_space<hbm>> -> memref<80x128xf32, #tpu.memory_space<hbm>>
      %dma_start3A_198 = arith.constant 0 : i32
      %dma_start3A_199 = arith.constant 0 : i32
      %dma_start3A_200 = tpu.memref_slice %arg6[%run_scoped3A_145, %dma_start3A_198, %dma_start3A_199] : memref<3x80x128xf32, #tpu.memory_space<vmem>> -> memref<1x80x128xf32, #tpu.memory_space<vmem>>
      %dma_start3A_201 = tpu.memref_squeeze %dma_start3A_200 : memref<1x80x128xf32, #tpu.memory_space<vmem>> -> memref<80x128xf32, #tpu.memory_space<vmem>>
      tpu.enqueue_dma source(%dma_start3A_201 : memref<80x128xf32, #tpu.memory_space<vmem>>) target(%dma_start3A_197 : memref<80x128xf32, #tpu.memory_space<hbm>>) target_semaphore(%run_scoped3A_181 : memref<!tpu.dma_semaphore, #tpu.memory_space<semaphore_mem>>)
      %dma_wait3A_202 = arith.constant 0 : i32
      %dma_wait3A_203 = arith.constant 0 : i32
      %dma_wait3A_204 = tpu.memref_slice %arg6[%run_scoped3A_145, %dma_wait3A_202, %dma_wait3A_203] : memref<3x80x128xf32, #tpu.memory_space<vmem>> -> memref<1x80x128xf32, #tpu.memory_space<vmem>>
      %dma_wait3A_205 = tpu.memref_squeeze %dma_wait3A_204 : memref<1x80x128xf32, #tpu.memory_space<vmem>> -> memref<80x128xf32, #tpu.memory_space<vmem>>
      %dma_wait3A_206 = arith.constant 0 : i32
      %dma_wait3A_207 = arith.constant 0 : i32
      %dma_wait3A_208 = tpu.memref_slice %arg5[%arg0, %dma_wait3A_206, %dma_wait3A_207] : memref<2x10240x128xf32, #tpu.memory_space<hbm>> -> memref<1x10240x128xf32, #tpu.memory_space<hbm>>
      %dma_wait3A_209 = tpu.memref_squeeze %dma_wait3A_208 : memref<1x10240x128xf32, #tpu.memory_space<hbm>> -> memref<10240x128xf32, #tpu.memory_space<hbm>>
      %dma_wait3A_210 = arith.constant 0 : i32
      %dma_wait3A_211 = tpu.memref_slice %dma_wait3A_209[%multiple_of3A_143, %dma_wait3A_210] : memref<10240x128xf32, #tpu.memory_space<hbm>> -> memref<80x128xf32, #tpu.memory_space<hbm>>
      %dma_wait3A_212 = arith.constant 0 : i32
      %dma_wait3A_213 = arith.constant 0 : i32
      %dma_wait3A_214 = tpu.memref_slice %arg5[%arg0, %dma_wait3A_212, %dma_wait3A_213] : memref<2x10240x128xf32, #tpu.memory_space<hbm>> -> memref<1x10240x128xf32, #tpu.memory_space<hbm>>
      %dma_wait3A_215 = tpu.memref_squeeze %dma_wait3A_214 : memref<1x10240x128xf32, #tpu.memory_space<hbm>> -> memref<10240x128xf32, #tpu.memory_space<hbm>>
      %dma_wait3A_216 = arith.constant 0 : i32
      %dma_wait3A_217 = tpu.memref_slice %dma_wait3A_215[%multiple_of3A_143, %dma_wait3A_216] : memref<10240x128xf32, #tpu.memory_space<hbm>> -> memref<80x128xf32, #tpu.memory_space<hbm>>
      %dma_wait3A_218 = arith.constant 0 : i32
      %dma_wait3A_219 = arith.constant 0 : i32
      %dma_wait3A_220 = tpu.memref_slice %arg6[%run_scoped3A_145, %dma_wait3A_218, %dma_wait3A_219] : memref<3x80x128xf32, #tpu.memory_space<vmem>> -> memref<1x80x128xf32, #tpu.memory_space<vmem>>
      %dma_wait3A_221 = tpu.memref_squeeze %dma_wait3A_220 : memref<1x80x128xf32, #tpu.memory_space<vmem>> -> memref<80x128xf32, #tpu.memory_space<vmem>>
      tpu.wait_dma2 semaphore(%run_scoped3A_181 : memref<!tpu.dma_semaphore, #tpu.memory_space<semaphore_mem>>) src(%dma_wait3A_221 : memref<80x128xf32, #tpu.memory_space<vmem>>) dst(%dma_wait3A_217 : memref<80x128xf32, #tpu.memory_space<hbm>>)
      tpu.yield
    }) : () -> ()
    %add3A_146 = arith.constant 80 : i32
    %add3A_147 = arith.addi %multiple_of3A, %add3A_146 : i32
    %multiple_of3A_148 = tpu.assume_multiple %add3A_147, 8 : i32
    %run_scoped3A_149 = arith.constant 0 : i32
    "tpu.region"() ({
      %run_scoped3A_181 = tpu.sem_alloc : memref<!tpu.dma_semaphore, #tpu.memory_space<semaphore_mem>>
      %dma_start3A_182 = arith.constant 0 : i32
      %dma_start3A_183 = arith.constant 0 : i32
      %dma_start3A_184 = tpu.memref_slice %arg6[%run_scoped3A_149, %dma_start3A_182, %dma_start3A_183] : memref<3x80x128xf32, #tpu.memory_space<vmem>> -> memref<1x80x128xf32, #tpu.memory_space<vmem>>
      %dma_start3A_185 = tpu.memref_squeeze %dma_start3A_184 : memref<1x80x128xf32, #tpu.memory_space<vmem>> -> memref<80x128xf32, #tpu.memory_space<vmem>>
      %dma_start3A_186 = arith.constant 0 : i32
      %dma_start3A_187 = tpu.memref_slice %arg8[%multiple_of3A_148, %dma_start3A_186] : memref<10240x128xf32, #tpu.memory_space<vmem_shared>> -> memref<80x128xf32, #tpu.memory_space<vmem_shared>>
      %dma_start3A_188 = arith.constant 0 : i32
      %dma_start3A_189 = arith.constant 0 : i32
      %dma_start3A_190 = tpu.memref_slice %arg6[%run_scoped3A_149, %dma_start3A_188, %dma_start3A_189] : memref<3x80x128xf32, #tpu.memory_space<vmem>> -> memref<1x80x128xf32, #tpu.memory_space<vmem>>
      %dma_start3A_191 = tpu.memref_squeeze %dma_start3A_190 : memref<1x80x128xf32, #tpu.memory_space<vmem>> -> memref<80x128xf32, #tpu.memory_space<vmem>>
      %dma_start3A_192 = arith.constant 0 : i32
      %dma_start3A_193 = tpu.memref_slice %arg8[%multiple_of3A_148, %dma_start3A_192] : memref<10240x128xf32, #tpu.memory_space<vmem_shared>> -> memref<80x128xf32, #tpu.memory_space<vmem_shared>>
      tpu.enqueue_dma source(%dma_start3A_193 : memref<80x128xf32, #tpu.memory_space<vmem_shared>>) target(%dma_start3A_191 : memref<80x128xf32, #tpu.memory_space<vmem>>) target_semaphore(%run_scoped3A_181 : memref<!tpu.dma_semaphore, #tpu.memory_space<semaphore_mem>>)
      %dma_wait3A_194 = arith.constant 0 : i32
      %dma_wait3A_195 = arith.constant 0 : i32
      %dma_wait3A_196 = tpu.memref_slice %arg6[%run_scoped3A_149, %dma_wait3A_194, %dma_wait3A_195] : memref<3x80x128xf32, #tpu.memory_space<vmem>> -> memref<1x80x128xf32, #tpu.memory_space<vmem>>
      %dma_wait3A_197 = tpu.memref_squeeze %dma_wait3A_196 : memref<1x80x128xf32, #tpu.memory_space<vmem>> -> memref<80x128xf32, #tpu.memory_space<vmem>>
      %dma_wait3A_198 = arith.constant 0 : i32
      %dma_wait3A_199 = tpu.memref_slice %arg8[%multiple_of3A_148, %dma_wait3A_198] : memref<10240x128xf32, #tpu.memory_space<vmem_shared>> -> memref<80x128xf32, #tpu.memory_space<vmem_shared>>
      %dma_wait3A_200 = arith.constant 0 : i32
      %dma_wait3A_201 = arith.constant 0 : i32
      %dma_wait3A_202 = tpu.memref_slice %arg6[%run_scoped3A_149, %dma_wait3A_200, %dma_wait3A_201] : memref<3x80x128xf32, #tpu.memory_space<vmem>> -> memref<1x80x128xf32, #tpu.memory_space<vmem>>
      %dma_wait3A_203 = tpu.memref_squeeze %dma_wait3A_202 : memref<1x80x128xf32, #tpu.memory_space<vmem>> -> memref<80x128xf32, #tpu.memory_space<vmem>>
      %dma_wait3A_204 = arith.constant 0 : i32
      %dma_wait3A_205 = tpu.memref_slice %arg8[%multiple_of3A_148, %dma_wait3A_204] : memref<10240x128xf32, #tpu.memory_space<vmem_shared>> -> memref<80x128xf32, #tpu.memory_space<vmem_shared>>
      tpu.wait_dma2 semaphore(%run_scoped3A_181 : memref<!tpu.dma_semaphore, #tpu.memory_space<semaphore_mem>>) src(%dma_wait3A_205 : memref<80x128xf32, #tpu.memory_space<vmem_shared>>) dst(%dma_wait3A_203 : memref<80x128xf32, #tpu.memory_space<vmem>>)
      tpu.yield
    }) : () -> ()
    %run_scoped3A_150 = arith.constant 0 : i32
    "tpu.region"() ({
      %run_scoped3A_181 = tpu.sem_alloc : memref<!tpu.dma_semaphore, #tpu.memory_space<semaphore_mem>>
      %dma_start3A_182 = arith.constant 0 : i32
      %dma_start3A_183 = arith.constant 0 : i32
      %dma_start3A_184 = tpu.memref_slice %arg6[%run_scoped3A_150, %dma_start3A_182, %dma_start3A_183] : memref<3x80x128xf32, #tpu.memory_space<vmem>> -> memref<1x80x128xf32, #tpu.memory_space<vmem>>
      %dma_start3A_185 = tpu.memref_squeeze %dma_start3A_184 : memref<1x80x128xf32, #tpu.memory_space<vmem>> -> memref<80x128xf32, #tpu.memory_space<vmem>>
      %dma_start3A_186 = arith.constant 0 : i32
      %dma_start3A_187 = arith.constant 0 : i32
      %dma_start3A_188 = tpu.memref_slice %arg5[%arg0, %dma_start3A_186, %dma_start3A_187] : memref<2x10240x128xf32, #tpu.memory_space<hbm>> -> memref<1x10240x128xf32, #tpu.memory_space<hbm>>
      %dma_start3A_189 = tpu.memref_squeeze %dma_start3A_188 : memref<1x10240x128xf32, #tpu.memory_space<hbm>> -> memref<10240x128xf32, #tpu.memory_space<hbm>>
      %dma_start3A_190 = arith.constant 0 : i32
      %dma_start3A_191 = tpu.memref_slice %dma_start3A_189[%multiple_of3A_148, %dma_start3A_190] : memref<10240x128xf32, #tpu.memory_space<hbm>> -> memref<80x128xf32, #tpu.memory_space<hbm>>
      %dma_start3A_192 = arith.constant 0 : i32
      %dma_start3A_193 = arith.constant 0 : i32
      %dma_start3A_194 = tpu.memref_slice %arg5[%arg0, %dma_start3A_192, %dma_start3A_193] : memref<2x10240x128xf32, #tpu.memory_space<hbm>> -> memref<1x10240x128xf32, #tpu.memory_space<hbm>>
      %dma_start3A_195 = tpu.memref_squeeze %dma_start3A_194 : memref<1x10240x128xf32, #tpu.memory_space<hbm>> -> memref<10240x128xf32, #tpu.memory_space<hbm>>
      %dma_start3A_196 = arith.constant 0 : i32
      %dma_start3A_197 = tpu.memref_slice %dma_start3A_195[%multiple_of3A_148, %dma_start3A_196] : memref<10240x128xf32, #tpu.memory_space<hbm>> -> memref<80x128xf32, #tpu.memory_space<hbm>>
      %dma_start3A_198 = arith.constant 0 : i32
      %dma_start3A_199 = arith.constant 0 : i32
      %dma_start3A_200 = tpu.memref_slice %arg6[%run_scoped3A_150, %dma_start3A_198, %dma_start3A_199] : memref<3x80x128xf32, #tpu.memory_space<vmem>> -> memref<1x80x128xf32, #tpu.memory_space<vmem>>
      %dma_start3A_201 = tpu.memref_squeeze %dma_start3A_200 : memref<1x80x128xf32, #tpu.memory_space<vmem>> -> memref<80x128xf32, #tpu.memory_space<vmem>>
      tpu.enqueue_dma source(%dma_start3A_201 : memref<80x128xf32, #tpu.memory_space<vmem>>) target(%dma_start3A_197 : memref<80x128xf32, #tpu.memory_space<hbm>>) target_semaphore(%run_scoped3A_181 : memref<!tpu.dma_semaphore, #tpu.memory_space<semaphore_mem>>)
      %dma_wait3A_202 = arith.constant 0 : i32
      %dma_wait3A_203 = arith.constant 0 : i32
      %dma_wait3A_204 = tpu.memref_slice %arg6[%run_scoped3A_150, %dma_wait3A_202, %dma_wait3A_203] : memref<3x80x128xf32, #tpu.memory_space<vmem>> -> memref<1x80x128xf32, #tpu.memory_space<vmem>>
      %dma_wait3A_205 = tpu.memref_squeeze %dma_wait3A_204 : memref<1x80x128xf32, #tpu.memory_space<vmem>> -> memref<80x128xf32, #tpu.memory_space<vmem>>
      %dma_wait3A_206 = arith.constant 0 : i32
      %dma_wait3A_207 = arith.constant 0 : i32
      %dma_wait3A_208 = tpu.memref_slice %arg5[%arg0, %dma_wait3A_206, %dma_wait3A_207] : memref<2x10240x128xf32, #tpu.memory_space<hbm>> -> memref<1x10240x128xf32, #tpu.memory_space<hbm>>
      %dma_wait3A_209 = tpu.memref_squeeze %dma_wait3A_208 : memref<1x10240x128xf32, #tpu.memory_space<hbm>> -> memref<10240x128xf32, #tpu.memory_space<hbm>>
      %dma_wait3A_210 = arith.constant 0 : i32
      %dma_wait3A_211 = tpu.memref_slice %dma_wait3A_209[%multiple_of3A_148, %dma_wait3A_210] : memref<10240x128xf32, #tpu.memory_space<hbm>> -> memref<80x128xf32, #tpu.memory_space<hbm>>
      %dma_wait3A_212 = arith.constant 0 : i32
      %dma_wait3A_213 = arith.constant 0 : i32
      %dma_wait3A_214 = tpu.memref_slice %arg5[%arg0, %dma_wait3A_212, %dma_wait3A_213] : memref<2x10240x128xf32, #tpu.memory_space<hbm>> -> memref<1x10240x128xf32, #tpu.memory_space<hbm>>
      %dma_wait3A_215 = tpu.memref_squeeze %dma_wait3A_214 : memref<1x10240x128xf32, #tpu.memory_space<hbm>> -> memref<10240x128xf32, #tpu.memory_space<hbm>>
      %dma_wait3A_216 = arith.constant 0 : i32
      %dma_wait3A_217 = tpu.memref_slice %dma_wait3A_215[%multiple_of3A_148, %dma_wait3A_216] : memref<10240x128xf32, #tpu.memory_space<hbm>> -> memref<80x128xf32, #tpu.memory_space<hbm>>
      %dma_wait3A_218 = arith.constant 0 : i32
      %dma_wait3A_219 = arith.constant 0 : i32
      %dma_wait3A_220 = tpu.memref_slice %arg6[%run_scoped3A_150, %dma_wait3A_218, %dma_wait3A_219] : memref<3x80x128xf32, #tpu.memory_space<vmem>> -> memref<1x80x128xf32, #tpu.memory_space<vmem>>
      %dma_wait3A_221 = tpu.memref_squeeze %dma_wait3A_220 : memref<1x80x128xf32, #tpu.memory_space<vmem>> -> memref<80x128xf32, #tpu.memory_space<vmem>>
      tpu.wait_dma2 semaphore(%run_scoped3A_181 : memref<!tpu.dma_semaphore, #tpu.memory_space<semaphore_mem>>) src(%dma_wait3A_221 : memref<80x128xf32, #tpu.memory_space<vmem>>) dst(%dma_wait3A_217 : memref<80x128xf32, #tpu.memory_space<hbm>>)
      tpu.yield
    }) : () -> ()
    %add3A_151 = arith.constant 160 : i32
    %add3A_152 = arith.addi %multiple_of3A, %add3A_151 : i32
    %multiple_of3A_153 = tpu.assume_multiple %add3A_152, 8 : i32
    %run_scoped3A_154 = arith.constant 0 : i32
    "tpu.region"() ({
      %run_scoped3A_181 = tpu.sem_alloc : memref<!tpu.dma_semaphore, #tpu.memory_space<semaphore_mem>>
      %dma_start3A_182 = arith.constant 0 : i32
      %dma_start3A_183 = arith.constant 0 : i32
      %dma_start3A_184 = tpu.memref_slice %arg6[%run_scoped3A_154, %dma_start3A_182, %dma_start3A_183] : memref<3x80x128xf32, #tpu.memory_space<vmem>> -> memref<1x80x128xf32, #tpu.memory_space<vmem>>
      %dma_start3A_185 = tpu.memref_squeeze %dma_start3A_184 : memref<1x80x128xf32, #tpu.memory_space<vmem>> -> memref<80x128xf32, #tpu.memory_space<vmem>>
      %dma_start3A_186 = arith.constant 0 : i32
      %dma_start3A_187 = tpu.memref_slice %arg8[%multiple_of3A_153, %dma_start3A_186] : memref<10240x128xf32, #tpu.memory_space<vmem_shared>> -> memref<80x128xf32, #tpu.memory_space<vmem_shared>>
      %dma_start3A_188 = arith.constant 0 : i32
      %dma_start3A_189 = arith.constant 0 : i32
      %dma_start3A_190 = tpu.memref_slice %arg6[%run_scoped3A_154, %dma_start3A_188, %dma_start3A_189] : memref<3x80x128xf32, #tpu.memory_space<vmem>> -> memref<1x80x128xf32, #tpu.memory_space<vmem>>
      %dma_start3A_191 = tpu.memref_squeeze %dma_start3A_190 : memref<1x80x128xf32, #tpu.memory_space<vmem>> -> memref<80x128xf32, #tpu.memory_space<vmem>>
      %dma_start3A_192 = arith.constant 0 : i32
      %dma_start3A_193 = tpu.memref_slice %arg8[%multiple_of3A_153, %dma_start3A_192] : memref<10240x128xf32, #tpu.memory_space<vmem_shared>> -> memref<80x128xf32, #tpu.memory_space<vmem_shared>>
      tpu.enqueue_dma source(%dma_start3A_193 : memref<80x128xf32, #tpu.memory_space<vmem_shared>>) target(%dma_start3A_191 : memref<80x128xf32, #tpu.memory_space<vmem>>) target_semaphore(%run_scoped3A_181 : memref<!tpu.dma_semaphore, #tpu.memory_space<semaphore_mem>>)
      %dma_wait3A_194 = arith.constant 0 : i32
      %dma_wait3A_195 = arith.constant 0 : i32
      %dma_wait3A_196 = tpu.memref_slice %arg6[%run_scoped3A_154, %dma_wait3A_194, %dma_wait3A_195] : memref<3x80x128xf32, #tpu.memory_space<vmem>> -> memref<1x80x128xf32, #tpu.memory_space<vmem>>
      %dma_wait3A_197 = tpu.memref_squeeze %dma_wait3A_196 : memref<1x80x128xf32, #tpu.memory_space<vmem>> -> memref<80x128xf32, #tpu.memory_space<vmem>>
      %dma_wait3A_198 = arith.constant 0 : i32
      %dma_wait3A_199 = tpu.memref_slice %arg8[%multiple_of3A_153, %dma_wait3A_198] : memref<10240x128xf32, #tpu.memory_space<vmem_shared>> -> memref<80x128xf32, #tpu.memory_space<vmem_shared>>
      %dma_wait3A_200 = arith.constant 0 : i32
      %dma_wait3A_201 = arith.constant 0 : i32
      %dma_wait3A_202 = tpu.memref_slice %arg6[%run_scoped3A_154, %dma_wait3A_200, %dma_wait3A_201] : memref<3x80x128xf32, #tpu.memory_space<vmem>> -> memref<1x80x128xf32, #tpu.memory_space<vmem>>
      %dma_wait3A_203 = tpu.memref_squeeze %dma_wait3A_202 : memref<1x80x128xf32, #tpu.memory_space<vmem>> -> memref<80x128xf32, #tpu.memory_space<vmem>>
      %dma_wait3A_204 = arith.constant 0 : i32
      %dma_wait3A_205 = tpu.memref_slice %arg8[%multiple_of3A_153, %dma_wait3A_204] : memref<10240x128xf32, #tpu.memory_space<vmem_shared>> -> memref<80x128xf32, #tpu.memory_space<vmem_shared>>
      tpu.wait_dma2 semaphore(%run_scoped3A_181 : memref<!tpu.dma_semaphore, #tpu.memory_space<semaphore_mem>>) src(%dma_wait3A_205 : memref<80x128xf32, #tpu.memory_space<vmem_shared>>) dst(%dma_wait3A_203 : memref<80x128xf32, #tpu.memory_space<vmem>>)
      tpu.yield
    }) : () -> ()
    %run_scoped3A_155 = arith.constant 0 : i32
    "tpu.region"() ({
      %run_scoped3A_181 = tpu.sem_alloc : memref<!tpu.dma_semaphore, #tpu.memory_space<semaphore_mem>>
      %dma_start3A_182 = arith.constant 0 : i32
      %dma_start3A_183 = arith.constant 0 : i32
      %dma_start3A_184 = tpu.memref_slice %arg6[%run_scoped3A_155, %dma_start3A_182, %dma_start3A_183] : memref<3x80x128xf32, #tpu.memory_space<vmem>> -> memref<1x80x128xf32, #tpu.memory_space<vmem>>
      %dma_start3A_185 = tpu.memref_squeeze %dma_start3A_184 : memref<1x80x128xf32, #tpu.memory_space<vmem>> -> memref<80x128xf32, #tpu.memory_space<vmem>>
      %dma_start3A_186 = arith.constant 0 : i32
      %dma_start3A_187 = arith.constant 0 : i32
      %dma_start3A_188 = tpu.memref_slice %arg5[%arg0, %dma_start3A_186, %dma_start3A_187] : memref<2x10240x128xf32, #tpu.memory_space<hbm>> -> memref<1x10240x128xf32, #tpu.memory_space<hbm>>
      %dma_start3A_189 = tpu.memref_squeeze %dma_start3A_188 : memref<1x10240x128xf32, #tpu.memory_space<hbm>> -> memref<10240x128xf32, #tpu.memory_space<hbm>>
      %dma_start3A_190 = arith.constant 0 : i32
      %dma_start3A_191 = tpu.memref_slice %dma_start3A_189[%multiple_of3A_153, %dma_start3A_190] : memref<10240x128xf32, #tpu.memory_space<hbm>> -> memref<80x128xf32, #tpu.memory_space<hbm>>
      %dma_start3A_192 = arith.constant 0 : i32
      %dma_start3A_193 = arith.constant 0 : i32
      %dma_start3A_194 = tpu.memref_slice %arg5[%arg0, %dma_start3A_192, %dma_start3A_193] : memref<2x10240x128xf32, #tpu.memory_space<hbm>> -> memref<1x10240x128xf32, #tpu.memory_space<hbm>>
      %dma_start3A_195 = tpu.memref_squeeze %dma_start3A_194 : memref<1x10240x128xf32, #tpu.memory_space<hbm>> -> memref<10240x128xf32, #tpu.memory_space<hbm>>
      %dma_start3A_196 = arith.constant 0 : i32
      %dma_start3A_197 = tpu.memref_slice %dma_start3A_195[%multiple_of3A_153, %dma_start3A_196] : memref<10240x128xf32, #tpu.memory_space<hbm>> -> memref<80x128xf32, #tpu.memory_space<hbm>>
      %dma_start3A_198 = arith.constant 0 : i32
      %dma_start3A_199 = arith.constant 0 : i32
      %dma_start3A_200 = tpu.memref_slice %arg6[%run_scoped3A_155, %dma_start3A_198, %dma_start3A_199] : memref<3x80x128xf32, #tpu.memory_space<vmem>> -> memref<1x80x128xf32, #tpu.memory_space<vmem>>
      %dma_start3A_201 = tpu.memref_squeeze %dma_start3A_200 : memref<1x80x128xf32, #tpu.memory_space<vmem>> -> memref<80x128xf32, #tpu.memory_space<vmem>>
      tpu.enqueue_dma source(%dma_start3A_201 : memref<80x128xf32, #tpu.memory_space<vmem>>) target(%dma_start3A_197 : memref<80x128xf32, #tpu.memory_space<hbm>>) target_semaphore(%run_scoped3A_181 : memref<!tpu.dma_semaphore, #tpu.memory_space<semaphore_mem>>)
      %dma_wait3A_202 = arith.constant 0 : i32
      %dma_wait3A_203 = arith.constant 0 : i32
      %dma_wait3A_204 = tpu.memref_slice %arg6[%run_scoped3A_155, %dma_wait3A_202, %dma_wait3A_203] : memref<3x80x128xf32, #tpu.memory_space<vmem>> -> memref<1x80x128xf32, #tpu.memory_space<vmem>>
      %dma_wait3A_205 = tpu.memref_squeeze %dma_wait3A_204 : memref<1x80x128xf32, #tpu.memory_space<vmem>> -> memref<80x128xf32, #tpu.memory_space<vmem>>
      %dma_wait3A_206 = arith.constant 0 : i32
      %dma_wait3A_207 = arith.constant 0 : i32
      %dma_wait3A_208 = tpu.memref_slice %arg5[%arg0, %dma_wait3A_206, %dma_wait3A_207] : memref<2x10240x128xf32, #tpu.memory_space<hbm>> -> memref<1x10240x128xf32, #tpu.memory_space<hbm>>
      %dma_wait3A_209 = tpu.memref_squeeze %dma_wait3A_208 : memref<1x10240x128xf32, #tpu.memory_space<hbm>> -> memref<10240x128xf32, #tpu.memory_space<hbm>>
      %dma_wait3A_210 = arith.constant 0 : i32
      %dma_wait3A_211 = tpu.memref_slice %dma_wait3A_209[%multiple_of3A_153, %dma_wait3A_210] : memref<10240x128xf32, #tpu.memory_space<hbm>> -> memref<80x128xf32, #tpu.memory_space<hbm>>
      %dma_wait3A_212 = arith.constant 0 : i32
      %dma_wait3A_213 = arith.constant 0 : i32
      %dma_wait3A_214 = tpu.memref_slice %arg5[%arg0, %dma_wait3A_212, %dma_wait3A_213] : memref<2x10240x128xf32, #tpu.memory_space<hbm>> -> memref<1x10240x128xf32, #tpu.memory_space<hbm>>
      %dma_wait3A_215 = tpu.memref_squeeze %dma_wait3A_214 : memref<1x10240x128xf32, #tpu.memory_space<hbm>> -> memref<10240x128xf32, #tpu.memory_space<hbm>>
      %dma_wait3A_216 = arith.constant 0 : i32
      %dma_wait3A_217 = tpu.memref_slice %dma_wait3A_215[%multiple_of3A_153, %dma_wait3A_216] : memref<10240x128xf32, #tpu.memory_space<hbm>> -> memref<80x128xf32, #tpu.memory_space<hbm>>
      %dma_wait3A_218 = arith.constant 0 : i32
      %dma_wait3A_219 = arith.constant 0 : i32
      %dma_wait3A_220 = tpu.memref_slice %arg6[%run_scoped3A_155, %dma_wait3A_218, %dma_wait3A_219] : memref<3x80x128xf32, #tpu.memory_space<vmem>> -> memref<1x80x128xf32, #tpu.memory_space<vmem>>
      %dma_wait3A_221 = tpu.memref_squeeze %dma_wait3A_220 : memref<1x80x128xf32, #tpu.memory_space<vmem>> -> memref<80x128xf32, #tpu.memory_space<vmem>>
      tpu.wait_dma2 semaphore(%run_scoped3A_181 : memref<!tpu.dma_semaphore, #tpu.memory_space<semaphore_mem>>) src(%dma_wait3A_221 : memref<80x128xf32, #tpu.memory_space<vmem>>) dst(%dma_wait3A_217 : memref<80x128xf32, #tpu.memory_space<hbm>>)
      tpu.yield
    }) : () -> ()
    %add3A_156 = arith.constant 240 : i32
    %add3A_157 = arith.addi %multiple_of3A, %add3A_156 : i32
    %multiple_of3A_158 = tpu.assume_multiple %add3A_157, 8 : i32
    %run_scoped3A_159 = arith.constant 0 : i32
    "tpu.region"() ({
      %run_scoped3A_181 = tpu.sem_alloc : memref<!tpu.dma_semaphore, #tpu.memory_space<semaphore_mem>>
      %dma_start3A_182 = arith.constant 0 : i32
      %dma_start3A_183 = arith.constant 0 : i32
      %dma_start3A_184 = tpu.memref_slice %arg6[%run_scoped3A_159, %dma_start3A_182, %dma_start3A_183] : memref<3x80x128xf32, #tpu.memory_space<vmem>> -> memref<1x80x128xf32, #tpu.memory_space<vmem>>
      %dma_start3A_185 = tpu.memref_squeeze %dma_start3A_184 : memref<1x80x128xf32, #tpu.memory_space<vmem>> -> memref<80x128xf32, #tpu.memory_space<vmem>>
      %dma_start3A_186 = arith.constant 0 : i32
      %dma_start3A_187 = tpu.memref_slice %arg8[%multiple_of3A_158, %dma_start3A_186] : memref<10240x128xf32, #tpu.memory_space<vmem_shared>> -> memref<80x128xf32, #tpu.memory_space<vmem_shared>>
      %dma_start3A_188 = arith.constant 0 : i32
      %dma_start3A_189 = arith.constant 0 : i32
      %dma_start3A_190 = tpu.memref_slice %arg6[%run_scoped3A_159, %dma_start3A_188, %dma_start3A_189] : memref<3x80x128xf32, #tpu.memory_space<vmem>> -> memref<1x80x128xf32, #tpu.memory_space<vmem>>
      %dma_start3A_191 = tpu.memref_squeeze %dma_start3A_190 : memref<1x80x128xf32, #tpu.memory_space<vmem>> -> memref<80x128xf32, #tpu.memory_space<vmem>>
      %dma_start3A_192 = arith.constant 0 : i32
      %dma_start3A_193 = tpu.memref_slice %arg8[%multiple_of3A_158, %dma_start3A_192] : memref<10240x128xf32, #tpu.memory_space<vmem_shared>> -> memref<80x128xf32, #tpu.memory_space<vmem_shared>>
      tpu.enqueue_dma source(%dma_start3A_193 : memref<80x128xf32, #tpu.memory_space<vmem_shared>>) target(%dma_start3A_191 : memref<80x128xf32, #tpu.memory_space<vmem>>) target_semaphore(%run_scoped3A_181 : memref<!tpu.dma_semaphore, #tpu.memory_space<semaphore_mem>>)
      %dma_wait3A_194 = arith.constant 0 : i32
      %dma_wait3A_195 = arith.constant 0 : i32
      %dma_wait3A_196 = tpu.memref_slice %arg6[%run_scoped3A_159, %dma_wait3A_194, %dma_wait3A_195] : memref<3x80x128xf32, #tpu.memory_space<vmem>> -> memref<1x80x128xf32, #tpu.memory_space<vmem>>
      %dma_wait3A_197 = tpu.memref_squeeze %dma_wait3A_196 : memref<1x80x128xf32, #tpu.memory_space<vmem>> -> memref<80x128xf32, #tpu.memory_space<vmem>>
      %dma_wait3A_198 = arith.constant 0 : i32
      %dma_wait3A_199 = tpu.memref_slice %arg8[%multiple_of3A_158, %dma_wait3A_198] : memref<10240x128xf32, #tpu.memory_space<vmem_shared>> -> memref<80x128xf32, #tpu.memory_space<vmem_shared>>
      %dma_wait3A_200 = arith.constant 0 : i32
      %dma_wait3A_201 = arith.constant 0 : i32
      %dma_wait3A_202 = tpu.memref_slice %arg6[%run_scoped3A_159, %dma_wait3A_200, %dma_wait3A_201] : memref<3x80x128xf32, #tpu.memory_space<vmem>> -> memref<1x80x128xf32, #tpu.memory_space<vmem>>
      %dma_wait3A_203 = tpu.memref_squeeze %dma_wait3A_202 : memref<1x80x128xf32, #tpu.memory_space<vmem>> -> memref<80x128xf32, #tpu.memory_space<vmem>>
      %dma_wait3A_204 = arith.constant 0 : i32
      %dma_wait3A_205 = tpu.memref_slice %arg8[%multiple_of3A_158, %dma_wait3A_204] : memref<10240x128xf32, #tpu.memory_space<vmem_shared>> -> memref<80x128xf32, #tpu.memory_space<vmem_shared>>
      tpu.wait_dma2 semaphore(%run_scoped3A_181 : memref<!tpu.dma_semaphore, #tpu.memory_space<semaphore_mem>>) src(%dma_wait3A_205 : memref<80x128xf32, #tpu.memory_space<vmem_shared>>) dst(%dma_wait3A_203 : memref<80x128xf32, #tpu.memory_space<vmem>>)
      tpu.yield
    }) : () -> ()
    %run_scoped3A_160 = arith.constant 0 : i32
    "tpu.region"() ({
      %run_scoped3A_181 = tpu.sem_alloc : memref<!tpu.dma_semaphore, #tpu.memory_space<semaphore_mem>>
      %dma_start3A_182 = arith.constant 0 : i32
      %dma_start3A_183 = arith.constant 0 : i32
      %dma_start3A_184 = tpu.memref_slice %arg6[%run_scoped3A_160, %dma_start3A_182, %dma_start3A_183] : memref<3x80x128xf32, #tpu.memory_space<vmem>> -> memref<1x80x128xf32, #tpu.memory_space<vmem>>
      %dma_start3A_185 = tpu.memref_squeeze %dma_start3A_184 : memref<1x80x128xf32, #tpu.memory_space<vmem>> -> memref<80x128xf32, #tpu.memory_space<vmem>>
      %dma_start3A_186 = arith.constant 0 : i32
      %dma_start3A_187 = arith.constant 0 : i32
      %dma_start3A_188 = tpu.memref_slice %arg5[%arg0, %dma_start3A_186, %dma_start3A_187] : memref<2x10240x128xf32, #tpu.memory_space<hbm>> -> memref<1x10240x128xf32, #tpu.memory_space<hbm>>
      %dma_start3A_189 = tpu.memref_squeeze %dma_start3A_188 : memref<1x10240x128xf32, #tpu.memory_space<hbm>> -> memref<10240x128xf32, #tpu.memory_space<hbm>>
      %dma_start3A_190 = arith.constant 0 : i32
      %dma_start3A_191 = tpu.memref_slice %dma_start3A_189[%multiple_of3A_158, %dma_start3A_190] : memref<10240x128xf32, #tpu.memory_space<hbm>> -> memref<80x128xf32, #tpu.memory_space<hbm>>
      %dma_start3A_192 = arith.constant 0 : i32
      %dma_start3A_193 = arith.constant 0 : i32
      %dma_start3A_194 = tpu.memref_slice %arg5[%arg0, %dma_start3A_192, %dma_start3A_193] : memref<2x10240x128xf32, #tpu.memory_space<hbm>> -> memref<1x10240x128xf32, #tpu.memory_space<hbm>>
      %dma_start3A_195 = tpu.memref_squeeze %dma_start3A_194 : memref<1x10240x128xf32, #tpu.memory_space<hbm>> -> memref<10240x128xf32, #tpu.memory_space<hbm>>
      %dma_start3A_196 = arith.constant 0 : i32
      %dma_start3A_197 = tpu.memref_slice %dma_start3A_195[%multiple_of3A_158, %dma_start3A_196] : memref<10240x128xf32, #tpu.memory_space<hbm>> -> memref<80x128xf32, #tpu.memory_space<hbm>>
      %dma_start3A_198 = arith.constant 0 : i32
      %dma_start3A_199 = arith.constant 0 : i32
      %dma_start3A_200 = tpu.memref_slice %arg6[%run_scoped3A_160, %dma_start3A_198, %dma_start3A_199] : memref<3x80x128xf32, #tpu.memory_space<vmem>> -> memref<1x80x128xf32, #tpu.memory_space<vmem>>
      %dma_start3A_201 = tpu.memref_squeeze %dma_start3A_200 : memref<1x80x128xf32, #tpu.memory_space<vmem>> -> memref<80x128xf32, #tpu.memory_space<vmem>>
      tpu.enqueue_dma source(%dma_start3A_201 : memref<80x128xf32, #tpu.memory_space<vmem>>) target(%dma_start3A_197 : memref<80x128xf32, #tpu.memory_space<hbm>>) target_semaphore(%run_scoped3A_181 : memref<!tpu.dma_semaphore, #tpu.memory_space<semaphore_mem>>)
      %dma_wait3A_202 = arith.constant 0 : i32
      %dma_wait3A_203 = arith.constant 0 : i32
      %dma_wait3A_204 = tpu.memref_slice %arg6[%run_scoped3A_160, %dma_wait3A_202, %dma_wait3A_203] : memref<3x80x128xf32, #tpu.memory_space<vmem>> -> memref<1x80x128xf32, #tpu.memory_space<vmem>>
      %dma_wait3A_205 = tpu.memref_squeeze %dma_wait3A_204 : memref<1x80x128xf32, #tpu.memory_space<vmem>> -> memref<80x128xf32, #tpu.memory_space<vmem>>
      %dma_wait3A_206 = arith.constant 0 : i32
      %dma_wait3A_207 = arith.constant 0 : i32
      %dma_wait3A_208 = tpu.memref_slice %arg5[%arg0, %dma_wait3A_206, %dma_wait3A_207] : memref<2x10240x128xf32, #tpu.memory_space<hbm>> -> memref<1x10240x128xf32, #tpu.memory_space<hbm>>
      %dma_wait3A_209 = tpu.memref_squeeze %dma_wait3A_208 : memref<1x10240x128xf32, #tpu.memory_space<hbm>> -> memref<10240x128xf32, #tpu.memory_space<hbm>>
      %dma_wait3A_210 = arith.constant 0 : i32
      %dma_wait3A_211 = tpu.memref_slice %dma_wait3A_209[%multiple_of3A_158, %dma_wait3A_210] : memref<10240x128xf32, #tpu.memory_space<hbm>> -> memref<80x128xf32, #tpu.memory_space<hbm>>
      %dma_wait3A_212 = arith.constant 0 : i32
      %dma_wait3A_213 = arith.constant 0 : i32
      %dma_wait3A_214 = tpu.memref_slice %arg5[%arg0, %dma_wait3A_212, %dma_wait3A_213] : memref<2x10240x128xf32, #tpu.memory_space<hbm>> -> memref<1x10240x128xf32, #tpu.memory_space<hbm>>
      %dma_wait3A_215 = tpu.memref_squeeze %dma_wait3A_214 : memref<1x10240x128xf32, #tpu.memory_space<hbm>> -> memref<10240x128xf32, #tpu.memory_space<hbm>>
      %dma_wait3A_216 = arith.constant 0 : i32
      %dma_wait3A_217 = tpu.memref_slice %dma_wait3A_215[%multiple_of3A_158, %dma_wait3A_216] : memref<10240x128xf32, #tpu.memory_space<hbm>> -> memref<80x128xf32, #tpu.memory_space<hbm>>
      %dma_wait3A_218 = arith.constant 0 : i32
      %dma_wait3A_219 = arith.constant 0 : i32
      %dma_wait3A_220 = tpu.memref_slice %arg6[%run_scoped3A_160, %dma_wait3A_218, %dma_wait3A_219] : memref<3x80x128xf32, #tpu.memory_space<vmem>> -> memref<1x80x128xf32, #tpu.memory_space<vmem>>
      %dma_wait3A_221 = tpu.memref_squeeze %dma_wait3A_220 : memref<1x80x128xf32, #tpu.memory_space<vmem>> -> memref<80x128xf32, #tpu.memory_space<vmem>>
      tpu.wait_dma2 semaphore(%run_scoped3A_181 : memref<!tpu.dma_semaphore, #tpu.memory_space<semaphore_mem>>) src(%dma_wait3A_221 : memref<80x128xf32, #tpu.memory_space<vmem>>) dst(%dma_wait3A_217 : memref<80x128xf32, #tpu.memory_space<hbm>>)
      tpu.yield
    }) : () -> ()
    %add3A_161 = arith.constant 320 : i32
    %add3A_162 = arith.addi %multiple_of3A, %add3A_161 : i32
    %multiple_of3A_163 = tpu.assume_multiple %add3A_162, 8 : i32
    %run_scoped3A_164 = arith.constant 0 : i32
    "tpu.region"() ({
      %run_scoped3A_181 = tpu.sem_alloc : memref<!tpu.dma_semaphore, #tpu.memory_space<semaphore_mem>>
      %dma_start3A_182 = arith.constant 0 : i32
      %dma_start3A_183 = arith.constant 0 : i32
      %dma_start3A_184 = tpu.memref_slice %arg6[%run_scoped3A_164, %dma_start3A_182, %dma_start3A_183] : memref<3x80x128xf32, #tpu.memory_space<vmem>> -> memref<1x80x128xf32, #tpu.memory_space<vmem>>
      %dma_start3A_185 = tpu.memref_squeeze %dma_start3A_184 : memref<1x80x128xf32, #tpu.memory_space<vmem>> -> memref<80x128xf32, #tpu.memory_space<vmem>>
      %dma_start3A_186 = arith.constant 0 : i32
      %dma_start3A_187 = tpu.memref_slice %arg8[%multiple_of3A_163, %dma_start3A_186] : memref<10240x128xf32, #tpu.memory_space<vmem_shared>> -> memref<80x128xf32, #tpu.memory_space<vmem_shared>>
      %dma_start3A_188 = arith.constant 0 : i32
      %dma_start3A_189 = arith.constant 0 : i32
      %dma_start3A_190 = tpu.memref_slice %arg6[%run_scoped3A_164, %dma_start3A_188, %dma_start3A_189] : memref<3x80x128xf32, #tpu.memory_space<vmem>> -> memref<1x80x128xf32, #tpu.memory_space<vmem>>
      %dma_start3A_191 = tpu.memref_squeeze %dma_start3A_190 : memref<1x80x128xf32, #tpu.memory_space<vmem>> -> memref<80x128xf32, #tpu.memory_space<vmem>>
      %dma_start3A_192 = arith.constant 0 : i32
      %dma_start3A_193 = tpu.memref_slice %arg8[%multiple_of3A_163, %dma_start3A_192] : memref<10240x128xf32, #tpu.memory_space<vmem_shared>> -> memref<80x128xf32, #tpu.memory_space<vmem_shared>>
      tpu.enqueue_dma source(%dma_start3A_193 : memref<80x128xf32, #tpu.memory_space<vmem_shared>>) target(%dma_start3A_191 : memref<80x128xf32, #tpu.memory_space<vmem>>) target_semaphore(%run_scoped3A_181 : memref<!tpu.dma_semaphore, #tpu.memory_space<semaphore_mem>>)
      %dma_wait3A_194 = arith.constant 0 : i32
      %dma_wait3A_195 = arith.constant 0 : i32
      %dma_wait3A_196 = tpu.memref_slice %arg6[%run_scoped3A_164, %dma_wait3A_194, %dma_wait3A_195] : memref<3x80x128xf32, #tpu.memory_space<vmem>> -> memref<1x80x128xf32, #tpu.memory_space<vmem>>
      %dma_wait3A_197 = tpu.memref_squeeze %dma_wait3A_196 : memref<1x80x128xf32, #tpu.memory_space<vmem>> -> memref<80x128xf32, #tpu.memory_space<vmem>>
      %dma_wait3A_198 = arith.constant 0 : i32
      %dma_wait3A_199 = tpu.memref_slice %arg8[%multiple_of3A_163, %dma_wait3A_198] : memref<10240x128xf32, #tpu.memory_space<vmem_shared>> -> memref<80x128xf32, #tpu.memory_space<vmem_shared>>
      %dma_wait3A_200 = arith.constant 0 : i32
      %dma_wait3A_201 = arith.constant 0 : i32
      %dma_wait3A_202 = tpu.memref_slice %arg6[%run_scoped3A_164, %dma_wait3A_200, %dma_wait3A_201] : memref<3x80x128xf32, #tpu.memory_space<vmem>> -> memref<1x80x128xf32, #tpu.memory_space<vmem>>
      %dma_wait3A_203 = tpu.memref_squeeze %dma_wait3A_202 : memref<1x80x128xf32, #tpu.memory_space<vmem>> -> memref<80x128xf32, #tpu.memory_space<vmem>>
      %dma_wait3A_204 = arith.constant 0 : i32
      %dma_wait3A_205 = tpu.memref_slice %arg8[%multiple_of3A_163, %dma_wait3A_204] : memref<10240x128xf32, #tpu.memory_space<vmem_shared>> -> memref<80x128xf32, #tpu.memory_space<vmem_shared>>
      tpu.wait_dma2 semaphore(%run_scoped3A_181 : memref<!tpu.dma_semaphore, #tpu.memory_space<semaphore_mem>>) src(%dma_wait3A_205 : memref<80x128xf32, #tpu.memory_space<vmem_shared>>) dst(%dma_wait3A_203 : memref<80x128xf32, #tpu.memory_space<vmem>>)
      tpu.yield
    }) : () -> ()
    %run_scoped3A_165 = arith.constant 0 : i32
    "tpu.region"() ({
      %run_scoped3A_181 = tpu.sem_alloc : memref<!tpu.dma_semaphore, #tpu.memory_space<semaphore_mem>>
      %dma_start3A_182 = arith.constant 0 : i32
      %dma_start3A_183 = arith.constant 0 : i32
      %dma_start3A_184 = tpu.memref_slice %arg6[%run_scoped3A_165, %dma_start3A_182, %dma_start3A_183] : memref<3x80x128xf32, #tpu.memory_space<vmem>> -> memref<1x80x128xf32, #tpu.memory_space<vmem>>
      %dma_start3A_185 = tpu.memref_squeeze %dma_start3A_184 : memref<1x80x128xf32, #tpu.memory_space<vmem>> -> memref<80x128xf32, #tpu.memory_space<vmem>>
      %dma_start3A_186 = arith.constant 0 : i32
      %dma_start3A_187 = arith.constant 0 : i32
      %dma_start3A_188 = tpu.memref_slice %arg5[%arg0, %dma_start3A_186, %dma_start3A_187] : memref<2x10240x128xf32, #tpu.memory_space<hbm>> -> memref<1x10240x128xf32, #tpu.memory_space<hbm>>
      %dma_start3A_189 = tpu.memref_squeeze %dma_start3A_188 : memref<1x10240x128xf32, #tpu.memory_space<hbm>> -> memref<10240x128xf32, #tpu.memory_space<hbm>>
      %dma_start3A_190 = arith.constant 0 : i32
      %dma_start3A_191 = tpu.memref_slice %dma_start3A_189[%multiple_of3A_163, %dma_start3A_190] : memref<10240x128xf32, #tpu.memory_space<hbm>> -> memref<80x128xf32, #tpu.memory_space<hbm>>
      %dma_start3A_192 = arith.constant 0 : i32
      %dma_start3A_193 = arith.constant 0 : i32
      %dma_start3A_194 = tpu.memref_slice %arg5[%arg0, %dma_start3A_192, %dma_start3A_193] : memref<2x10240x128xf32, #tpu.memory_space<hbm>> -> memref<1x10240x128xf32, #tpu.memory_space<hbm>>
      %dma_start3A_195 = tpu.memref_squeeze %dma_start3A_194 : memref<1x10240x128xf32, #tpu.memory_space<hbm>> -> memref<10240x128xf32, #tpu.memory_space<hbm>>
      %dma_start3A_196 = arith.constant 0 : i32
      %dma_start3A_197 = tpu.memref_slice %dma_start3A_195[%multiple_of3A_163, %dma_start3A_196] : memref<10240x128xf32, #tpu.memory_space<hbm>> -> memref<80x128xf32, #tpu.memory_space<hbm>>
      %dma_start3A_198 = arith.constant 0 : i32
      %dma_start3A_199 = arith.constant 0 : i32
      %dma_start3A_200 = tpu.memref_slice %arg6[%run_scoped3A_165, %dma_start3A_198, %dma_start3A_199] : memref<3x80x128xf32, #tpu.memory_space<vmem>> -> memref<1x80x128xf32, #tpu.memory_space<vmem>>
      %dma_start3A_201 = tpu.memref_squeeze %dma_start3A_200 : memref<1x80x128xf32, #tpu.memory_space<vmem>> -> memref<80x128xf32, #tpu.memory_space<vmem>>
      tpu.enqueue_dma source(%dma_start3A_201 : memref<80x128xf32, #tpu.memory_space<vmem>>) target(%dma_start3A_197 : memref<80x128xf32, #tpu.memory_space<hbm>>) target_semaphore(%run_scoped3A_181 : memref<!tpu.dma_semaphore, #tpu.memory_space<semaphore_mem>>)
      %dma_wait3A_202 = arith.constant 0 : i32
      %dma_wait3A_203 = arith.constant 0 : i32
      %dma_wait3A_204 = tpu.memref_slice %arg6[%run_scoped3A_165, %dma_wait3A_202, %dma_wait3A_203] : memref<3x80x128xf32, #tpu.memory_space<vmem>> -> memref<1x80x128xf32, #tpu.memory_space<vmem>>
      %dma_wait3A_205 = tpu.memref_squeeze %dma_wait3A_204 : memref<1x80x128xf32, #tpu.memory_space<vmem>> -> memref<80x128xf32, #tpu.memory_space<vmem>>
      %dma_wait3A_206 = arith.constant 0 : i32
      %dma_wait3A_207 = arith.constant 0 : i32
      %dma_wait3A_208 = tpu.memref_slice %arg5[%arg0, %dma_wait3A_206, %dma_wait3A_207] : memref<2x10240x128xf32, #tpu.memory_space<hbm>> -> memref<1x10240x128xf32, #tpu.memory_space<hbm>>
      %dma_wait3A_209 = tpu.memref_squeeze %dma_wait3A_208 : memref<1x10240x128xf32, #tpu.memory_space<hbm>> -> memref<10240x128xf32, #tpu.memory_space<hbm>>
      %dma_wait3A_210 = arith.constant 0 : i32
      %dma_wait3A_211 = tpu.memref_slice %dma_wait3A_209[%multiple_of3A_163, %dma_wait3A_210] : memref<10240x128xf32, #tpu.memory_space<hbm>> -> memref<80x128xf32, #tpu.memory_space<hbm>>
      %dma_wait3A_212 = arith.constant 0 : i32
      %dma_wait3A_213 = arith.constant 0 : i32
      %dma_wait3A_214 = tpu.memref_slice %arg5[%arg0, %dma_wait3A_212, %dma_wait3A_213] : memref<2x10240x128xf32, #tpu.memory_space<hbm>> -> memref<1x10240x128xf32, #tpu.memory_space<hbm>>
      %dma_wait3A_215 = tpu.memref_squeeze %dma_wait3A_214 : memref<1x10240x128xf32, #tpu.memory_space<hbm>> -> memref<10240x128xf32, #tpu.memory_space<hbm>>
      %dma_wait3A_216 = arith.constant 0 : i32
      %dma_wait3A_217 = tpu.memref_slice %dma_wait3A_215[%multiple_of3A_163, %dma_wait3A_216] : memref<10240x128xf32, #tpu.memory_space<hbm>> -> memref<80x128xf32, #tpu.memory_space<hbm>>
      %dma_wait3A_218 = arith.constant 0 : i32
      %dma_wait3A_219 = arith.constant 0 : i32
      %dma_wait3A_220 = tpu.memref_slice %arg6[%run_scoped3A_165, %dma_wait3A_218, %dma_wait3A_219] : memref<3x80x128xf32, #tpu.memory_space<vmem>> -> memref<1x80x128xf32, #tpu.memory_space<vmem>>
      %dma_wait3A_221 = tpu.memref_squeeze %dma_wait3A_220 : memref<1x80x128xf32, #tpu.memory_space<vmem>> -> memref<80x128xf32, #tpu.memory_space<vmem>>
      tpu.wait_dma2 semaphore(%run_scoped3A_181 : memref<!tpu.dma_semaphore, #tpu.memory_space<semaphore_mem>>) src(%dma_wait3A_221 : memref<80x128xf32, #tpu.memory_space<vmem>>) dst(%dma_wait3A_217 : memref<80x128xf32, #tpu.memory_space<hbm>>)
      tpu.yield
    }) : () -> ()
    %add3A_166 = arith.constant 400 : i32
    %add3A_167 = arith.addi %multiple_of3A, %add3A_166 : i32
    %multiple_of3A_168 = tpu.assume_multiple %add3A_167, 8 : i32
    %run_scoped3A_169 = arith.constant 0 : i32
    "tpu.region"() ({
      %run_scoped3A_181 = tpu.sem_alloc : memref<!tpu.dma_semaphore, #tpu.memory_space<semaphore_mem>>
      %dma_start3A_182 = arith.constant 0 : i32
      %dma_start3A_183 = arith.constant 0 : i32
      %dma_start3A_184 = tpu.memref_slice %arg6[%run_scoped3A_169, %dma_start3A_182, %dma_start3A_183] : memref<3x80x128xf32, #tpu.memory_space<vmem>> -> memref<1x80x128xf32, #tpu.memory_space<vmem>>
      %dma_start3A_185 = tpu.memref_squeeze %dma_start3A_184 : memref<1x80x128xf32, #tpu.memory_space<vmem>> -> memref<80x128xf32, #tpu.memory_space<vmem>>
      %dma_start3A_186 = arith.constant 0 : i32
      %dma_start3A_187 = tpu.memref_slice %arg8[%multiple_of3A_168, %dma_start3A_186] : memref<10240x128xf32, #tpu.memory_space<vmem_shared>> -> memref<80x128xf32, #tpu.memory_space<vmem_shared>>
      %dma_start3A_188 = arith.constant 0 : i32
      %dma_start3A_189 = arith.constant 0 : i32
      %dma_start3A_190 = tpu.memref_slice %arg6[%run_scoped3A_169, %dma_start3A_188, %dma_start3A_189] : memref<3x80x128xf32, #tpu.memory_space<vmem>> -> memref<1x80x128xf32, #tpu.memory_space<vmem>>
      %dma_start3A_191 = tpu.memref_squeeze %dma_start3A_190 : memref<1x80x128xf32, #tpu.memory_space<vmem>> -> memref<80x128xf32, #tpu.memory_space<vmem>>
      %dma_start3A_192 = arith.constant 0 : i32
      %dma_start3A_193 = tpu.memref_slice %arg8[%multiple_of3A_168, %dma_start3A_192] : memref<10240x128xf32, #tpu.memory_space<vmem_shared>> -> memref<80x128xf32, #tpu.memory_space<vmem_shared>>
      tpu.enqueue_dma source(%dma_start3A_193 : memref<80x128xf32, #tpu.memory_space<vmem_shared>>) target(%dma_start3A_191 : memref<80x128xf32, #tpu.memory_space<vmem>>) target_semaphore(%run_scoped3A_181 : memref<!tpu.dma_semaphore, #tpu.memory_space<semaphore_mem>>)
      %dma_wait3A_194 = arith.constant 0 : i32
      %dma_wait3A_195 = arith.constant 0 : i32
      %dma_wait3A_196 = tpu.memref_slice %arg6[%run_scoped3A_169, %dma_wait3A_194, %dma_wait3A_195] : memref<3x80x128xf32, #tpu.memory_space<vmem>> -> memref<1x80x128xf32, #tpu.memory_space<vmem>>
      %dma_wait3A_197 = tpu.memref_squeeze %dma_wait3A_196 : memref<1x80x128xf32, #tpu.memory_space<vmem>> -> memref<80x128xf32, #tpu.memory_space<vmem>>
      %dma_wait3A_198 = arith.constant 0 : i32
      %dma_wait3A_199 = tpu.memref_slice %arg8[%multiple_of3A_168, %dma_wait3A_198] : memref<10240x128xf32, #tpu.memory_space<vmem_shared>> -> memref<80x128xf32, #tpu.memory_space<vmem_shared>>
      %dma_wait3A_200 = arith.constant 0 : i32
      %dma_wait3A_201 = arith.constant 0 : i32
      %dma_wait3A_202 = tpu.memref_slice %arg6[%run_scoped3A_169, %dma_wait3A_200, %dma_wait3A_201] : memref<3x80x128xf32, #tpu.memory_space<vmem>> -> memref<1x80x128xf32, #tpu.memory_space<vmem>>
      %dma_wait3A_203 = tpu.memref_squeeze %dma_wait3A_202 : memref<1x80x128xf32, #tpu.memory_space<vmem>> -> memref<80x128xf32, #tpu.memory_space<vmem>>
      %dma_wait3A_204 = arith.constant 0 : i32
      %dma_wait3A_205 = tpu.memref_slice %arg8[%multiple_of3A_168, %dma_wait3A_204] : memref<10240x128xf32, #tpu.memory_space<vmem_shared>> -> memref<80x128xf32, #tpu.memory_space<vmem_shared>>
      tpu.wait_dma2 semaphore(%run_scoped3A_181 : memref<!tpu.dma_semaphore, #tpu.memory_space<semaphore_mem>>) src(%dma_wait3A_205 : memref<80x128xf32, #tpu.memory_space<vmem_shared>>) dst(%dma_wait3A_203 : memref<80x128xf32, #tpu.memory_space<vmem>>)
      tpu.yield
    }) : () -> ()
    %run_scoped3A_170 = arith.constant 0 : i32
    "tpu.region"() ({
      %run_scoped3A_181 = tpu.sem_alloc : memref<!tpu.dma_semaphore, #tpu.memory_space<semaphore_mem>>
      %dma_start3A_182 = arith.constant 0 : i32
      %dma_start3A_183 = arith.constant 0 : i32
      %dma_start3A_184 = tpu.memref_slice %arg6[%run_scoped3A_170, %dma_start3A_182, %dma_start3A_183] : memref<3x80x128xf32, #tpu.memory_space<vmem>> -> memref<1x80x128xf32, #tpu.memory_space<vmem>>
      %dma_start3A_185 = tpu.memref_squeeze %dma_start3A_184 : memref<1x80x128xf32, #tpu.memory_space<vmem>> -> memref<80x128xf32, #tpu.memory_space<vmem>>
      %dma_start3A_186 = arith.constant 0 : i32
      %dma_start3A_187 = arith.constant 0 : i32
      %dma_start3A_188 = tpu.memref_slice %arg5[%arg0, %dma_start3A_186, %dma_start3A_187] : memref<2x10240x128xf32, #tpu.memory_space<hbm>> -> memref<1x10240x128xf32, #tpu.memory_space<hbm>>
      %dma_start3A_189 = tpu.memref_squeeze %dma_start3A_188 : memref<1x10240x128xf32, #tpu.memory_space<hbm>> -> memref<10240x128xf32, #tpu.memory_space<hbm>>
      %dma_start3A_190 = arith.constant 0 : i32
      %dma_start3A_191 = tpu.memref_slice %dma_start3A_189[%multiple_of3A_168, %dma_start3A_190] : memref<10240x128xf32, #tpu.memory_space<hbm>> -> memref<80x128xf32, #tpu.memory_space<hbm>>
      %dma_start3A_192 = arith.constant 0 : i32
      %dma_start3A_193 = arith.constant 0 : i32
      %dma_start3A_194 = tpu.memref_slice %arg5[%arg0, %dma_start3A_192, %dma_start3A_193] : memref<2x10240x128xf32, #tpu.memory_space<hbm>> -> memref<1x10240x128xf32, #tpu.memory_space<hbm>>
      %dma_start3A_195 = tpu.memref_squeeze %dma_start3A_194 : memref<1x10240x128xf32, #tpu.memory_space<hbm>> -> memref<10240x128xf32, #tpu.memory_space<hbm>>
      %dma_start3A_196 = arith.constant 0 : i32
      %dma_start3A_197 = tpu.memref_slice %dma_start3A_195[%multiple_of3A_168, %dma_start3A_196] : memref<10240x128xf32, #tpu.memory_space<hbm>> -> memref<80x128xf32, #tpu.memory_space<hbm>>
      %dma_start3A_198 = arith.constant 0 : i32
      %dma_start3A_199 = arith.constant 0 : i32
      %dma_start3A_200 = tpu.memref_slice %arg6[%run_scoped3A_170, %dma_start3A_198, %dma_start3A_199] : memref<3x80x128xf32, #tpu.memory_space<vmem>> -> memref<1x80x128xf32, #tpu.memory_space<vmem>>
      %dma_start3A_201 = tpu.memref_squeeze %dma_start3A_200 : memref<1x80x128xf32, #tpu.memory_space<vmem>> -> memref<80x128xf32, #tpu.memory_space<vmem>>
      tpu.enqueue_dma source(%dma_start3A_201 : memref<80x128xf32, #tpu.memory_space<vmem>>) target(%dma_start3A_197 : memref<80x128xf32, #tpu.memory_space<hbm>>) target_semaphore(%run_scoped3A_181 : memref<!tpu.dma_semaphore, #tpu.memory_space<semaphore_mem>>)
      %dma_wait3A_202 = arith.constant 0 : i32
      %dma_wait3A_203 = arith.constant 0 : i32
      %dma_wait3A_204 = tpu.memref_slice %arg6[%run_scoped3A_170, %dma_wait3A_202, %dma_wait3A_203] : memref<3x80x128xf32, #tpu.memory_space<vmem>> -> memref<1x80x128xf32, #tpu.memory_space<vmem>>
      %dma_wait3A_205 = tpu.memref_squeeze %dma_wait3A_204 : memref<1x80x128xf32, #tpu.memory_space<vmem>> -> memref<80x128xf32, #tpu.memory_space<vmem>>
      %dma_wait3A_206 = arith.constant 0 : i32
      %dma_wait3A_207 = arith.constant 0 : i32
      %dma_wait3A_208 = tpu.memref_slice %arg5[%arg0, %dma_wait3A_206, %dma_wait3A_207] : memref<2x10240x128xf32, #tpu.memory_space<hbm>> -> memref<1x10240x128xf32, #tpu.memory_space<hbm>>
      %dma_wait3A_209 = tpu.memref_squeeze %dma_wait3A_208 : memref<1x10240x128xf32, #tpu.memory_space<hbm>> -> memref<10240x128xf32, #tpu.memory_space<hbm>>
      %dma_wait3A_210 = arith.constant 0 : i32
      %dma_wait3A_211 = tpu.memref_slice %dma_wait3A_209[%multiple_of3A_168, %dma_wait3A_210] : memref<10240x128xf32, #tpu.memory_space<hbm>> -> memref<80x128xf32, #tpu.memory_space<hbm>>
      %dma_wait3A_212 = arith.constant 0 : i32
      %dma_wait3A_213 = arith.constant 0 : i32
      %dma_wait3A_214 = tpu.memref_slice %arg5[%arg0, %dma_wait3A_212, %dma_wait3A_213] : memref<2x10240x128xf32, #tpu.memory_space<hbm>> -> memref<1x10240x128xf32, #tpu.memory_space<hbm>>
      %dma_wait3A_215 = tpu.memref_squeeze %dma_wait3A_214 : memref<1x10240x128xf32, #tpu.memory_space<hbm>> -> memref<10240x128xf32, #tpu.memory_space<hbm>>
      %dma_wait3A_216 = arith.constant 0 : i32
      %dma_wait3A_217 = tpu.memref_slice %dma_wait3A_215[%multiple_of3A_168, %dma_wait3A_216] : memref<10240x128xf32, #tpu.memory_space<hbm>> -> memref<80x128xf32, #tpu.memory_space<hbm>>
      %dma_wait3A_218 = arith.constant 0 : i32
      %dma_wait3A_219 = arith.constant 0 : i32
      %dma_wait3A_220 = tpu.memref_slice %arg6[%run_scoped3A_170, %dma_wait3A_218, %dma_wait3A_219] : memref<3x80x128xf32, #tpu.memory_space<vmem>> -> memref<1x80x128xf32, #tpu.memory_space<vmem>>
      %dma_wait3A_221 = tpu.memref_squeeze %dma_wait3A_220 : memref<1x80x128xf32, #tpu.memory_space<vmem>> -> memref<80x128xf32, #tpu.memory_space<vmem>>
      tpu.wait_dma2 semaphore(%run_scoped3A_181 : memref<!tpu.dma_semaphore, #tpu.memory_space<semaphore_mem>>) src(%dma_wait3A_221 : memref<80x128xf32, #tpu.memory_space<vmem>>) dst(%dma_wait3A_217 : memref<80x128xf32, #tpu.memory_space<hbm>>)
      tpu.yield
    }) : () -> ()
    %add3A_171 = arith.constant 480 : i32
    %add3A_172 = arith.addi %multiple_of3A, %add3A_171 : i32
    %multiple_of3A_173 = tpu.assume_multiple %add3A_172, 8 : i32
    %run_scoped3A_174 = arith.constant 0 : i32
    "tpu.region"() ({
      %run_scoped3A_181 = tpu.sem_alloc : memref<!tpu.dma_semaphore, #tpu.memory_space<semaphore_mem>>
      %dma_start3A_182 = arith.constant 0 : i32
      %dma_start3A_183 = arith.constant 0 : i32
      %dma_start3A_184 = tpu.memref_slice %arg6[%run_scoped3A_174, %dma_start3A_182, %dma_start3A_183] : memref<3x80x128xf32, #tpu.memory_space<vmem>> -> memref<1x80x128xf32, #tpu.memory_space<vmem>>
      %dma_start3A_185 = tpu.memref_squeeze %dma_start3A_184 : memref<1x80x128xf32, #tpu.memory_space<vmem>> -> memref<80x128xf32, #tpu.memory_space<vmem>>
      %dma_start3A_186 = arith.constant 0 : i32
      %dma_start3A_187 = tpu.memref_slice %arg8[%multiple_of3A_173, %dma_start3A_186] : memref<10240x128xf32, #tpu.memory_space<vmem_shared>> -> memref<80x128xf32, #tpu.memory_space<vmem_shared>>
      %dma_start3A_188 = arith.constant 0 : i32
      %dma_start3A_189 = arith.constant 0 : i32
      %dma_start3A_190 = tpu.memref_slice %arg6[%run_scoped3A_174, %dma_start3A_188, %dma_start3A_189] : memref<3x80x128xf32, #tpu.memory_space<vmem>> -> memref<1x80x128xf32, #tpu.memory_space<vmem>>
      %dma_start3A_191 = tpu.memref_squeeze %dma_start3A_190 : memref<1x80x128xf32, #tpu.memory_space<vmem>> -> memref<80x128xf32, #tpu.memory_space<vmem>>
      %dma_start3A_192 = arith.constant 0 : i32
      %dma_start3A_193 = tpu.memref_slice %arg8[%multiple_of3A_173, %dma_start3A_192] : memref<10240x128xf32, #tpu.memory_space<vmem_shared>> -> memref<80x128xf32, #tpu.memory_space<vmem_shared>>
      tpu.enqueue_dma source(%dma_start3A_193 : memref<80x128xf32, #tpu.memory_space<vmem_shared>>) target(%dma_start3A_191 : memref<80x128xf32, #tpu.memory_space<vmem>>) target_semaphore(%run_scoped3A_181 : memref<!tpu.dma_semaphore, #tpu.memory_space<semaphore_mem>>)
      %dma_wait3A_194 = arith.constant 0 : i32
      %dma_wait3A_195 = arith.constant 0 : i32
      %dma_wait3A_196 = tpu.memref_slice %arg6[%run_scoped3A_174, %dma_wait3A_194, %dma_wait3A_195] : memref<3x80x128xf32, #tpu.memory_space<vmem>> -> memref<1x80x128xf32, #tpu.memory_space<vmem>>
      %dma_wait3A_197 = tpu.memref_squeeze %dma_wait3A_196 : memref<1x80x128xf32, #tpu.memory_space<vmem>> -> memref<80x128xf32, #tpu.memory_space<vmem>>
      %dma_wait3A_198 = arith.constant 0 : i32
      %dma_wait3A_199 = tpu.memref_slice %arg8[%multiple_of3A_173, %dma_wait3A_198] : memref<10240x128xf32, #tpu.memory_space<vmem_shared>> -> memref<80x128xf32, #tpu.memory_space<vmem_shared>>
      %dma_wait3A_200 = arith.constant 0 : i32
      %dma_wait3A_201 = arith.constant 0 : i32
      %dma_wait3A_202 = tpu.memref_slice %arg6[%run_scoped3A_174, %dma_wait3A_200, %dma_wait3A_201] : memref<3x80x128xf32, #tpu.memory_space<vmem>> -> memref<1x80x128xf32, #tpu.memory_space<vmem>>
      %dma_wait3A_203 = tpu.memref_squeeze %dma_wait3A_202 : memref<1x80x128xf32, #tpu.memory_space<vmem>> -> memref<80x128xf32, #tpu.memory_space<vmem>>
      %dma_wait3A_204 = arith.constant 0 : i32
      %dma_wait3A_205 = tpu.memref_slice %arg8[%multiple_of3A_173, %dma_wait3A_204] : memref<10240x128xf32, #tpu.memory_space<vmem_shared>> -> memref<80x128xf32, #tpu.memory_space<vmem_shared>>
      tpu.wait_dma2 semaphore(%run_scoped3A_181 : memref<!tpu.dma_semaphore, #tpu.memory_space<semaphore_mem>>) src(%dma_wait3A_205 : memref<80x128xf32, #tpu.memory_space<vmem_shared>>) dst(%dma_wait3A_203 : memref<80x128xf32, #tpu.memory_space<vmem>>)
      tpu.yield
    }) : () -> ()
    %run_scoped3A_175 = arith.constant 0 : i32
    "tpu.region"() ({
      %run_scoped3A_181 = tpu.sem_alloc : memref<!tpu.dma_semaphore, #tpu.memory_space<semaphore_mem>>
      %dma_start3A_182 = arith.constant 0 : i32
      %dma_start3A_183 = arith.constant 0 : i32
      %dma_start3A_184 = tpu.memref_slice %arg6[%run_scoped3A_175, %dma_start3A_182, %dma_start3A_183] : memref<3x80x128xf32, #tpu.memory_space<vmem>> -> memref<1x80x128xf32, #tpu.memory_space<vmem>>
      %dma_start3A_185 = tpu.memref_squeeze %dma_start3A_184 : memref<1x80x128xf32, #tpu.memory_space<vmem>> -> memref<80x128xf32, #tpu.memory_space<vmem>>
      %dma_start3A_186 = arith.constant 0 : i32
      %dma_start3A_187 = arith.constant 0 : i32
      %dma_start3A_188 = tpu.memref_slice %arg5[%arg0, %dma_start3A_186, %dma_start3A_187] : memref<2x10240x128xf32, #tpu.memory_space<hbm>> -> memref<1x10240x128xf32, #tpu.memory_space<hbm>>
      %dma_start3A_189 = tpu.memref_squeeze %dma_start3A_188 : memref<1x10240x128xf32, #tpu.memory_space<hbm>> -> memref<10240x128xf32, #tpu.memory_space<hbm>>
      %dma_start3A_190 = arith.constant 0 : i32
      %dma_start3A_191 = tpu.memref_slice %dma_start3A_189[%multiple_of3A_173, %dma_start3A_190] : memref<10240x128xf32, #tpu.memory_space<hbm>> -> memref<80x128xf32, #tpu.memory_space<hbm>>
      %dma_start3A_192 = arith.constant 0 : i32
      %dma_start3A_193 = arith.constant 0 : i32
      %dma_start3A_194 = tpu.memref_slice %arg5[%arg0, %dma_start3A_192, %dma_start3A_193] : memref<2x10240x128xf32, #tpu.memory_space<hbm>> -> memref<1x10240x128xf32, #tpu.memory_space<hbm>>
      %dma_start3A_195 = tpu.memref_squeeze %dma_start3A_194 : memref<1x10240x128xf32, #tpu.memory_space<hbm>> -> memref<10240x128xf32, #tpu.memory_space<hbm>>
      %dma_start3A_196 = arith.constant 0 : i32
      %dma_start3A_197 = tpu.memref_slice %dma_start3A_195[%multiple_of3A_173, %dma_start3A_196] : memref<10240x128xf32, #tpu.memory_space<hbm>> -> memref<80x128xf32, #tpu.memory_space<hbm>>
      %dma_start3A_198 = arith.constant 0 : i32
      %dma_start3A_199 = arith.constant 0 : i32
      %dma_start3A_200 = tpu.memref_slice %arg6[%run_scoped3A_175, %dma_start3A_198, %dma_start3A_199] : memref<3x80x128xf32, #tpu.memory_space<vmem>> -> memref<1x80x128xf32, #tpu.memory_space<vmem>>
      %dma_start3A_201 = tpu.memref_squeeze %dma_start3A_200 : memref<1x80x128xf32, #tpu.memory_space<vmem>> -> memref<80x128xf32, #tpu.memory_space<vmem>>
      tpu.enqueue_dma source(%dma_start3A_201 : memref<80x128xf32, #tpu.memory_space<vmem>>) target(%dma_start3A_197 : memref<80x128xf32, #tpu.memory_space<hbm>>) target_semaphore(%run_scoped3A_181 : memref<!tpu.dma_semaphore, #tpu.memory_space<semaphore_mem>>)
      %dma_wait3A_202 = arith.constant 0 : i32
      %dma_wait3A_203 = arith.constant 0 : i32
      %dma_wait3A_204 = tpu.memref_slice %arg6[%run_scoped3A_175, %dma_wait3A_202, %dma_wait3A_203] : memref<3x80x128xf32, #tpu.memory_space<vmem>> -> memref<1x80x128xf32, #tpu.memory_space<vmem>>
      %dma_wait3A_205 = tpu.memref_squeeze %dma_wait3A_204 : memref<1x80x128xf32, #tpu.memory_space<vmem>> -> memref<80x128xf32, #tpu.memory_space<vmem>>
      %dma_wait3A_206 = arith.constant 0 : i32
      %dma_wait3A_207 = arith.constant 0 : i32
      %dma_wait3A_208 = tpu.memref_slice %arg5[%arg0, %dma_wait3A_206, %dma_wait3A_207] : memref<2x10240x128xf32, #tpu.memory_space<hbm>> -> memref<1x10240x128xf32, #tpu.memory_space<hbm>>
      %dma_wait3A_209 = tpu.memref_squeeze %dma_wait3A_208 : memref<1x10240x128xf32, #tpu.memory_space<hbm>> -> memref<10240x128xf32, #tpu.memory_space<hbm>>
      %dma_wait3A_210 = arith.constant 0 : i32
      %dma_wait3A_211 = tpu.memref_slice %dma_wait3A_209[%multiple_of3A_173, %dma_wait3A_210] : memref<10240x128xf32, #tpu.memory_space<hbm>> -> memref<80x128xf32, #tpu.memory_space<hbm>>
      %dma_wait3A_212 = arith.constant 0 : i32
      %dma_wait3A_213 = arith.constant 0 : i32
      %dma_wait3A_214 = tpu.memref_slice %arg5[%arg0, %dma_wait3A_212, %dma_wait3A_213] : memref<2x10240x128xf32, #tpu.memory_space<hbm>> -> memref<1x10240x128xf32, #tpu.memory_space<hbm>>
      %dma_wait3A_215 = tpu.memref_squeeze %dma_wait3A_214 : memref<1x10240x128xf32, #tpu.memory_space<hbm>> -> memref<10240x128xf32, #tpu.memory_space<hbm>>
      %dma_wait3A_216 = arith.constant 0 : i32
      %dma_wait3A_217 = tpu.memref_slice %dma_wait3A_215[%multiple_of3A_173, %dma_wait3A_216] : memref<10240x128xf32, #tpu.memory_space<hbm>> -> memref<80x128xf32, #tpu.memory_space<hbm>>
      %dma_wait3A_218 = arith.constant 0 : i32
      %dma_wait3A_219 = arith.constant 0 : i32
      %dma_wait3A_220 = tpu.memref_slice %arg6[%run_scoped3A_175, %dma_wait3A_218, %dma_wait3A_219] : memref<3x80x128xf32, #tpu.memory_space<vmem>> -> memref<1x80x128xf32, #tpu.memory_space<vmem>>
      %dma_wait3A_221 = tpu.memref_squeeze %dma_wait3A_220 : memref<1x80x128xf32, #tpu.memory_space<vmem>> -> memref<80x128xf32, #tpu.memory_space<vmem>>
      tpu.wait_dma2 semaphore(%run_scoped3A_181 : memref<!tpu.dma_semaphore, #tpu.memory_space<semaphore_mem>>) src(%dma_wait3A_221 : memref<80x128xf32, #tpu.memory_space<vmem>>) dst(%dma_wait3A_217 : memref<80x128xf32, #tpu.memory_space<hbm>>)
      tpu.yield
    }) : () -> ()
    %add3A_176 = arith.constant 560 : i32
    %add3A_177 = arith.addi %multiple_of3A, %add3A_176 : i32
    %multiple_of3A_178 = tpu.assume_multiple %add3A_177, 8 : i32
    %run_scoped3A_179 = arith.constant 0 : i32
    "tpu.region"() ({
      %run_scoped3A_181 = tpu.sem_alloc : memref<!tpu.dma_semaphore, #tpu.memory_space<semaphore_mem>>
      %dma_start3A_182 = arith.constant 0 : i32
      %dma_start3A_183 = arith.constant 0 : i32
      %dma_start3A_184 = tpu.memref_slice %arg6[%run_scoped3A_179, %dma_start3A_182, %dma_start3A_183] : memref<3x80x128xf32, #tpu.memory_space<vmem>> -> memref<1x80x128xf32, #tpu.memory_space<vmem>>
      %dma_start3A_185 = tpu.memref_squeeze %dma_start3A_184 : memref<1x80x128xf32, #tpu.memory_space<vmem>> -> memref<80x128xf32, #tpu.memory_space<vmem>>
      %dma_start3A_186 = arith.constant 0 : i32
      %dma_start3A_187 = tpu.memref_slice %arg8[%multiple_of3A_178, %dma_start3A_186] : memref<10240x128xf32, #tpu.memory_space<vmem_shared>> -> memref<80x128xf32, #tpu.memory_space<vmem_shared>>
      %dma_start3A_188 = arith.constant 0 : i32
      %dma_start3A_189 = arith.constant 0 : i32
      %dma_start3A_190 = tpu.memref_slice %arg6[%run_scoped3A_179, %dma_start3A_188, %dma_start3A_189] : memref<3x80x128xf32, #tpu.memory_space<vmem>> -> memref<1x80x128xf32, #tpu.memory_space<vmem>>
      %dma_start3A_191 = tpu.memref_squeeze %dma_start3A_190 : memref<1x80x128xf32, #tpu.memory_space<vmem>> -> memref<80x128xf32, #tpu.memory_space<vmem>>
      %dma_start3A_192 = arith.constant 0 : i32
      %dma_start3A_193 = tpu.memref_slice %arg8[%multiple_of3A_178, %dma_start3A_192] : memref<10240x128xf32, #tpu.memory_space<vmem_shared>> -> memref<80x128xf32, #tpu.memory_space<vmem_shared>>
      tpu.enqueue_dma source(%dma_start3A_193 : memref<80x128xf32, #tpu.memory_space<vmem_shared>>) target(%dma_start3A_191 : memref<80x128xf32, #tpu.memory_space<vmem>>) target_semaphore(%run_scoped3A_181 : memref<!tpu.dma_semaphore, #tpu.memory_space<semaphore_mem>>)
      %dma_wait3A_194 = arith.constant 0 : i32
      %dma_wait3A_195 = arith.constant 0 : i32
      %dma_wait3A_196 = tpu.memref_slice %arg6[%run_scoped3A_179, %dma_wait3A_194, %dma_wait3A_195] : memref<3x80x128xf32, #tpu.memory_space<vmem>> -> memref<1x80x128xf32, #tpu.memory_space<vmem>>
      %dma_wait3A_197 = tpu.memref_squeeze %dma_wait3A_196 : memref<1x80x128xf32, #tpu.memory_space<vmem>> -> memref<80x128xf32, #tpu.memory_space<vmem>>
      %dma_wait3A_198 = arith.constant 0 : i32
      %dma_wait3A_199 = tpu.memref_slice %arg8[%multiple_of3A_178, %dma_wait3A_198] : memref<10240x128xf32, #tpu.memory_space<vmem_shared>> -> memref<80x128xf32, #tpu.memory_space<vmem_shared>>
      %dma_wait3A_200 = arith.constant 0 : i32
      %dma_wait3A_201 = arith.constant 0 : i32
      %dma_wait3A_202 = tpu.memref_slice %arg6[%run_scoped3A_179, %dma_wait3A_200, %dma_wait3A_201] : memref<3x80x128xf32, #tpu.memory_space<vmem>> -> memref<1x80x128xf32, #tpu.memory_space<vmem>>
      %dma_wait3A_203 = tpu.memref_squeeze %dma_wait3A_202 : memref<1x80x128xf32, #tpu.memory_space<vmem>> -> memref<80x128xf32, #tpu.memory_space<vmem>>
      %dma_wait3A_204 = arith.constant 0 : i32
      %dma_wait3A_205 = tpu.memref_slice %arg8[%multiple_of3A_178, %dma_wait3A_204] : memref<10240x128xf32, #tpu.memory_space<vmem_shared>> -> memref<80x128xf32, #tpu.memory_space<vmem_shared>>
      tpu.wait_dma2 semaphore(%run_scoped3A_181 : memref<!tpu.dma_semaphore, #tpu.memory_space<semaphore_mem>>) src(%dma_wait3A_205 : memref<80x128xf32, #tpu.memory_space<vmem_shared>>) dst(%dma_wait3A_203 : memref<80x128xf32, #tpu.memory_space<vmem>>)
      tpu.yield
    }) : () -> ()
    %run_scoped3A_180 = arith.constant 0 : i32
    "tpu.region"() ({
      %run_scoped3A_181 = tpu.sem_alloc : memref<!tpu.dma_semaphore, #tpu.memory_space<semaphore_mem>>
      %dma_start3A_182 = arith.constant 0 : i32
      %dma_start3A_183 = arith.constant 0 : i32
      %dma_start3A_184 = tpu.memref_slice %arg6[%run_scoped3A_180, %dma_start3A_182, %dma_start3A_183] : memref<3x80x128xf32, #tpu.memory_space<vmem>> -> memref<1x80x128xf32, #tpu.memory_space<vmem>>
      %dma_start3A_185 = tpu.memref_squeeze %dma_start3A_184 : memref<1x80x128xf32, #tpu.memory_space<vmem>> -> memref<80x128xf32, #tpu.memory_space<vmem>>
      %dma_start3A_186 = arith.constant 0 : i32
      %dma_start3A_187 = arith.constant 0 : i32
      %dma_start3A_188 = tpu.memref_slice %arg5[%arg0, %dma_start3A_186, %dma_start3A_187] : memref<2x10240x128xf32, #tpu.memory_space<hbm>> -> memref<1x10240x128xf32, #tpu.memory_space<hbm>>
      %dma_start3A_189 = tpu.memref_squeeze %dma_start3A_188 : memref<1x10240x128xf32, #tpu.memory_space<hbm>> -> memref<10240x128xf32, #tpu.memory_space<hbm>>
      %dma_start3A_190 = arith.constant 0 : i32
      %dma_start3A_191 = tpu.memref_slice %dma_start3A_189[%multiple_of3A_178, %dma_start3A_190] : memref<10240x128xf32, #tpu.memory_space<hbm>> -> memref<80x128xf32, #tpu.memory_space<hbm>>
      %dma_start3A_192 = arith.constant 0 : i32
      %dma_start3A_193 = arith.constant 0 : i32
      %dma_start3A_194 = tpu.memref_slice %arg5[%arg0, %dma_start3A_192, %dma_start3A_193] : memref<2x10240x128xf32, #tpu.memory_space<hbm>> -> memref<1x10240x128xf32, #tpu.memory_space<hbm>>
      %dma_start3A_195 = tpu.memref_squeeze %dma_start3A_194 : memref<1x10240x128xf32, #tpu.memory_space<hbm>> -> memref<10240x128xf32, #tpu.memory_space<hbm>>
      %dma_start3A_196 = arith.constant 0 : i32
      %dma_start3A_197 = tpu.memref_slice %dma_start3A_195[%multiple_of3A_178, %dma_start3A_196] : memref<10240x128xf32, #tpu.memory_space<hbm>> -> memref<80x128xf32, #tpu.memory_space<hbm>>
      %dma_start3A_198 = arith.constant 0 : i32
      %dma_start3A_199 = arith.constant 0 : i32
      %dma_start3A_200 = tpu.memref_slice %arg6[%run_scoped3A_180, %dma_start3A_198, %dma_start3A_199] : memref<3x80x128xf32, #tpu.memory_space<vmem>> -> memref<1x80x128xf32, #tpu.memory_space<vmem>>
      %dma_start3A_201 = tpu.memref_squeeze %dma_start3A_200 : memref<1x80x128xf32, #tpu.memory_space<vmem>> -> memref<80x128xf32, #tpu.memory_space<vmem>>
      tpu.enqueue_dma source(%dma_start3A_201 : memref<80x128xf32, #tpu.memory_space<vmem>>) target(%dma_start3A_197 : memref<80x128xf32, #tpu.memory_space<hbm>>) target_semaphore(%run_scoped3A_181 : memref<!tpu.dma_semaphore, #tpu.memory_space<semaphore_mem>>)
      %dma_wait3A_202 = arith.constant 0 : i32
      %dma_wait3A_203 = arith.constant 0 : i32
      %dma_wait3A_204 = tpu.memref_slice %arg6[%run_scoped3A_180, %dma_wait3A_202, %dma_wait3A_203] : memref<3x80x128xf32, #tpu.memory_space<vmem>> -> memref<1x80x128xf32, #tpu.memory_space<vmem>>
      %dma_wait3A_205 = tpu.memref_squeeze %dma_wait3A_204 : memref<1x80x128xf32, #tpu.memory_space<vmem>> -> memref<80x128xf32, #tpu.memory_space<vmem>>
      %dma_wait3A_206 = arith.constant 0 : i32
      %dma_wait3A_207 = arith.constant 0 : i32
      %dma_wait3A_208 = tpu.memref_slice %arg5[%arg0, %dma_wait3A_206, %dma_wait3A_207] : memref<2x10240x128xf32, #tpu.memory_space<hbm>> -> memref<1x10240x128xf32, #tpu.memory_space<hbm>>
      %dma_wait3A_209 = tpu.memref_squeeze %dma_wait3A_208 : memref<1x10240x128xf32, #tpu.memory_space<hbm>> -> memref<10240x128xf32, #tpu.memory_space<hbm>>
      %dma_wait3A_210 = arith.constant 0 : i32
      %dma_wait3A_211 = tpu.memref_slice %dma_wait3A_209[%multiple_of3A_178, %dma_wait3A_210] : memref<10240x128xf32, #tpu.memory_space<hbm>> -> memref<80x128xf32, #tpu.memory_space<hbm>>
      %dma_wait3A_212 = arith.constant 0 : i32
      %dma_wait3A_213 = arith.constant 0 : i32
      %dma_wait3A_214 = tpu.memref_slice %arg5[%arg0, %dma_wait3A_212, %dma_wait3A_213] : memref<2x10240x128xf32, #tpu.memory_space<hbm>> -> memref<1x10240x128xf32, #tpu.memory_space<hbm>>
      %dma_wait3A_215 = tpu.memref_squeeze %dma_wait3A_214 : memref<1x10240x128xf32, #tpu.memory_space<hbm>> -> memref<10240x128xf32, #tpu.memory_space<hbm>>
      %dma_wait3A_216 = arith.constant 0 : i32
      %dma_wait3A_217 = tpu.memref_slice %dma_wait3A_215[%multiple_of3A_178, %dma_wait3A_216] : memref<10240x128xf32, #tpu.memory_space<hbm>> -> memref<80x128xf32, #tpu.memory_space<hbm>>
      %dma_wait3A_218 = arith.constant 0 : i32
      %dma_wait3A_219 = arith.constant 0 : i32
      %dma_wait3A_220 = tpu.memref_slice %arg6[%run_scoped3A_180, %dma_wait3A_218, %dma_wait3A_219] : memref<3x80x128xf32, #tpu.memory_space<vmem>> -> memref<1x80x128xf32, #tpu.memory_space<vmem>>
      %dma_wait3A_221 = tpu.memref_squeeze %dma_wait3A_220 : memref<1x80x128xf32, #tpu.memory_space<vmem>> -> memref<80x128xf32, #tpu.memory_space<vmem>>
      tpu.wait_dma2 semaphore(%run_scoped3A_181 : memref<!tpu.dma_semaphore, #tpu.memory_space<semaphore_mem>>) src(%dma_wait3A_221 : memref<80x128xf32, #tpu.memory_space<vmem>>) dst(%dma_wait3A_217 : memref<80x128xf32, #tpu.memory_space<hbm>>)
      tpu.yield
    }) : () -> ()
    return
  }
}

module attributes {stable_mosaic.version = 14 : i64} {
  func.func @_combine_body(%arg0: i32, %arg1: memref<2x1024x128xf32, #tpu.memory_space<vmem>>, %arg2: memref<2x1024x128xf32, #tpu.memory_space<vmem>>, %arg3: memref<1024x128xf32, #tpu.memory_space<vmem>>) attributes {dimension_semantics = [#tpu.dimension_semantics<arbitrary>], iteration_bounds = array<i64: 10>, scalar_prefetch = 0 : i64, scratch_operands = 0 : i64, tpu.core_type = #tpu.core_type<tc>, window_params = [{transform_indices = @transform_0, window_bounds = array<i64: 2, 1024, 128>}, {transform_indices = @transform_1, window_bounds = array<i64: 2, 1024, 128>}, {transform_indices = @transform_2, window_bounds = array<i64: 1024, 128>}]} {
    %get3A = arith.constant 0 : index
    %get3A_0 = arith.constant 0 : index
    %get3A_1 = arith.constant 0 : index
    %get3A_2 = vector.load %arg1[%get3A, %get3A_0, %get3A_1] : memref<2x1024x128xf32, #tpu.memory_space<vmem>>, vector<1x1024x128xf32>
    %get3A_3 = vector.shape_cast %get3A_2 : vector<1x1024x128xf32> to vector<1024x128xf32>
    %get3A_4 = arith.constant 1 : index
    %get3A_5 = arith.constant 0 : index
    %get3A_6 = arith.constant 0 : index
    %get3A_7 = vector.load %arg1[%get3A_4, %get3A_5, %get3A_6] : memref<2x1024x128xf32, #tpu.memory_space<vmem>>, vector<1x1024x128xf32>
    %get3A_8 = vector.shape_cast %get3A_7 : vector<1x1024x128xf32> to vector<1024x128xf32>
    %add3A = arith.addf %get3A_3, %get3A_8 : vector<1024x128xf32>
    %get3A_9 = arith.constant 0 : index
    %get3A_10 = arith.constant 0 : index
    %get3A_11 = arith.constant 0 : index
    %get3A_12 = vector.load %arg2[%get3A_9, %get3A_10, %get3A_11] : memref<2x1024x128xf32, #tpu.memory_space<vmem>>, vector<1x1024x1xf32>
    %get3A_13 = vector.shape_cast %get3A_12 : vector<1x1024x1xf32> to vector<1024x1xf32>
    %get3A_14 = arith.constant 1 : index
    %get3A_15 = arith.constant 0 : index
    %get3A_16 = arith.constant 0 : index
    %get3A_17 = vector.load %arg2[%get3A_14, %get3A_15, %get3A_16] : memref<2x1024x128xf32, #tpu.memory_space<vmem>>, vector<1x1024x1xf32>
    %get3A_18 = vector.shape_cast %get3A_17 : vector<1x1024x1xf32> to vector<1024x1xf32>
    %add3A_19 = arith.addf %get3A_13, %get3A_18 : vector<1024x1xf32>
    %max3A = arith.constant 1.000000e+00 : f32
    %max3A_20 = vector.broadcast %max3A : f32 to vector<1024x1xf32>
    %max3A_21 = arith.maximumf %add3A_19, %max3A_20 : vector<1024x1xf32>
    %div3A = vector.broadcast %max3A_21 : vector<1024x1xf32> to vector<1024x128xf32>
    %div3A_22 = arith.divf %add3A, %div3A : vector<1024x128xf32>
    %swap3A = arith.constant 0 : index
    %swap3A_23 = arith.constant 0 : index
    %swap3A_24 = vector.load %arg3[%swap3A, %swap3A_23] : memref<1024x128xf32, #tpu.memory_space<vmem>>, vector<1024x128xf32>
    tpu.vector_store %arg3[%swap3A, %swap3A_23], %div3A_22 {strides = array<i32>} : memref<1024x128xf32, #tpu.memory_space<vmem>>, vector<1024x128xf32>,
    return
  }
  func.func @transform_0(%arg0: i32) -> (i32, i32, i32) {
    %c0_i32 = arith.constant 0 : i32
    %c0_i32_0 = arith.constant 0 : i32
    %c0_i32_1 = arith.constant 0 : i32
    return %c0_i32, %arg0, %c0_i32_0 : i32, i32, i32
  }
  func.func @transform_1(%arg0: i32) -> (i32, i32, i32) {
    %c0_i32 = arith.constant 0 : i32
    %c0_i32_0 = arith.constant 0 : i32
    %c0_i32_1 = arith.constant 0 : i32
    return %c0_i32, %arg0, %c0_i32_0 : i32, i32, i32
  }
  func.func @transform_2(%arg0: i32) -> (i32, i32) {
    %c0_i32 = arith.constant 0 : i32
    %c0_i32_0 = arith.constant 0 : i32
    return %arg0, %c0_i32 : i32, i32
  }
}

</mosaic_0001>

<sc_bundles>
// kernel: kernel.5.cloned.1.call-start
scs
__scs_entry_jumppad:
0x0: {  	(pc) =	sbr.rel $0x88, $3  }
0x1: {  	(tag) =	ssettag $0x0;
	lr =	simm.s32 $0x1  }
0x2: {  	[smem:$0x3F9F] =	sst lr;
	_ =	strace $0xD0000000  }
0x3: {  	_ = 	snop  }
0x4: {  	_ = 	snop  }
0x5: {  	_ = 	snop  }
0x6: {  	_ = 	snop  }
0x7: {  	_ = 	snop  }
__scs_overlays_trampoline_lowered:
0x8: {  	[smem:$0x3FAE] =	sst s0  }
0x9: {  	[smem:$0x3FAF] =	sst s1  }
0xa: {  	[smem:$0x3FB0] =	sst s2  }
0xb: {  	[smem:$0x3FB1] =	sst s3  }
0xc: {  	[smem:$0x3FB2] =	sst s4  }
0xd: {  	[smem:$0x3FB3] =	sst s5  }
0xe: {  	[smem:$0x3FB4] =	sst s6  }
0xf: {  	[smem:$0x3FB5] =	sst s7  }
0x10: {  	[smem:$0x3FB6] =	sst s8  }
0x11: {  	[smem:$0x3FB7] =	sst s9;
	s0 =	simm.s32 @!p0 $0x0  }
0x12: {  	s1 =	sld [smem:$0x3F9D];
	s0 =	simm.s32 @p0 $0x1  }
0x13: {  	[smem:$0x3FB8] =	sst s0;
	s0 =	simm.s32 @!p1 $0x0  }
0x14: {  	s2 =	sld [smem:$0x3F9C];
	s0 =	simm.s32 @p1 $0x1  }
0x15: {  	[smem:$0x3FB9] =	sst s0;
	s0 =	simm.s32 @!p2 $0x0  }
0x16: {  	s3 =	sld [smem:$0x3FDB];
	s0 =	simm.s32 @p2 $0x1  }
0x17: {  	s4 =	simm.s32 $0x1BF5;
	[smem:$0x3FBB] =	sst s0  }
0x18: {  	s0 =	sld [smem:$0x3F9E];
	_ =	swait.ge [sflag:s4], $0x0  }
0x19: {  	s7 =	sld [smem:$0x3F9F]  }
0x1a: {  	s8 =	sadd.s32 $0xFFFFE003, lr  }
0x1b: {  	s9 =	sadd.s32 $0xFFFFFEF7, lr;
	s5 =	simm.s32 $0xFFFFFFFF;
	p2 =	slt.u32 s8, $0xFFFFF086  }
0x1c: {  	p1 =	slt.u32 s9, $0xF7A;
	s5 =	simm.s32 @!p2 $0x0  }
0x1d: {  	s5 =	simm.s32 @p1 $0x1;
	p0 =	seq.s32 s7, s2  }
0x1e: {  	s7 =	smul.u32 @!p0 $0xF7A, s2;
	p2 =	seq.s32 @!p0 s5, $0x0  }
0x1f: {  	s9 =	smul.u32 $0xF7A, s1;
	s8 =	simm.s32 @!p0 $0x1BF5;
	p2 =	por !p2, p0  }
0x20: {  	[sflag:s8] =	ssyncset.s32 @!p0 $0xFFFFF086;
	s6 =	sadd.s32 @!p0 s3, s7;
	s7 =	simm.s32 @!p0 $0x108  }
0x21: {  	s3 =	sadd.s32 s3, s9;
	s6 =	sadd.s32 @!p0 $0x88, s6;
	s7 =	simm.s32 @p2 $0x1082  }
0x22: {  	[simem:s7], [sflag:s8] =	dma.local @!p0 [hbm:s6], $0xF7A  }
0x23: {  	s9 =	sor.u32 $0xD0000000, s2;
	s6 =	simm.s32 $0x108;
	_ =	swait.ge @!p0 [sflag:s8], $0x0  }
0x24: {  	s3 =	sadd.s32 $0x88, s3;
	s6 =	simm.s32 @!p1 $0x1082;
	[sflag:s4] =	ssyncset.s32 $0xFFFFF086  }
0x25: {  	[simem:s6], [sflag:s4] =	dma.local [hbm:s3], $0xF7A  }
0x26: {  	[smem:$0x3F9F] =	sst s1;
	(tag) =	ssettag s2;
	_ =	strace s9  }
0x27: {  	s1 =	sld [smem:$0x3FAF]  }
0x28: {  	s2 =	sld [smem:$0x3FB0]  }
0x29: {  	s4 =	sld [smem:$0x3FB2]  }
0x2a: {  	p0 =	seq.s32 s5, $0x0;
	s5 =	sld [smem:$0x3FB3]  }
0x2b: {  	s6 =	sld [smem:$0x3FB4]  }
0x2c: {  	s7 =	sld [smem:$0x3FB5]  }
0x2d: {  	s3 =	simm.s32 $0x108;
	s8 =	sld [smem:$0x3FB6]  }
0x2e: {  	s3 =	simm.s32 @!p0 $0x1082;
	s9 =	sld [smem:$0x3FB7]  }
0x2f: {  	lr =	sadd.s32 s0, s3;
	s0 =	sld [smem:$0x3FAE]  }
0x30: {  	s3 =	sld [smem:$0x3FB1]  }
0x31: {  	[smem:$0x3FBA] =	sst s10  }
0x32: {  	s10 =	sld [smem:$0x3FB8];
	_ =	sdelay $0x3  }
0x33: {  	p0 =	seq.s32 s10, $0x1;
	s10 =	sld [smem:$0x3FBA];
	_ =	sdelay $0x3  }
0x34: {  	[smem:$0x3FBA] =	sst s10  }
0x35: {  	s10 =	sld [smem:$0x3FB9];
	_ =	sdelay $0x3  }
0x36: {  	p1 =	seq.s32 s10, $0x1;
	s10 =	sld [smem:$0x3FBA];
	_ =	sdelay $0x3  }
0x37: {  	[smem:$0x3FBA] =	sst s10  }
0x38: {  	s10 =	sld [smem:$0x3FBB]  }
0x39: {  	_ = 	snop;
	(pc) =	sbr.ind lr, $3  }
0x3a: {  	_ = 	snop  }
0x3b: {  	_ = 	snop  }
0x3c: {  	p2 =	seq.s32 s10, $0x1;
	s10 =	sld [smem:$0x3FBA]  }
0x3d: {  	_ =	shalt  }
0x3e: {  	_ =	shalt  }
0x3f: {  	_ =	shalt  }
0x40: {  	_ =	shalt  }
0x41: {  	_ =	shalt  }
0x42: {  	_ =	shalt  }
0x43: {  	_ =	shalt  }
0x44: {  	_ =	shalt  }
0x45: {  	_ =	shalt  }
0x46: {  	_ =	shalt  }
0x47: {  	_ =	shalt  }
0x48: {  	_ =	shalt  }
0x49: {  	_ =	shalt  }
0x4a: {  	_ =	shalt  }
0x4b: {  	_ =	shalt  }
0x4c: {  	_ =	shalt  }
0x4d: {  	_ =	shalt  }
0x4e: {  	_ =	shalt  }
0x4f: {  	_ =	shalt  }
0x50: {  	_ =	shalt  }
0x51: {  	_ =	shalt  }
0x52: {  	_ =	shalt  }
0x53: {  	_ =	shalt  }
0x54: {  	_ =	shalt  }
0x55: {  	_ =	shalt  }
0x56: {  	_ =	shalt  }
0x57: {  	_ =	shalt  }
0x58: {  	_ =	shalt  }
0x59: {  	_ =	shalt  }
0x5a: {  	_ =	shalt  }
0x5b: {  	_ =	shalt  }
0x5c: {  	_ =	shalt  }
0x5d: {  	_ =	shalt  }
0x5e: {  	_ =	shalt  }
0x5f: {  	_ =	shalt  }
0x60: {  	_ =	shalt  }
0x61: {  	_ =	shalt  }
0x62: {  	_ =	shalt  }
0x63: {  	_ =	shalt  }
0x64: {  	_ =	shalt  }
0x65: {  	_ =	shalt  }
0x66: {  	_ =	shalt  }
0x67: {  	_ =	shalt  }
0x68: {  	_ =	shalt  }
0x69: {  	_ =	shalt  }
0x6a: {  	_ =	shalt  }
0x6b: {  	_ =	shalt  }
0x6c: {  	_ =	shalt  }
0x6d: {  	_ =	shalt  }
0x6e: {  	_ =	shalt  }
0x6f: {  	_ =	shalt  }
0x70: {  	_ =	shalt  }
0x71: {  	_ =	shalt  }
0x72: {  	_ =	shalt  }
0x73: {  	_ =	shalt  }
0x74: {  	_ =	shalt  }
0x75: {  	_ =	shalt  }
0x76: {  	_ =	shalt  }
0x77: {  	_ =	shalt  }
0x78: {  	_ =	shalt  }
0x79: {  	_ =	shalt  }
0x7a: {  	_ =	shalt  }
0x7b: {  	_ =	shalt  }
0x7c: {  	_ =	shalt  }
0x7d: {  	_ =	shalt  }
0x7e: {  	_ =	shalt  }
0x7f: {  	_ =	shalt  }
0x80: {  	_ =	shalt  }
0x81: {  	_ =	shalt  }
0x82: {  	_ =	shalt  }
0x83: {  	_ =	shalt  }
0x84: {  	_ =	shalt  }
0x85: {  	_ =	shalt  }
0x86: {  	_ =	shalt  }
0x87: {  	_ =	shalt  }
.Lfunc_end0:
.L_simem_size_0:
called_computation_lowered:
.L_overlay_start_0:
0x88: {  	s2 =	sld [smem:$0x3FD9]  }
0x89: {  	s3 =	sld [smem:$0x3FFE];
	_ =	sdelay $0x1  }
0x8a: {  	s1 =	srdreg.scid  }
0x8b: {  	s0 =	sand.u32 $0x1, s1  }
0x8c: {  	s17 =	sshll.u32 s0, $0xA;
	s2 =	sadd.s32 s3, s2  }
0x8d: {  	s2 =	sadd.s32 s2, s17  }
0x8e: {  	[smem:$0x3FC6] =	sst s2  }
0x8f: {  	_ = 	snop  }
0x90: {  	s18 =	sld [smem:$0x3FC9]  }
0x91: {  	s4 =	sld [smem:$0x3FD0];
	(tm) =	ssettm $0x1  }
0x92: {  	s19 =	sld [smem:$0x3FFB];
	_ =	sdelay $0x3  }
0x93: {  	_ =	strace s19  }
0x94: {  	s2 =	sld [smem:$0x3FFC];
	_ =	sdelay $0x3  }
0x95: {  	_ =	strace s2  }
0x96: {  	s2 =	sld [smem:$0x3FFD];
	_ =	sdelay $0x3  }
0x97: {  	_ =	strace s2  }
0x98: {  	_ =	strace $0x8FFFFFFF  }
0x99: {  	s20 =	sld [smem:$0x3FDB];
	_ =	sdelay $0x1  }
0x9a: {  	s5 =	simm.s32 $_scs_section_size  }
0x9b: {  	s6 =	simm.s32 $_size__tile_overlayer_lowered;
	s7 =	simm.s32 $_tile_overlayer_lowered  }
0x9c: {  	s8 =	simm.s32 $0x1BFF;
	s21 =	sshll.u32 s7, $0x1;
	s5 =	sadd.s32 s5, s20  }
0x9d: {  	s22 =	simm.s32 $0x0;
	s6 =	sshll.u32 s6, $0x1;
	s7 =	sadd.s32 s21, s5  }
0x9e: {  	[timem:s22], [sflag:s8] =	dma.local [hbm:s7], s6  }
0x9f: {  	_ =	swait.ge [sflag:s8], s6  }
0xa0: {  	s6 =	ssub.s32 $0x0, s6;
	[sflag:s8] =	ssyncset.done $0x0  }
0xa1: {  	[sflag:s8] =	ssyncadd.s32 s6;
	_ =	sdelay $0x1  }
0xa2: {  	s23 =	simm.s32 $0x1B8B  }
0xa3: {  	_ =	swait.ge [sflag:s23], $0x1  }
0xa4: {  	[sflag:s23] =	ssyncset.done $0x0  }
0xa5: {  	[sflag:s23] =	ssyncadd.s32 $0xFFFFFFFF  }
0xa6: {  	s6 =	sld [smem:$0x0]  }
0xa7: {  	s7 =	sand.u32 $0xFFFFFFFE, s1  }
0xa8: {  	p0 =	sne.s32 s1, s7  }
0xa9: {  	s7 =	sshll.u32 @p0 s7, $0xE  }
0xaa: {  	s7 =	sadd.s32 @p0 $0x11B8D, s7;
	s8 =	sshll.u32 @p0 s6, $0x11  }
0xab: {  	s7 =	sor.u32 @p0 s8, s7  }
0xac: {  	[sflag:s7] =	ssyncadd.remote.s32 @p0 $0x1;
	_ =	sdelay $0x1  }
0xad: {  	s7 =	simm.s32 @p0 $0x1B8D  }
0xae: {  	_ =	swait.eq @p0 [sflag:s7], $0x1  }
0xaf: {  	[sflag:s7] =	ssyncadd.s32 @p0 $0xFFFFFFFF  }
0xb0: {  	s8 =	sshll.u32 @!p0 s1, $0xE  }
0xb1: {  	s8 =	sor.u32 @!p0 $0x4000, s8;
	s7 =	simm.s32 @!p0 $0x1B8D  }
0xb2: {  	s6 =	sshll.u32 @!p0 s6, $0x11;
	s8 =	sadd.s32 @!p0 $0x11B8D, s8;
	_ =	swait.eq @!p0 [sflag:s7], $0x1  }
0xb3: {  	s6 =	sor.u32 @!p0 s6, s8;
	[sflag:s7] =	ssyncadd.s32 @!p0 $0xFFFFFFFF  }
0xb4: {  	s25 =	simm.s32 $0x1B8E;
	s24 =	sld [smem:$0x3FFE];
	[sflag:s6] =	ssyncadd.remote.s32 @!p0 $0x1  }
0xb5: {  	s26 =	simm.s32 $execute0_lowered;
	[smem:$0x3FD2] =	sst s25  }
0xb6: {  	s7 =	sshll.u32 s26, $0x1;
	_ =	strace $0x80000049;
	[dreg:$0x1] =	wrdreg $0xFFFFFFFF  }
0xb7: {  	s28 =	simm.s32 $_size_execute0_lowered;
	s5 =	sadd.s32 s5, s7;
	[dreg:$0x0] =	wrdreg $0x0  }
0xb8: {  	s7 =	sshll.u32 s28, $0x1;
	[dreg:$0x2] =	wrdreg s5  }
0xb9: {  	[dreg:$0x3] =	wrdreg s7  }
0xba: {  	[dreg:$0x4] =	wrdreg $0xC0  }
0xbb: {  	_ =	task [dreg:s22], $0x5FFFF  }
0xbc: {  	[dreg:$0x1] =	wrdreg $0xFFFFFFFF  }
0xbd: {  	[dreg:$0x0] =	wrdreg $0x60  }
0xbe: {  	[dreg:$0x2] =	wrdreg s18  }
0xbf: {  	[dreg:$0x3] =	wrdreg s4  }
0xc0: {  	[dreg:$0x4] =	wrdreg s24  }
0xc1: {  	[dreg:$0x5] =	wrdreg $0xB8000  }
0xc2: {  	[dreg:$0x6] =	wrdreg $0x9  }
0xc3: {  	_ =	task.clear_ibuf [dreg:s22], $0x7FFFF;
	_ =	strace $0x90000049  }
0xc4: {  	s29 =	simm.s32 $0x9;
	_ =	strace $0x8000004B  }
0xc5: {  	_ =	swait.ge [sflag:s29], $0x1  }
0xc6: {  	[sflag:s29] =	ssyncadd.s32 $0xFFFFFFFF  }
0xc7: {  	_ =	strace $0x9000004B  }
0xc8: {  	_ =	sfence  }
0xc9: {  	s30 =	sld [smem:$0x0];
	_ =	sdelay $0x2  }
0xca: {  	s31 =	sshll.u32 s1, $0xD;
	s1 =	sshrl.u32 s1, $0x2  }
0xcb: {  	s4 =	sand.u32 $0x4000, s31;
	s1 =	sadd.s32 s1, s30  }
0xcc: {  	s0 =	sor.u32 s4, s0;
	s1 =	sshll.u32 s1, $0x11  }
0xcd: {  	s0 =	sor.u32 s1, s0  }
0xce: {  	s0 =	sadd.s32 $0x8F2B, s0  }
0xcf: {  	[sflag:s0] =	ssyncadd.remote.s32 $0x1  }
0xd0: {  	_ =	sfence.sel $0xFFFF  }
0xd1: {  	[dreg:$0x0] =	wrdreg $0xFFFFFFFF;
	(pc) =	sbr.abs _section_cstart, $3  }
0xd2: {  	[dreg:$0x1] =	wrdreg $0xFFFFFFFF  }
0xd3: {  	_ =	task.clear_ibuf [dreg:s22], $0x2FFFF;
	_ =	strace $0x9FFFFFFF  }
0xd4: {  	(tm) =	ssettm $0x7FFFFFFF  }
0xd5: {  	_ =	shalt  }
tec
execute0_lowered:
.L_overlay_start_1:
0x0: {  	(tag) =	ssettag $0x1  }
0x1: {  	s0 =	rddreg [dreg:$0x0]  }
0x2: {  	s3 =	rddreg [dreg:$0x1]  }
0x3: {  	s4 =	rddreg [dreg:$0x2]  }
0x4: {  	s1 =	rddreg [dreg:$0x3]  }
0x5: {  	s5 =	srdreg.scid;
	s2 =	simm.s32 $0x0;
	s23 =	stileid.u32  }
0x6: {  	s31 =	simm.s32 $0x4;
	s30 =	simm.s32 $0x1;
	s13 =	smul.u32 $0x280, s23  }
0x7: {  	s5 =	sand.u32 $0x1, s5;
	[smem:$0x7FF] =	sst s2;
	s21 =	smul.u32 $0x50000, s23  }
0x8: {  	s7 =	sadd.s32 $0xA00, s4;
	s6 =	smul.u32 $0x28000, s5;
	_ =	strace $0x8000004A  }
0x9: {  	[dreg:$0x5] =	wrdreg s7;
	s19 =	ssub.s32 $0x2, s5;
	s20 =	sshll.u32 s5, $0x4  }
0xa: {  	s5 =	smul.u32 $0x271000, s5;
	s8 =	sshrl.u32 s19, $0x1;
	s11 =	sor.u32 s23, s20  }
0xb: {  	s16 =	sor.u32 $0x50, s13;
	s24 =	sshrl.u32 s21, $0x2;
	s26 =	sadd.s32 $0xA0, s13  }
0xc: {  	s17 =	sadd.s32 $0xF0, s13;
	s18 =	sadd.s32 $0x140, s13;
	s20 =	sadd.s32 $0x1E0, s13  }
0xd: {  	s4 =	sadd.s32 s6, s4;
	s15 =	ssub.s32 s19, s8;
	s22 =	sshll.u32 s11, $0xB  }
0xe: {  	s25 =	sshll.u32 s16, $0x7;
	s6 =	sadd.s32 s24, s1;
	s21 =	sshll.u32 s26, $0x7  }
0xf: {  	s9 =	sshll.u32 s17, $0x7;
	s10 =	sshll.u32 s18, $0x7;
	s19 =	sadd.s32 $0x190, s13  }
0x10: {  	s14 =	smul.u32 $0x27100, s11;
	s16 =	sshll.u32 s16, $0x4;
	s17 =	sshll.u32 s17, $0x4  }
0x11: {  	s18 =	sshll.u32 s18, $0x4;
	s3 =	sadd.s32 s3, s22;
	s7 =	sadd.s32 s25, s1  }
0x12: {  	s8 =	sadd.s32 s21, s1;
	s9 =	sadd.s32 s9, s1;
	s10 =	sadd.s32 s10, s1  }
0x13: {  	s12 =	sshll.u32 s19, $0x7;
	s22 =	sshll.u32 s20, $0x7;
	s21 =	sadd.s32 $0x230, s13  }
0x14: {  	s4 =	sadd.s32 $0x51600, s4;
	s25 =	smul.u32 $0x2800, s23;
	s19 =	sshll.u32 s19, $0x4  }
0x15: {  	[dreg:$0x6] =	wrdreg s3;
	s11 =	sadd.s32 s12, s1;
	s12 =	sadd.s32 s22, s1  }
0x16: {  	s22 =	smul.u32 $0x27100, s23;
	s13 =	sadd.s32 s0, s14;
	s24 =	sshll.u32 s21, $0x7  }
0x17: {  	s3 =	sshll.u32 s26, $0x4;
	s26 =	sshll.u32 s20, $0x4;
	s20 =	sadd.s32 s16, s4  }
0x18: {  	s23 =	sshll.u32 s21, $0x4;
	s21 =	sadd.s32 s17, s4;
	[dreg:$0x8] =	wrdreg s20  }
0x19: {  	s0 =	sadd.s32 s5, s0;
	s5 =	sadd.s32 s25, s4;
	[dreg:$0xa] =	wrdreg s21  }
0x1a: {  	s16 =	simm.s32 $0x0;
	s3 =	sadd.s32 s3, s4;
	[dreg:$0x7] =	wrdreg s5  }
0x1b: {  	s14 =	sadd.s32 s24, s1;
	s24 =	sadd.s32 s18, s4;
	[dreg:$0x9] =	wrdreg s3  }
0x1c: {  	s25 =	sadd.s32 s19, s4;
	s26 =	sadd.s32 s26, s4;
	[dreg:$0xb] =	wrdreg s24  }
0x1d: {  	s28 =	sadd.s32 $0x26700, s13;
	s29 =	sadd.s32 $0x26C00, s13;
	[dreg:$0xc] =	wrdreg s25  }
0x1e: {  	s0 =	sadd.s32 s22, s0;
	[dreg:$0xd] =	wrdreg s26;
	s22 =	sadd.s32 s23, s4  }
0x1f: {  	s23 =	sadd.s32 $0x500, s13;
	s24 =	smax.u32 s15, $0x1;
	s26 =	sadd.s32 $0xA00, s13  }
0x20: {  	s3 =	simm.s32 $0x5000;
	s4 =	simm.s32 $0x50;
	s5 =	simm.s32 $0x2  }
0x21: {  	s15 =	simm.s32 $0x3;
	s19 =	sadd.s32 $0x1900, s0;
	s0 =	simm.s32 $0x2800  }
.LBB2_1:
0x22: {  	s17 =	rddreg [dreg:$0x6];
	s18 =	simm.s32 $0x7800  }
0x23: {  	[tilespmem:s18], [sflag:$0x4] =	stream.linear.gather [hbm4b:s17+s2], $0x3E80, $0x38;
	[tilespmem:$0x1F800] =	vst v63  }
0x24: {  	_ =	swait.ge [sflag:s31], $0x3E80  }
0x25: {  	[sflag:s31] =	ssyncset.done $0x0  }
0x26: {  	s21 =	rddreg [dreg:$0x5];
	[sflag:s31] =	ssyncadd.s32 $0xFFFFC180  }
0x27: {  	[tilespmem:s2], [sflag:$0x4] =	stream.linear.gather [hbm4b:s21+s2], $0x2800, $0x38;
	[tilespmem:$0x1F800] =	vst v63  }
0x28: {  	_ =	swait.ge [sflag:s31], $0x2800  }
0x29: {  	[sflag:s31] =	ssyncset.done $0x0  }
0x2a: {  	[sflag:s31] =	ssyncadd.s32 $0xFFFFD800  }
0x2b: {  	[spmem:s6] =	stream.linear.scatter [tilespmem:s2], [sflag:$0x4], $0x2800, $0x38;
	[tilespmem:$0x1F800] =	vst v63  }
0x2c: {  	_ =	swait.ge [sflag:s31], $0x2800  }
0x2d: {  	[sflag:s31] =	ssyncset.done $0x0  }
0x2e: {  	[sflag:s31] =	ssyncadd.s32 $0xFFFFD800  }
0x2f: {  	[spmem:s7] =	stream.linear.scatter [tilespmem:s2], [sflag:$0x4], $0x2800, $0x38;
	[tilespmem:$0x1F800] =	vst v63  }
0x30: {  	_ =	swait.ge [sflag:s31], $0x2800  }
0x31: {  	[sflag:s31] =	ssyncset.done $0x0  }
0x32: {  	[sflag:s31] =	ssyncadd.s32 $0xFFFFD800  }
0x33: {  	[spmem:s8] =	stream.linear.scatter [tilespmem:s2], [sflag:$0x4], $0x2800, $0x38;
	[tilespmem:$0x1F800] =	vst v63  }
0x34: {  	_ =	swait.ge [sflag:s31], $0x2800  }
0x35: {  	[sflag:s31] =	ssyncset.done $0x0  }
0x36: {  	[sflag:s31] =	ssyncadd.s32 $0xFFFFD800  }
0x37: {  	[spmem:s9] =	stream.linear.scatter [tilespmem:s2], [sflag:$0x4], $0x2800, $0x38;
	[tilespmem:$0x1F800] =	vst v63  }
0x38: {  	_ =	swait.ge [sflag:s31], $0x2800  }
0x39: {  	[sflag:s31] =	ssyncset.done $0x0  }
0x3a: {  	[sflag:s31] =	ssyncadd.s32 $0xFFFFD800  }
0x3b: {  	[spmem:s10] =	stream.linear.scatter [tilespmem:s2], [sflag:$0x4], $0x2800, $0x38;
	[tilespmem:$0x1F800] =	vst v63  }
0x3c: {  	_ =	swait.ge [sflag:s31], $0x2800  }
0x3d: {  	[sflag:s31] =	ssyncset.done $0x0  }
0x3e: {  	[sflag:s31] =	ssyncadd.s32 $0xFFFFD800  }
0x3f: {  	[spmem:s11] =	stream.linear.scatter [tilespmem:s2], [sflag:$0x4], $0x2800, $0x38;
	[tilespmem:$0x1F800] =	vst v63  }
0x40: {  	_ =	swait.ge [sflag:s31], $0x2800  }
0x41: {  	[sflag:s31] =	ssyncset.done $0x0  }
0x42: {  	[sflag:s31] =	ssyncadd.s32 $0xFFFFD800  }
0x43: {  	[spmem:s12] =	stream.linear.scatter [tilespmem:s2], [sflag:$0x4], $0x2800, $0x38;
	[tilespmem:$0x1F800] =	vst v63  }
0x44: {  	_ =	swait.ge [sflag:s31], $0x2800  }
0x45: {  	[sflag:s31] =	ssyncset.done $0x0  }
0x46: {  	[sflag:s31] =	ssyncadd.s32 $0xFFFFD800  }
0x47: {  	[spmem:s14] =	stream.linear.scatter [tilespmem:s2], [sflag:$0x4], $0x2800, $0x38;
	[tilespmem:$0x1F800] =	vst v63  }
0x48: {  	_ =	swait.ge [sflag:s31], $0x2800  }
0x49: {  	[sflag:s31] =	ssyncset.done $0x0  }
0x4a: {  	[sflag:s31] =	ssyncadd.s32 $0xFFFFD800  }
0x4b: {  	[bflag:$0x0] =	sbarrier.arrive $0xFFFF  }
0x4c: {  	[tilespmem:s2], [sflag:$0x1] =	stream.linear.gather [hbm4b:s13+s2], $0x2800, $0x38;
	[tilespmem:$0x1F800] =	vst v63  }
0x4d: {  	_ = 	snop  }
0x4e: {  	[tilespmem:s0], [sflag:$0x2] =	stream.linear.gather [hbm4b:s23+s2], $0x2800, $0x38;
	[tilespmem:$0x1F800] =	vst v63  }
0x4f: {  	_ = 	snop  }
0x50: {  	[tilespmem:s3], [sflag:$0x3] =	stream.linear.gather [hbm4b:s26+s2], $0x2800, $0x38;
	[tilespmem:$0x1F800] =	vst v63  }
0x51: {  	_ =	swait.ge [sflag:s30], $0x2800  }
0x52: {  	[sflag:s30] =	ssyncset.done $0x0  }
0x53: {  	s25 =	simm.s32 $0x7800;
	[sflag:s30] =	ssyncadd.s32 $0xFFFFD800  }
0x54: {  	[spmem:s1] =	stream.indirect.scatter.add.f32 [tilespmem:s2], [sflag:$0x4], $0x80, s25, s4, $0xb8;
	[tilespmem:$0x1F800] =	vst v63  }
0x55: {  	_ =	swait.ge [sflag:s31], $0x2800  }
0x56: {  	[sflag:s31] =	ssyncset.done $0x0  }
0x57: {  	s18 =	sadd.s32 $0xFFFFF600, s19;
	[sflag:s31] =	ssyncadd.s32 $0xFFFFD800  }
0x58: {  	[tilespmem:s2], [sflag:$0x1] =	stream.linear.gather [hbm4b:s18+s2], $0x2800, $0x38;
	[tilespmem:$0x1F800] =	vst v63  }
0x59: {  	_ =	swait.ge [sflag:s5], $0x2800  }
0x5a: {  	[sflag:s5] =	ssyncset.done $0x0  }
0x5b: {  	s20 =	simm.s32 $0x7880;
	[sflag:s5] =	ssyncadd.s32 $0xFFFFD800  }
0x5c: {  	[spmem:s1] =	stream.indirect.scatter.add.f32 [tilespmem:s0], [sflag:$0x4], $0x80, s20, s4, $0xb8;
	[tilespmem:$0x1F800] =	vst v63  }
0x5d: {  	_ =	swait.ge [sflag:s31], $0x2800  }
0x5e: {  	[sflag:s31] =	ssyncset.done $0x0  }
0x5f: {  	s21 =	sadd.s32 $0xFFFFFB00, s19;
	[sflag:s31] =	ssyncadd.s32 $0xFFFFD800  }
0x60: {  	[tilespmem:s0], [sflag:$0x2] =	stream.linear.gather [hbm4b:s21+s2], $0x2800, $0x38;
	[tilespmem:$0x1F800] =	vst v63  }
0x61: {  	_ =	swait.ge [sflag:s15], $0x2800  }
0x62: {  	[sflag:s15] =	ssyncset.done $0x0  }
0x63: {  	s25 =	simm.s32 $0x7900;
	[sflag:s15] =	ssyncadd.s32 $0xFFFFD800  }
0x64: {  	[spmem:s1] =	stream.indirect.scatter.add.f32 [tilespmem:s3], [sflag:$0x4], $0x80, s25, s4, $0xb8;
	[tilespmem:$0x1F800] =	vst v63  }
0x65: {  	_ =	swait.ge [sflag:s31], $0x2800  }
0x66: {  	s17 =	simm.s32 $0x600;
	[sflag:s31] =	ssyncset.done $0x0  }
0x67: {  	s18 =	sadd.s32 $0xF00, s19;
	s25 =	smov.u32 s19;
	[sflag:s31] =	ssyncadd.s32 $0xFFFFD800  }
.LBB2_2:
0x68: {  	[tilespmem:s3], [sflag:$0x3] =	stream.linear.gather [hbm4b:s25+s2], $0x2800, $0x38;
	[tilespmem:$0x1F800] =	vst v63  }
0x69: {  	s20 =	smov.u32 s17;
	s25 =	smov.u32 s18  }
0x6a: {  	p0 =	sne.s32 s17, $0xEA00;
	s17 =	sadd.s32 $0x600, s17;
	_ =	swait.ge [sflag:s30], $0x2800  }
0x6b: {  	s20 =	sshra.s32 s20, $0x2;
	[sflag:s30] =	ssyncset.done $0x0  }
0x6c: {  	s21 =	sadd.s32 $0x7800, s20;
	[sflag:s30] =	ssyncadd.s32 $0xFFFFD800  }
0x6d: {  	[spmem:s1] =	stream.indirect.scatter.add.f32 [tilespmem:s2], [sflag:$0x4], $0x80, s21, s4, $0xb8;
	[tilespmem:$0x1F800] =	vst v63  }
0x6e: {  	_ =	swait.ge [sflag:s31], $0x2800  }
0x6f: {  	[sflag:s31] =	ssyncset.done $0x0  }
0x70: {  	s21 =	sadd.s32 $0xFFFFF600, s18;
	[sflag:s31] =	ssyncadd.s32 $0xFFFFD800  }
0x71: {  	[tilespmem:s2], [sflag:$0x1] =	stream.linear.gather [hbm4b:s21+s2], $0x2800, $0x38;
	[tilespmem:$0x1F800] =	vst v63  }
0x72: {  	_ =	swait.ge [sflag:s5], $0x2800  }
0x73: {  	[sflag:s5] =	ssyncset.done $0x0  }
0x74: {  	s21 =	sadd.s32 $0x7880, s20;
	[sflag:s5] =	ssyncadd.s32 $0xFFFFD800  }
0x75: {  	[spmem:s1] =	stream.indirect.scatter.add.f32 [tilespmem:s0], [sflag:$0x4], $0x80, s21, s4, $0xb8;
	[tilespmem:$0x1F800] =	vst v63  }
0x76: {  	_ =	swait.ge [sflag:s31], $0x2800  }
0x77: {  	[sflag:s31] =	ssyncset.done $0x0  }
0x78: {  	s21 =	sadd.s32 $0xFFFFFB00, s18;
	[sflag:s31] =	ssyncadd.s32 $0xFFFFD800  }
0x79: {  	[tilespmem:s0], [sflag:$0x2] =	stream.linear.gather [hbm4b:s21+s2], $0x2800, $0x38;
	[tilespmem:$0x1F800] =	vst v63  }
0x7a: {  	_ =	swait.ge [sflag:s15], $0x2800  }
0x7b: {  	[sflag:s15] =	ssyncset.done $0x0  }
.Ltmp0:
0x7c: {  	s20 =	sadd.s32 $0x7900, s20;
	[sflag:s15] =	ssyncadd.s32 $0xFFFFD800;
	(pc) =	sbr.rel @p0 .LBB2_2-.Ltmp0, $4  }
0x7d: {  	[spmem:s1] =	stream.indirect.scatter.add.f32 [tilespmem:s3], [sflag:$0x4], $0x80, s20, s4, $0xb8;
	[tilespmem:$0x1F800] =	vst v63  }
0x7e: {  	_ =	swait.ge [sflag:s31], $0x2800  }
0x7f: {  	[sflag:s31] =	ssyncset.done $0x0  }
0x80: {  	s18 =	sadd.s32 $0xF00, s18;
	[sflag:s31] =	ssyncadd.s32 $0xFFFFD800  }
0x81: {  	[tilespmem:s3], [sflag:$0x3] =	stream.linear.gather [hbm4b:s25+s2], $0x2800, $0x38;
	[tilespmem:$0x1F800] =	vst v63  }
0x82: {  	_ =	swait.ge [sflag:s30], $0x2800  }
0x83: {  	[sflag:s30] =	ssyncset.done $0x0  }
0x84: {  	s17 =	simm.s32 $0xB400;
	[sflag:s30] =	ssyncadd.s32 $0xFFFFD800  }
0x85: {  	[spmem:s1] =	stream.indirect.scatter.add.f32 [tilespmem:s2], [sflag:$0x4], $0x80, s17, s4, $0xb8;
	[tilespmem:$0x1F800] =	vst v63  }
0x86: {  	_ =	swait.ge [sflag:s31], $0x2800  }
0x87: {  	[sflag:s31] =	ssyncset.done $0x0  }
0x88: {  	[sflag:s31] =	ssyncadd.s32 $0xFFFFD800  }
0x89: {  	[tilespmem:s2], [sflag:$0x1] =	stream.linear.gather [hbm4b:s28+s2], $0x2800, $0x38;
	[tilespmem:$0x1F800] =	vst v63  }
0x8a: {  	_ =	swait.ge [sflag:s5], $0x2800  }
0x8b: {  	[sflag:s5] =	ssyncset.done $0x0  }
0x8c: {  	s20 =	simm.s32 $0xB480;
	[sflag:s5] =	ssyncadd.s32 $0xFFFFD800  }
0x8d: {  	[spmem:s1] =	stream.indirect.scatter.add.f32 [tilespmem:s0], [sflag:$0x4], $0x80, s20, s4, $0xb8;
	[tilespmem:$0x1F800] =	vst v63  }
0x8e: {  	_ =	swait.ge [sflag:s31], $0x2800  }
0x8f: {  	[sflag:s31] =	ssyncset.done $0x0  }
0x90: {  	[sflag:s31] =	ssyncadd.s32 $0xFFFFD800  }
0x91: {  	[tilespmem:s0], [sflag:$0x2] =	stream.linear.gather [hbm4b:s29+s2], $0x2800, $0x38;
	[tilespmem:$0x1F800] =	vst v63  }
0x92: {  	_ =	swait.ge [sflag:s15], $0x2800  }
0x93: {  	[sflag:s15] =	ssyncset.done $0x0  }
0x94: {  	s21 =	simm.s32 $0xB500;
	[sflag:s15] =	ssyncadd.s32 $0xFFFFD800  }
0x95: {  	[spmem:s1] =	stream.indirect.scatter.add.f32 [tilespmem:s3], [sflag:$0x4], $0x80, s21, s4, $0xb8;
	[tilespmem:$0x1F800] =	vst v63  }
0x96: {  	_ =	swait.ge [sflag:s31], $0x2800  }
0x97: {  	[sflag:s31] =	ssyncset.done $0x0  }
0x98: {  	[sflag:s31] =	ssyncadd.s32 $0xFFFFD800  }
0x99: {  	[tilespmem:s3], [sflag:$0x3] =	stream.linear.gather [hbm4b:s29+s2], $0x2800, $0x38;
	[tilespmem:$0x1F800] =	vst v63  }
0x9a: {  	_ =	swait.ge [sflag:s30], $0x2800  }
0x9b: {  	[sflag:s30] =	ssyncset.done $0x0  }
0x9c: {  	s25 =	simm.s32 $0xB580;
	[sflag:s30] =	ssyncadd.s32 $0xFFFFD800  }
0x9d: {  	[spmem:s1] =	stream.indirect.scatter.add.f32 [tilespmem:s2], [sflag:$0x4], $0x80, s25, s4, $0xb8;
	[tilespmem:$0x1F800] =	vst v63  }
0x9e: {  	_ =	swait.ge [sflag:s31], $0x2800  }
0x9f: {  	[sflag:s31] =	ssyncset.done $0x0  }
0xa0: {  	[sflag:s31] =	ssyncadd.s32 $0xFFFFD800  }
0xa1: {  	_ =	swait.ge [sflag:s5], $0x2800  }
0xa2: {  	[sflag:s5] =	ssyncset.done $0x0  }
0xa3: {  	s18 =	simm.s32 $0xB600;
	[sflag:s5] =	ssyncadd.s32 $0xFFFFD800  }
0xa4: {  	[spmem:s1] =	stream.indirect.scatter.add.f32 [tilespmem:s0], [sflag:$0x4], $0x80, s18, s4, $0xb8;
	[tilespmem:$0x1F800] =	vst v63  }
0xa5: {  	_ =	swait.ge [sflag:s31], $0x2800  }
0xa6: {  	[sflag:s31] =	ssyncset.done $0x0  }
0xa7: {  	[sflag:s31] =	ssyncadd.s32 $0xFFFFD800  }
0xa8: {  	_ =	swait.ge [sflag:s15], $0x2800  }
0xa9: {  	[sflag:s15] =	ssyncset.done $0x0  }
0xaa: {  	[sflag:s15] =	ssyncadd.s32 $0xFFFFD800  }
0xab: {  	[bflag:$0x0] =	sbarrier.arrive $0xFFFF  }
0xac: {  	[tilespmem:s2], [sflag:$0x4] =	stream.linear.gather [spmem:s6], $0x2800, $0x38;
	[tilespmem:$0x1F800] =	vst v63  }
0xad: {  	_ =	swait.ge [sflag:s31], $0x2800  }
0xae: {  	[sflag:s31] =	ssyncset.done $0x0  }
0xaf: {  	s20 =	rddreg [dreg:$0x7];
	[sflag:s31] =	ssyncadd.s32 $0xFFFFD800  }
0xb0: {  	[hbm4b:s20+s2] =	stream.linear.scatter [tilespmem:s2], [sflag:$0x4], $0x2800, $0x38;
	[tilespmem:$0x1F800] =	vst v63  }
0xb1: {  	_ =	swait.ge [sflag:s31], $0x2800  }
0xb2: {  	[sflag:s31] =	ssyncset.done $0x0  }
0xb3: {  	[sflag:s31] =	ssyncadd.s32 $0xFFFFD800  }
0xb4: {  	[tilespmem:s2], [sflag:$0x4] =	stream.linear.gather [spmem:s7], $0x2800, $0x38;
	[tilespmem:$0x1F800] =	vst v63  }
0xb5: {  	_ =	swait.ge [sflag:s31], $0x2800  }
0xb6: {  	[sflag:s31] =	ssyncset.done $0x0  }
0xb7: {  	s21 =	rddreg [dreg:$0x8];
	[sflag:s31] =	ssyncadd.s32 $0xFFFFD800  }
0xb8: {  	[hbm4b:s21+s2] =	stream.linear.scatter [tilespmem:s2], [sflag:$0x4], $0x2800, $0x38;
	[tilespmem:$0x1F800] =	vst v63  }
0xb9: {  	_ =	swait.ge [sflag:s31], $0x2800  }
0xba: {  	[sflag:s31] =	ssyncset.done $0x0  }
0xbb: {  	[sflag:s31] =	ssyncadd.s32 $0xFFFFD800  }
0xbc: {  	[tilespmem:s2], [sflag:$0x4] =	stream.linear.gather [spmem:s8], $0x2800, $0x38;
	[tilespmem:$0x1F800] =	vst v63  }
0xbd: {  	_ =	swait.ge [sflag:s31], $0x2800  }
0xbe: {  	[sflag:s31] =	ssyncset.done $0x0  }
0xbf: {  	s25 =	rddreg [dreg:$0x9];
	[sflag:s31] =	ssyncadd.s32 $0xFFFFD800  }
0xc0: {  	[hbm4b:s25+s2] =	stream.linear.scatter [tilespmem:s2], [sflag:$0x4], $0x2800, $0x38;
	[tilespmem:$0x1F800] =	vst v63  }
0xc1: {  	_ =	swait.ge [sflag:s31], $0x2800  }
0xc2: {  	[sflag:s31] =	ssyncset.done $0x0  }
0xc3: {  	[sflag:s31] =	ssyncadd.s32 $0xFFFFD800  }
0xc4: {  	[tilespmem:s2], [sflag:$0x4] =	stream.linear.gather [spmem:s9], $0x2800, $0x38;
	[tilespmem:$0x1F800] =	vst v63  }
0xc5: {  	_ =	swait.ge [sflag:s31], $0x2800  }
0xc6: {  	[sflag:s31] =	ssyncset.done $0x0  }
0xc7: {  	s18 =	rddreg [dreg:$0xa];
	[sflag:s31] =	ssyncadd.s32 $0xFFFFD800  }
0xc8: {  	[hbm4b:s18+s2] =	stream.linear.scatter [tilespmem:s2], [sflag:$0x4], $0x2800, $0x38;
	[tilespmem:$0x1F800] =	vst v63  }
0xc9: {  	_ =	swait.ge [sflag:s31], $0x2800  }
0xca: {  	[sflag:s31] =	ssyncset.done $0x0  }
0xcb: {  	[sflag:s31] =	ssyncadd.s32 $0xFFFFD800  }
0xcc: {  	[tilespmem:s2], [sflag:$0x4] =	stream.linear.gather [spmem:s10], $0x2800, $0x38;
	[tilespmem:$0x1F800] =	vst v63  }
0xcd: {  	_ =	swait.ge [sflag:s31], $0x2800  }
0xce: {  	[sflag:s31] =	ssyncset.done $0x0  }
0xcf: {  	s20 =	rddreg [dreg:$0xb];
	[sflag:s31] =	ssyncadd.s32 $0xFFFFD800  }
0xd0: {  	[hbm4b:s20+s2] =	stream.linear.scatter [tilespmem:s2], [sflag:$0x4], $0x2800, $0x38;
	[tilespmem:$0x1F800] =	vst v63  }
0xd1: {  	_ =	swait.ge [sflag:s31], $0x2800  }
0xd2: {  	[sflag:s31] =	ssyncset.done $0x0  }
0xd3: {  	[sflag:s31] =	ssyncadd.s32 $0xFFFFD800  }
0xd4: {  	[tilespmem:s2], [sflag:$0x4] =	stream.linear.gather [spmem:s11], $0x2800, $0x38;
	[tilespmem:$0x1F800] =	vst v63  }
0xd5: {  	_ =	swait.ge [sflag:s31], $0x2800  }
0xd6: {  	[sflag:s31] =	ssyncset.done $0x0  }
0xd7: {  	s21 =	rddreg [dreg:$0xc];
	[sflag:s31] =	ssyncadd.s32 $0xFFFFD800  }
0xd8: {  	[hbm4b:s21+s2] =	stream.linear.scatter [tilespmem:s2], [sflag:$0x4], $0x2800, $0x38;
	[tilespmem:$0x1F800] =	vst v63  }
0xd9: {  	_ =	swait.ge [sflag:s31], $0x2800  }
0xda: {  	[sflag:s31] =	ssyncset.done $0x0  }
0xdb: {  	[sflag:s31] =	ssyncadd.s32 $0xFFFFD800  }
0xdc: {  	[tilespmem:s2], [sflag:$0x4] =	stream.linear.gather [spmem:s12], $0x2800, $0x38;
	[tilespmem:$0x1F800] =	vst v63  }
0xdd: {  	_ =	swait.ge [sflag:s31], $0x2800  }
0xde: {  	[sflag:s31] =	ssyncset.done $0x0  }
0xdf: {  	s25 =	rddreg [dreg:$0xd];
	[sflag:s31] =	ssyncadd.s32 $0xFFFFD800  }
0xe0: {  	[hbm4b:s25+s2] =	stream.linear.scatter [tilespmem:s2], [sflag:$0x4], $0x2800, $0x38;
	[tilespmem:$0x1F800] =	vst v63  }
0xe1: {  	_ =	swait.ge [sflag:s31], $0x2800  }
0xe2: {  	[sflag:s31] =	ssyncset.done $0x0  }
0xe3: {  	[sflag:s31] =	ssyncadd.s32 $0xFFFFD800  }
0xe4: {  	[tilespmem:s2], [sflag:$0x4] =	stream.linear.gather [spmem:s14], $0x2800, $0x38;
	[tilespmem:$0x1F800] =	vst v63  }
0xe5: {  	s16 =	sadd.s32 $0x1, s16;
	_ =	swait.ge [sflag:s31], $0x2800  }
0xe6: {  	p0 =	sne.s32 s16, s24;
	[sflag:s31] =	ssyncset.done $0x0  }
.Ltmp1:
0xe7: {  	[sflag:s31] =	ssyncadd.s32 $0xFFFFD800;
	(pc) =	sbr.rel @p0 .LBB2_1-.Ltmp1, $4  }
0xe8: {  	[hbm4b:s22+s2] =	stream.linear.scatter [tilespmem:s2], [sflag:$0x4], $0x2800, $0x38;
	[tilespmem:$0x1F800] =	vst v63  }
0xe9: {  	_ =	swait.ge [sflag:s31], $0x2800  }
0xea: {  	[sflag:s31] =	ssyncset.done $0x0  }
0xeb: {  	[sflag:s31] =	ssyncadd.s32 $0xFFFFD800  }
0xec: {  	_ =	sfence.sel $0x180000  }
0xed: {  	[bflag:$0x0] =	sbarrier.arrive $0xFFFF  }
0xee: {  	_ =	strace $0x9000004A  }
0xef: {  	s0 =	stileid.u32;
	[bflag:$0x2] =	sbarrier.arrive $0xFFFF  }
0xf0: {  	p0 =	sne.s32 s0, $0x0;
	s0 =	rddreg [dreg:$0x4]  }
0xf1: {  	s0 =	sadd.s32 @!p0 $0x100000, s0  }
0xf2: {  	[sflag:s0] =	ssyncadd.tile.s32 @!p0 $0x1;
	_ =	shalt  }
.Lfunc_end2:
_tile_overlayer_lowered:
.L_overlay_start_2:
0xf3: {  	(tag) =	ssettag $0x2  }
0xf4: {  	s0 =	rddreg [dreg:$0x0];
	s2 =	stileid.u32  }
0xf5: {  	s1 =	rddreg [dreg:$0x1];
	p0 =	sne.s32 s2, $0x0  }
0xf6: {  	s3 =	rddreg [dreg:$0x2];
	[bflag:$0x3] =	sbarrier.arrive $0xFFFF;
	s2 =	simm.s32 @!p0 $0x1C04  }
0xf7: {  	[timem:s3], [sflag:s2] =	dma.local @!p0 [hbm:s0], s1  }
0xf8: {  	s0 =	simm.s32 @!p0 $0x4  }
0xf9: {  	_ =	swait.ge @!p0 [sflag:s0], s1  }
0xfa: {  	s1 =	ssub.s32 @!p0 $0x0, s1;
	[sflag:s0] =	ssyncset.done @!p0 $0x0  }
0xfb: {  	[sflag:s0] =	ssyncadd.s32 @!p0 s1  }
0xfc: {  	[bflag:$0x3] =	sbarrier.arrive $0xFFFF  }
0xfd: {  	_ =	shalt  }

// kernel: kernel.8.cloned.1.call-start
scs
__scs_entry_jumppad:
0x0: {  	(pc) =	sbr.rel $0x88, $3  }
0x1: {  	(tag) =	ssettag $0x0;
	lr =	simm.s32 $0x1  }
0x2: {  	[smem:$0x3F9F] =	sst lr;
	_ =	strace $0xD0000000  }
0x3: {  	_ = 	snop  }
0x4: {  	_ = 	snop  }
0x5: {  	_ = 	snop  }
0x6: {  	_ = 	snop  }
0x7: {  	_ = 	snop  }
__scs_overlays_trampoline_lowered:
0x8: {  	[smem:$0x3FAE] =	sst s0  }
0x9: {  	[smem:$0x3FAF] =	sst s1  }
0xa: {  	[smem:$0x3FB0] =	sst s2  }
0xb: {  	[smem:$0x3FB1] =	sst s3  }
0xc: {  	[smem:$0x3FB2] =	sst s4  }
0xd: {  	[smem:$0x3FB3] =	sst s5  }
0xe: {  	[smem:$0x3FB4] =	sst s6  }
0xf: {  	[smem:$0x3FB5] =	sst s7  }
0x10: {  	[smem:$0x3FB6] =	sst s8  }
0x11: {  	[smem:$0x3FB7] =	sst s9;
	s0 =	simm.s32 @!p0 $0x0  }
0x12: {  	s1 =	sld [smem:$0x3F9D];
	s0 =	simm.s32 @p0 $0x1  }
0x13: {  	[smem:$0x3FB8] =	sst s0;
	s0 =	simm.s32 @!p1 $0x0  }
0x14: {  	s2 =	sld [smem:$0x3F9C];
	s0 =	simm.s32 @p1 $0x1  }
0x15: {  	[smem:$0x3FB9] =	sst s0;
	s0 =	simm.s32 @!p2 $0x0  }
0x16: {  	s3 =	sld [smem:$0x3FDB];
	s0 =	simm.s32 @p2 $0x1  }
0x17: {  	s4 =	simm.s32 $0x1BF5;
	[smem:$0x3FBB] =	sst s0  }
0x18: {  	s0 =	sld [smem:$0x3F9E];
	_ =	swait.ge [sflag:s4], $0x0  }
0x19: {  	s7 =	sld [smem:$0x3F9F]  }
0x1a: {  	s8 =	sadd.s32 $0xFFFFE003, lr  }
0x1b: {  	s9 =	sadd.s32 $0xFFFFFEF7, lr;
	s5 =	simm.s32 $0xFFFFFFFF;
	p2 =	slt.u32 s8, $0xFFFFF086  }
0x1c: {  	p1 =	slt.u32 s9, $0xF7A;
	s5 =	simm.s32 @!p2 $0x0  }
0x1d: {  	s5 =	simm.s32 @p1 $0x1;
	p0 =	seq.s32 s7, s2  }
0x1e: {  	s7 =	smul.u32 @!p0 $0xF7A, s2;
	p2 =	seq.s32 @!p0 s5, $0x0  }
0x1f: {  	s9 =	smul.u32 $0xF7A, s1;
	s8 =	simm.s32 @!p0 $0x1BF5;
	p2 =	por !p2, p0  }
0x20: {  	[sflag:s8] =	ssyncset.s32 @!p0 $0xFFFFF086;
	s6 =	sadd.s32 @!p0 s3, s7;
	s7 =	simm.s32 @!p0 $0x108  }
0x21: {  	s3 =	sadd.s32 s3, s9;
	s6 =	sadd.s32 @!p0 $0x88, s6;
	s7 =	simm.s32 @p2 $0x1082  }
0x22: {  	[simem:s7], [sflag:s8] =	dma.local @!p0 [hbm:s6], $0xF7A  }
0x23: {  	s9 =	sor.u32 $0xD0000000, s2;
	s6 =	simm.s32 $0x108;
	_ =	swait.ge @!p0 [sflag:s8], $0x0  }
0x24: {  	s3 =	sadd.s32 $0x88, s3;
	s6 =	simm.s32 @!p1 $0x1082;
	[sflag:s4] =	ssyncset.s32 $0xFFFFF086  }
0x25: {  	[simem:s6], [sflag:s4] =	dma.local [hbm:s3], $0xF7A  }
0x26: {  	[smem:$0x3F9F] =	sst s1;
	(tag) =	ssettag s2;
	_ =	strace s9  }
0x27: {  	s1 =	sld [smem:$0x3FAF]  }
0x28: {  	s2 =	sld [smem:$0x3FB0]  }
0x29: {  	s4 =	sld [smem:$0x3FB2]  }
0x2a: {  	p0 =	seq.s32 s5, $0x0;
	s5 =	sld [smem:$0x3FB3]  }
0x2b: {  	s6 =	sld [smem:$0x3FB4]  }
0x2c: {  	s7 =	sld [smem:$0x3FB5]  }
0x2d: {  	s3 =	simm.s32 $0x108;
	s8 =	sld [smem:$0x3FB6]  }
0x2e: {  	s3 =	simm.s32 @!p0 $0x1082;
	s9 =	sld [smem:$0x3FB7]  }
0x2f: {  	lr =	sadd.s32 s0, s3;
	s0 =	sld [smem:$0x3FAE]  }
0x30: {  	s3 =	sld [smem:$0x3FB1]  }
0x31: {  	[smem:$0x3FBA] =	sst s10  }
0x32: {  	s10 =	sld [smem:$0x3FB8];
	_ =	sdelay $0x3  }
0x33: {  	p0 =	seq.s32 s10, $0x1;
	s10 =	sld [smem:$0x3FBA];
	_ =	sdelay $0x3  }
0x34: {  	[smem:$0x3FBA] =	sst s10  }
0x35: {  	s10 =	sld [smem:$0x3FB9];
	_ =	sdelay $0x3  }
0x36: {  	p1 =	seq.s32 s10, $0x1;
	s10 =	sld [smem:$0x3FBA];
	_ =	sdelay $0x3  }
0x37: {  	[smem:$0x3FBA] =	sst s10  }
0x38: {  	s10 =	sld [smem:$0x3FBB]  }
0x39: {  	_ = 	snop;
	(pc) =	sbr.ind lr, $3  }
0x3a: {  	_ = 	snop  }
0x3b: {  	_ = 	snop  }
0x3c: {  	p2 =	seq.s32 s10, $0x1;
	s10 =	sld [smem:$0x3FBA]  }
0x3d: {  	_ =	shalt  }
0x3e: {  	_ =	shalt  }
0x3f: {  	_ =	shalt  }
0x40: {  	_ =	shalt  }
0x41: {  	_ =	shalt  }
0x42: {  	_ =	shalt  }
0x43: {  	_ =	shalt  }
0x44: {  	_ =	shalt  }
0x45: {  	_ =	shalt  }
0x46: {  	_ =	shalt  }
0x47: {  	_ =	shalt  }
0x48: {  	_ =	shalt  }
0x49: {  	_ =	shalt  }
0x4a: {  	_ =	shalt  }
0x4b: {  	_ =	shalt  }
0x4c: {  	_ =	shalt  }
0x4d: {  	_ =	shalt  }
0x4e: {  	_ =	shalt  }
0x4f: {  	_ =	shalt  }
0x50: {  	_ =	shalt  }
0x51: {  	_ =	shalt  }
0x52: {  	_ =	shalt  }
0x53: {  	_ =	shalt  }
0x54: {  	_ =	shalt  }
0x55: {  	_ =	shalt  }
0x56: {  	_ =	shalt  }
0x57: {  	_ =	shalt  }
0x58: {  	_ =	shalt  }
0x59: {  	_ =	shalt  }
0x5a: {  	_ =	shalt  }
0x5b: {  	_ =	shalt  }
0x5c: {  	_ =	shalt  }
0x5d: {  	_ =	shalt  }
0x5e: {  	_ =	shalt  }
0x5f: {  	_ =	shalt  }
0x60: {  	_ =	shalt  }
0x61: {  	_ =	shalt  }
0x62: {  	_ =	shalt  }
0x63: {  	_ =	shalt  }
0x64: {  	_ =	shalt  }
0x65: {  	_ =	shalt  }
0x66: {  	_ =	shalt  }
0x67: {  	_ =	shalt  }
0x68: {  	_ =	shalt  }
0x69: {  	_ =	shalt  }
0x6a: {  	_ =	shalt  }
0x6b: {  	_ =	shalt  }
0x6c: {  	_ =	shalt  }
0x6d: {  	_ =	shalt  }
0x6e: {  	_ =	shalt  }
0x6f: {  	_ =	shalt  }
0x70: {  	_ =	shalt  }
0x71: {  	_ =	shalt  }
0x72: {  	_ =	shalt  }
0x73: {  	_ =	shalt  }
0x74: {  	_ =	shalt  }
0x75: {  	_ =	shalt  }
0x76: {  	_ =	shalt  }
0x77: {  	_ =	shalt  }
0x78: {  	_ =	shalt  }
0x79: {  	_ =	shalt  }
0x7a: {  	_ =	shalt  }
0x7b: {  	_ =	shalt  }
0x7c: {  	_ =	shalt  }
0x7d: {  	_ =	shalt  }
0x7e: {  	_ =	shalt  }
0x7f: {  	_ =	shalt  }
0x80: {  	_ =	shalt  }
0x81: {  	_ =	shalt  }
0x82: {  	_ =	shalt  }
0x83: {  	_ =	shalt  }
0x84: {  	_ =	shalt  }
0x85: {  	_ =	shalt  }
0x86: {  	_ =	shalt  }
0x87: {  	_ =	shalt  }
.Lfunc_end0:
.L_simem_size_0:
called_computation.1_lowered:
.L_overlay_start_0:
0x88: {  	s2 =	sld [smem:$0x3FD9]  }
0x89: {  	s3 =	sld [smem:$0x3FFE];
	_ =	sdelay $0x1  }
0x8a: {  	s1 =	srdreg.scid  }
0x8b: {  	s0 =	sand.u32 $0x1, s1  }
0x8c: {  	s17 =	sshll.u32 s0, $0xA;
	s2 =	sadd.s32 s3, s2  }
0x8d: {  	s2 =	sadd.s32 s2, s17  }
0x8e: {  	[smem:$0x3FC6] =	sst s2  }
0x8f: {  	_ = 	snop  }
0x90: {  	s2 =	sld [smem:$0x3FD0];
	(tm) =	ssettm $0x1  }
0x91: {  	s18 =	sld [smem:$0x3FFB];
	_ =	sdelay $0x3  }
0x92: {  	_ =	strace s18  }
0x93: {  	s3 =	sld [smem:$0x3FFC];
	_ =	sdelay $0x3  }
0x94: {  	_ =	strace s3  }
0x95: {  	s3 =	sld [smem:$0x3FFD];
	_ =	sdelay $0x3  }
0x96: {  	_ =	strace s3  }
0x97: {  	_ =	strace $0x8FFFFFFF  }
0x98: {  	s19 =	sld [smem:$0x3FDB];
	_ =	sdelay $0x1  }
0x99: {  	s4 =	simm.s32 $_scs_section_size  }
0x9a: {  	s5 =	simm.s32 $_size__tile_overlayer_lowered;
	s6 =	simm.s32 $_tile_overlayer_lowered  }
0x9b: {  	s22 =	simm.s32 $0x1BFF;
	s21 =	sshll.u32 s6, $0x1;
	s3 =	sadd.s32 s4, s19  }
0x9c: {  	s7 =	simm.s32 $0x0;
	s20 =	sshll.u32 s5, $0x1;
	s5 =	sadd.s32 s21, s3  }
0x9d: {  	[timem:s7], [sflag:s22] =	dma.local [hbm:s5], s20  }
0x9e: {  	_ =	swait.ge [sflag:s22], s20  }
0x9f: {  	s4 =	ssub.s32 $0x0, s20;
	[sflag:s22] =	ssyncset.done $0x0  }
0xa0: {  	[sflag:s22] =	ssyncadd.s32 s4;
	_ =	sdelay $0x1  }
0xa1: {  	s23 =	simm.s32 $0x1B8B  }
0xa2: {  	_ =	swait.ge [sflag:s23], $0x1  }
0xa3: {  	[sflag:s23] =	ssyncset.done $0x0  }
0xa4: {  	s25 =	simm.s32 $0x1B8E;
	s24 =	sld [smem:$0x3FFE];
	[sflag:s23] =	ssyncadd.s32 $0xFFFFFFFF  }
0xa5: {  	s26 =	simm.s32 $execute0_lowered;
	[smem:$0x3FD2] =	sst s25  }
0xa6: {  	s5 =	sshll.u32 s26, $0x1;
	_ =	strace $0x80000046;
	[dreg:$0x1] =	wrdreg $0xFFFFFFFF  }
0xa7: {  	s28 =	simm.s32 $_size_execute0_lowered;
	s3 =	sadd.s32 s3, s5;
	[dreg:$0x0] =	wrdreg $0x0  }
0xa8: {  	s5 =	sshll.u32 s28, $0x1;
	[dreg:$0x2] =	wrdreg s3  }
0xa9: {  	[dreg:$0x3] =	wrdreg s5  }
0xaa: {  	[dreg:$0x4] =	wrdreg $0xC0  }
0xab: {  	_ =	task [dreg:s7], $0x5FFFF  }
0xac: {  	[dreg:$0x1] =	wrdreg $0xFFFFFFFF  }
0xad: {  	[dreg:$0x0] =	wrdreg $0x60  }
0xae: {  	[dreg:$0x2] =	wrdreg s2  }
0xaf: {  	[dreg:$0x3] =	wrdreg s24  }
0xb0: {  	[dreg:$0x4] =	wrdreg $0x90000  }
0xb1: {  	[dreg:$0x5] =	wrdreg $0xA  }
0xb2: {  	_ =	task.clear_ibuf [dreg:s7], $0x6FFFF;
	_ =	strace $0x90000046  }
0xb3: {  	s29 =	simm.s32 $0xA;
	_ =	strace $0x80000048  }
0xb4: {  	_ =	swait.ge [sflag:s29], $0x1  }
0xb5: {  	[sflag:s29] =	ssyncadd.s32 $0xFFFFFFFF  }
0xb6: {  	_ =	strace $0x90000048  }
0xb7: {  	_ =	sfence  }
0xb8: {  	s30 =	sld [smem:$0x0];
	_ =	sdelay $0x2  }
0xb9: {  	s31 =	sshll.u32 s1, $0xD;
	s1 =	sshrl.u32 s1, $0x2  }
0xba: {  	s3 =	sand.u32 $0x4000, s31;
	s1 =	sadd.s32 s1, s30  }
0xbb: {  	s0 =	sor.u32 s3, s0;
	s1 =	sshll.u32 s1, $0x11  }
0xbc: {  	s0 =	sor.u32 s1, s0  }
0xbd: {  	s0 =	sadd.s32 $0x8F2B, s0  }
0xbe: {  	[sflag:s0] =	ssyncadd.remote.s32 $0x1  }
0xbf: {  	_ =	sfence.sel $0xFFFF  }
0xc0: {  	[dreg:$0x0] =	wrdreg $0xFFFFFFFF;
	(pc) =	sbr.abs _section_cstart, $3  }
0xc1: {  	[dreg:$0x1] =	wrdreg $0xFFFFFFFF  }
0xc2: {  	_ =	task.clear_ibuf [dreg:s7], $0x2FFFF;
	_ =	strace $0x9FFFFFFF  }
0xc3: {  	(tm) =	ssettm $0x7FFFFFFF  }
tec
execute0_lowered:
.L_overlay_start_1:
0x0: {  	(tag) =	ssettag $0x1  }
0x1: {  	s0 =	rddreg [dreg:$0x0]  }
0x2: {  	s6 =	rddreg [dreg:$0x1]  }
0x3: {  	s1 =	rddreg [dreg:$0x2];
	s2 =	simm.s32 $0x0;
	s3 =	srdreg.scid  }
0x4: {  	[smem:$0x7FF] =	sst s2;
	s7 =	sand.u32 $0x1, s3  }
0x5: {  	s4 =	sadd.s32 $0xA00, s6;
	s3 =	stileid.u32;
	s8 =	smul.u32 $0x28000, s7  }
0x6: {  	s5 =	sadd.s32 $0x1000, s6;
	_ =	strace $0x80000047;
	s12 =	smul.u32 $0x280, s3  }
0x7: {  	s9 =	ssub.s32 $0x2, s7;
	s21 =	sshll.u32 s3, $0xB;
	s22 =	smul.u32 $0x50000, s3  }
0x8: {  	s7 =	sshll.u32 s7, $0xF;
	s20 =	sshrl.u32 s9, $0x1;
	s0 =	sadd.s32 s0, s21  }
0x9: {  	s15 =	sadd.s32 s8, s6;
	s16 =	ssub.s32 s9, s20;
	s17 =	sor.u32 $0x50, s12  }
0xa: {  	s6 =	sadd.s32 s7, s0;
	s23 =	sshrl.u32 s22, $0x2;
	s0 =	sadd.s32 $0xA0, s12  }
0xb: {  	s18 =	sadd.s32 $0xF0, s12;
	s19 =	sadd.s32 $0x140, s12;
	s20 =	sadd.s32 $0x190, s12  }
0xc: {  	s21 =	sadd.s32 $0x1E0, s12;
	s22 =	sadd.s32 $0x230, s12;
	s24 =	sshll.u32 s17, $0x7  }
0xd: {  	s7 =	sadd.s32 s23, s1;
	s25 =	sshll.u32 s0, $0x7;
	s10 =	sshll.u32 s18, $0x7  }
0xe: {  	s11 =	sshll.u32 s19, $0x7;
	s13 =	sshll.u32 s20, $0x7;
	s26 =	sshll.u32 s21, $0x7  }
0xf: {  	s14 =	sshll.u32 s22, $0x7;
	s23 =	smul.u32 $0x2800, s3;
	s0 =	sshll.u32 s0, $0x4  }
0x10: {  	s28 =	sshll.u32 s19, $0x4;
	s29 =	sshll.u32 s20, $0x4;
	s30 =	sshll.u32 s21, $0x4  }
0x11: {  	s31 =	sshll.u32 s22, $0x4;
	s8 =	sadd.s32 s24, s1;
	s9 =	sadd.s32 s25, s1  }
0x12: {  	s10 =	sadd.s32 s10, s1;
	s11 =	sadd.s32 s11, s1;
	s12 =	sadd.s32 s13, s1  }
0x13: {  	s13 =	sadd.s32 s26, s1;
	s14 =	sadd.s32 s14, s1;
	s24 =	sadd.s32 $0x1600, s15  }
0x14: {  	s25 =	sshll.u32 s17, $0x4;
	s26 =	sshll.u32 s18, $0x4;
	s15 =	smax.u32 s16, $0x1  }
0x15: {  	s16 =	simm.s32 $0x5000;
	s17 =	sadd.s32 s23, s24;
	s18 =	sadd.s32 s25, s24  }
0x16: {  	s19 =	sadd.s32 s0, s24;
	s20 =	sadd.s32 s26, s24;
	s21 =	sadd.s32 s28, s24  }
0x17: {  	s22 =	sadd.s32 s29, s24;
	s23 =	sadd.s32 s30, s24;
	s24 =	sadd.s32 s31, s24  }
0x18: {  	s25 =	simm.s32 $0x2;
	s26 =	simm.s32 $0x2800;
	s28 =	simm.s32 $0x50  }
0x19: {  	s29 =	simm.s32 $0x5080;
	s30 =	simm.s32 $0x1;
	s31 =	simm.s32 $0x0  }
.LBB2_1:
0x1a: {  	[tilespmem:s16], [sflag:$0x2] =	stream.linear.gather [hbm4b:s6+s2], $0x3E80, $0x38;
	[tilespmem:$0x1D000] =	vst v63  }
0x1b: {  	_ =	swait.ge [sflag:s25], $0x3E80  }
0x1c: {  	[sflag:s25] =	ssyncset.done $0x0  }
0x1d: {  	[sflag:s25] =	ssyncadd.s32 $0xFFFFC180  }
0x1e: {  	[tilespmem:s2], [sflag:$0x2] =	stream.linear.gather [hbm4b:s4+s2], $0x2800, $0x38;
	[tilespmem:$0x1D000] =	vst v63  }
0x1f: {  	_ =	swait.ge [sflag:s25], $0x2800  }
0x20: {  	[sflag:s25] =	ssyncset.done $0x0  }
0x21: {  	[sflag:s25] =	ssyncadd.s32 $0xFFFFD800  }
0x22: {  	[spmem:s7] =	stream.linear.scatter [tilespmem:s2], [sflag:$0x2], $0x2800, $0x38;
	[tilespmem:$0x1D000] =	vst v63  }
0x23: {  	_ =	swait.ge [sflag:s25], $0x2800  }
0x24: {  	[sflag:s25] =	ssyncset.done $0x0  }
0x25: {  	[sflag:s25] =	ssyncadd.s32 $0xFFFFD800  }
0x26: {  	[spmem:s8] =	stream.linear.scatter [tilespmem:s2], [sflag:$0x2], $0x2800, $0x38;
	[tilespmem:$0x1D000] =	vst v63  }
0x27: {  	_ =	swait.ge [sflag:s25], $0x2800  }
0x28: {  	[sflag:s25] =	ssyncset.done $0x0  }
0x29: {  	[sflag:s25] =	ssyncadd.s32 $0xFFFFD800  }
0x2a: {  	[spmem:s9] =	stream.linear.scatter [tilespmem:s2], [sflag:$0x2], $0x2800, $0x38;
	[tilespmem:$0x1D000] =	vst v63  }
0x2b: {  	_ =	swait.ge [sflag:s25], $0x2800  }
0x2c: {  	[sflag:s25] =	ssyncset.done $0x0  }
0x2d: {  	[sflag:s25] =	ssyncadd.s32 $0xFFFFD800  }
0x2e: {  	[spmem:s10] =	stream.linear.scatter [tilespmem:s2], [sflag:$0x2], $0x2800, $0x38;
	[tilespmem:$0x1D000] =	vst v63  }
0x2f: {  	_ =	swait.ge [sflag:s25], $0x2800  }
0x30: {  	[sflag:s25] =	ssyncset.done $0x0  }
0x31: {  	[sflag:s25] =	ssyncadd.s32 $0xFFFFD800  }
0x32: {  	[spmem:s11] =	stream.linear.scatter [tilespmem:s2], [sflag:$0x2], $0x2800, $0x38;
	[tilespmem:$0x1D000] =	vst v63  }
0x33: {  	_ =	swait.ge [sflag:s25], $0x2800  }
0x34: {  	[sflag:s25] =	ssyncset.done $0x0  }
0x35: {  	[sflag:s25] =	ssyncadd.s32 $0xFFFFD800  }
0x36: {  	[spmem:s12] =	stream.linear.scatter [tilespmem:s2], [sflag:$0x2], $0x2800, $0x38;
	[tilespmem:$0x1D000] =	vst v63  }
0x37: {  	_ =	swait.ge [sflag:s25], $0x2800  }
0x38: {  	[sflag:s25] =	ssyncset.done $0x0  }
0x39: {  	[sflag:s25] =	ssyncadd.s32 $0xFFFFD800  }
0x3a: {  	[spmem:s13] =	stream.linear.scatter [tilespmem:s2], [sflag:$0x2], $0x2800, $0x38;
	[tilespmem:$0x1D000] =	vst v63  }
0x3b: {  	_ =	swait.ge [sflag:s25], $0x2800  }
0x3c: {  	[sflag:s25] =	ssyncset.done $0x0  }
0x3d: {  	[sflag:s25] =	ssyncadd.s32 $0xFFFFD800  }
0x3e: {  	[spmem:s14] =	stream.linear.scatter [tilespmem:s2], [sflag:$0x2], $0x2800, $0x38;
	[tilespmem:$0x1D000] =	vst v63  }
0x3f: {  	_ =	swait.ge [sflag:s25], $0x2800  }
0x40: {  	[sflag:s25] =	ssyncset.done $0x0  }
0x41: {  	[sflag:s25] =	ssyncadd.s32 $0xFFFFD800  }
0x42: {  	[tilespmem:s26], [sflag:$0x2] =	stream.linear.gather [hbm4b:s5+s2], $0x2800, $0x38;
	[tilespmem:$0x1D000] =	vst v63  }
0x43: {  	_ =	swait.ge [sflag:s25], $0x2800  }
0x44: {  	[sflag:s25] =	ssyncset.done $0x0  }
0x45: {  	[sflag:s25] =	ssyncadd.s32 $0xFFFFD800  }
0x46: {  	[bflag:$0x0] =	sbarrier.arrive $0xFFFF  }
0x47: {  	[spmem:s1] =	stream.indirect.scatter.add.f32 [tilespmem:s26], [sflag:$0x1], $0x80, s16, s28, $0xb8;
	[tilespmem:$0x1D000] =	vst v63  }
0x48: {  	_ = 	snop  }
0x49: {  	[spmem:s1] =	stream.indirect.scatter.add.f32 [tilespmem:s26], [sflag:$0x1], $0x80, s29, s28, $0xb8;
	[tilespmem:$0x1D000] =	vst v63  }
0x4a: {  	s0 =	simm.s32 $0x5100  }
0x4b: {  	[spmem:s1] =	stream.indirect.scatter.add.f32 [tilespmem:s26], [sflag:$0x1], $0x80, s0, s28, $0xb8;
	[tilespmem:$0x1D000] =	vst v63  }
0x4c: {  	s0 =	simm.s32 $0x600;
	_ =	swait.ge [sflag:s30], $0x2800  }
.LBB2_2:
0x4d: {  	s3 =	sshra.s32 s0, $0x2;
	[sflag:s30] =	ssyncset.done $0x0;
	p0 =	sne.s32 s0, $0xF800  }
.Ltmp0:
0x4e: {  	s3 =	sadd.s32 $0x5000, s3;
	[sflag:s30] =	ssyncadd.s32 $0xFFFFD800;
	(pc) =	sbr.rel @p0 .LBB2_2-.Ltmp0, $3  }
0x4f: {  	[spmem:s1] =	stream.indirect.scatter.add.f32 [tilespmem:s26], [sflag:$0x1], $0x80, s3, s28, $0xb8;
	[tilespmem:$0x1D000] =	vst v63  }
0x50: {  	s0 =	sadd.s32 $0x200, s0;
	_ =	sdelay $0x1  }
0x51: {  	_ =	swait.ge [sflag:s30], $0x2800  }
0x52: {  	[sflag:s30] =	ssyncset.done $0x0  }
0x53: {  	[sflag:s30] =	ssyncadd.s32 $0xFFFFD800  }
0x54: {  	_ =	swait.ge [sflag:s30], $0x2800  }
0x55: {  	[sflag:s30] =	ssyncset.done $0x0  }
0x56: {  	[sflag:s30] =	ssyncadd.s32 $0xFFFFD800  }
0x57: {  	_ =	swait.ge [sflag:s30], $0x2800  }
0x58: {  	[sflag:s30] =	ssyncset.done $0x0  }
0x59: {  	[sflag:s30] =	ssyncadd.s32 $0xFFFFD800  }
0x5a: {  	[bflag:$0x0] =	sbarrier.arrive $0xFFFF  }
0x5b: {  	[tilespmem:s2], [sflag:$0x2] =	stream.linear.gather [spmem:s7], $0x2800, $0x38;
	[tilespmem:$0x1D000] =	vst v63  }
0x5c: {  	_ =	swait.ge [sflag:s25], $0x2800  }
0x5d: {  	[sflag:s25] =	ssyncset.done $0x0  }
0x5e: {  	[sflag:s25] =	ssyncadd.s32 $0xFFFFD800  }
0x5f: {  	[hbm4b:s17+s2] =	stream.linear.scatter [tilespmem:s2], [sflag:$0x2], $0x2800, $0x38;
	[tilespmem:$0x1D000] =	vst v63  }
0x60: {  	_ =	swait.ge [sflag:s25], $0x2800  }
0x61: {  	[sflag:s25] =	ssyncset.done $0x0  }
0x62: {  	[sflag:s25] =	ssyncadd.s32 $0xFFFFD800  }
0x63: {  	[tilespmem:s2], [sflag:$0x2] =	stream.linear.gather [spmem:s8], $0x2800, $0x38;
	[tilespmem:$0x1D000] =	vst v63  }
0x64: {  	_ =	swait.ge [sflag:s25], $0x2800  }
0x65: {  	[sflag:s25] =	ssyncset.done $0x0  }
0x66: {  	[sflag:s25] =	ssyncadd.s32 $0xFFFFD800  }
0x67: {  	[hbm4b:s18+s2] =	stream.linear.scatter [tilespmem:s2], [sflag:$0x2], $0x2800, $0x38;
	[tilespmem:$0x1D000] =	vst v63  }
0x68: {  	_ =	swait.ge [sflag:s25], $0x2800  }
0x69: {  	[sflag:s25] =	ssyncset.done $0x0  }
0x6a: {  	[sflag:s25] =	ssyncadd.s32 $0xFFFFD800  }
0x6b: {  	[tilespmem:s2], [sflag:$0x2] =	stream.linear.gather [spmem:s9], $0x2800, $0x38;
	[tilespmem:$0x1D000] =	vst v63  }
0x6c: {  	_ =	swait.ge [sflag:s25], $0x2800  }
0x6d: {  	[sflag:s25] =	ssyncset.done $0x0  }
0x6e: {  	[sflag:s25] =	ssyncadd.s32 $0xFFFFD800  }
0x6f: {  	[hbm4b:s19+s2] =	stream.linear.scatter [tilespmem:s2], [sflag:$0x2], $0x2800, $0x38;
	[tilespmem:$0x1D000] =	vst v63  }
0x70: {  	_ =	swait.ge [sflag:s25], $0x2800  }
0x71: {  	[sflag:s25] =	ssyncset.done $0x0  }
0x72: {  	[sflag:s25] =	ssyncadd.s32 $0xFFFFD800  }
0x73: {  	[tilespmem:s2], [sflag:$0x2] =	stream.linear.gather [spmem:s10], $0x2800, $0x38;
	[tilespmem:$0x1D000] =	vst v63  }
0x74: {  	_ =	swait.ge [sflag:s25], $0x2800  }
0x75: {  	[sflag:s25] =	ssyncset.done $0x0  }
0x76: {  	[sflag:s25] =	ssyncadd.s32 $0xFFFFD800  }
0x77: {  	[hbm4b:s20+s2] =	stream.linear.scatter [tilespmem:s2], [sflag:$0x2], $0x2800, $0x38;
	[tilespmem:$0x1D000] =	vst v63  }
0x78: {  	_ =	swait.ge [sflag:s25], $0x2800  }
0x79: {  	[sflag:s25] =	ssyncset.done $0x0  }
0x7a: {  	[sflag:s25] =	ssyncadd.s32 $0xFFFFD800  }
0x7b: {  	[tilespmem:s2], [sflag:$0x2] =	stream.linear.gather [spmem:s11], $0x2800, $0x38;
	[tilespmem:$0x1D000] =	vst v63  }
0x7c: {  	_ =	swait.ge [sflag:s25], $0x2800  }
0x7d: {  	[sflag:s25] =	ssyncset.done $0x0  }
0x7e: {  	[sflag:s25] =	ssyncadd.s32 $0xFFFFD800  }
0x7f: {  	[hbm4b:s21+s2] =	stream.linear.scatter [tilespmem:s2], [sflag:$0x2], $0x2800, $0x38;
	[tilespmem:$0x1D000] =	vst v63  }
0x80: {  	_ =	swait.ge [sflag:s25], $0x2800  }
0x81: {  	[sflag:s25] =	ssyncset.done $0x0  }
0x82: {  	[sflag:s25] =	ssyncadd.s32 $0xFFFFD800  }
0x83: {  	[tilespmem:s2], [sflag:$0x2] =	stream.linear.gather [spmem:s12], $0x2800, $0x38;
	[tilespmem:$0x1D000] =	vst v63  }
0x84: {  	_ =	swait.ge [sflag:s25], $0x2800  }
0x85: {  	[sflag:s25] =	ssyncset.done $0x0  }
0x86: {  	[sflag:s25] =	ssyncadd.s32 $0xFFFFD800  }
0x87: {  	[hbm4b:s22+s2] =	stream.linear.scatter [tilespmem:s2], [sflag:$0x2], $0x2800, $0x38;
	[tilespmem:$0x1D000] =	vst v63  }
0x88: {  	_ =	swait.ge [sflag:s25], $0x2800  }
0x89: {  	[sflag:s25] =	ssyncset.done $0x0  }
0x8a: {  	[sflag:s25] =	ssyncadd.s32 $0xFFFFD800  }
0x8b: {  	[tilespmem:s2], [sflag:$0x2] =	stream.linear.gather [spmem:s13], $0x2800, $0x38;
	[tilespmem:$0x1D000] =	vst v63  }
0x8c: {  	_ =	swait.ge [sflag:s25], $0x2800  }
0x8d: {  	[sflag:s25] =	ssyncset.done $0x0  }
0x8e: {  	[sflag:s25] =	ssyncadd.s32 $0xFFFFD800  }
0x8f: {  	[hbm4b:s23+s2] =	stream.linear.scatter [tilespmem:s2], [sflag:$0x2], $0x2800, $0x38;
	[tilespmem:$0x1D000] =	vst v63  }
0x90: {  	_ =	swait.ge [sflag:s25], $0x2800  }
0x91: {  	[sflag:s25] =	ssyncset.done $0x0  }
0x92: {  	[sflag:s25] =	ssyncadd.s32 $0xFFFFD800  }
0x93: {  	[tilespmem:s2], [sflag:$0x2] =	stream.linear.gather [spmem:s14], $0x2800, $0x38;
	[tilespmem:$0x1D000] =	vst v63  }
0x94: {  	s31 =	sadd.s32 $0x1, s31;
	_ =	swait.ge [sflag:s25], $0x2800  }
0x95: {  	p0 =	sne.s32 s31, s15;
	[sflag:s25] =	ssyncset.done $0x0  }
.Ltmp1:
0x96: {  	[sflag:s25] =	ssyncadd.s32 $0xFFFFD800;
	(pc) =	sbr.rel @p0 .LBB2_1-.Ltmp1, $4  }
0x97: {  	[hbm4b:s24+s2] =	stream.linear.scatter [tilespmem:s2], [sflag:$0x2], $0x2800, $0x38;
	[tilespmem:$0x1D000] =	vst v63  }
0x98: {  	_ =	swait.ge [sflag:s25], $0x2800  }
0x99: {  	[sflag:s25] =	ssyncset.done $0x0  }
0x9a: {  	[sflag:s25] =	ssyncadd.s32 $0xFFFFD800  }
0x9b: {  	_ =	sfence.sel $0x180000  }
0x9c: {  	[bflag:$0x0] =	sbarrier.arrive $0xFFFF  }
0x9d: {  	_ =	strace $0x90000047  }
0x9e: {  	s0 =	stileid.u32;
	[bflag:$0x2] =	sbarrier.arrive $0xFFFF  }
0x9f: {  	p0 =	sne.s32 s0, $0x0;
	s0 =	rddreg [dreg:$0x3]  }
0xa0: {  	s0 =	sadd.s32 @!p0 $0x100000, s0  }
0xa1: {  	[sflag:s0] =	ssyncadd.tile.s32 @!p0 $0x1;
	_ =	shalt  }
.Lfunc_end2:
_tile_overlayer_lowered:
.L_overlay_start_2:
0xa2: {  	(tag) =	ssettag $0x2  }
0xa3: {  	s0 =	rddreg [dreg:$0x0];
	s2 =	stileid.u32  }
0xa4: {  	s1 =	rddreg [dreg:$0x1];
	p0 =	sne.s32 s2, $0x0  }
0xa5: {  	s3 =	rddreg [dreg:$0x2];
	[bflag:$0x3] =	sbarrier.arrive $0xFFFF;
	s2 =	simm.s32 @!p0 $0x1C02  }
0xa6: {  	[timem:s3], [sflag:s2] =	dma.local @!p0 [hbm:s0], s1  }
0xa7: {  	s0 =	simm.s32 @!p0 $0x2  }
0xa8: {  	_ =	swait.ge @!p0 [sflag:s0], s1  }
0xa9: {  	s1 =	ssub.s32 @!p0 $0x0, s1;
	[sflag:s0] =	ssyncset.done @!p0 $0x0  }
0xaa: {  	[sflag:s0] =	ssyncadd.s32 @!p0 s1  }
0xab: {  	[bflag:$0x3] =	sbarrier.arrive $0xFFFF  }
0xac: {  	_ =	shalt  }

</sc_bundles>
